<compile_context>
chip_gen: v7x
topology: tpu7x:2x2x1
jax: 0.10.2.dev20260603
libtpu: 0.0.44.dev20260713+nightly
codegen_flags: <defaults>
</compile_context>

<pallas_src>
import functools

import jax
import jax.numpy as jnp
from jax import lax
from jax.experimental import pallas as pl
from jax.experimental.pallas import tpu as pltpu
from jax.experimental.pallas import tpu_sc as plsc

H = 128
_NC, _NS = 2, 16
_NW = _NC * _NS


def _sc_gather2(table, idx_a, idx_b, block):
    B = idx_a.shape[0]
    D = table.shape[1]
    b_per_w = B // _NW
    block = min(block, b_per_w)
    nchunk = b_per_w // block
    assert b_per_w % block == 0 and block % 8 == 0
    mesh = plsc.VectorSubcoreMesh(core_axis_name="c", subcore_axis_name="s")
    out = jax.ShapeDtypeStruct((B, D), jnp.float32)

    @functools.partial(
        pl.kernel,
        out_type=(out, out),
        mesh=mesh,
        scratch_types=[
            pltpu.VMEM((block,), jnp.int32),
            pltpu.VMEM((block,), jnp.int32),
            pltpu.VMEM((block, D), jnp.float32),
            pltpu.VMEM((block, D), jnp.float32),
            pltpu.SemaphoreType.DMA,
            pltpu.SemaphoreType.DMA,
        ],
        compiler_params=pltpu.CompilerParams(use_tc_tiling_on_sc=False),
    )
    def k(table_hbm, ia_hbm, ib_hbm, oa_hbm, ob_hbm,
          ia_v, ib_v, ra_v, rb_v, sa, sb):
        wid = lax.axis_index("s") * _NC + lax.axis_index("c")
        base = wid * b_per_w

        def body(i, carry):
            off = base + i * block
            pltpu.sync_copy(ia_hbm.at[pl.ds(off, block)], ia_v)
            cpa = pltpu.async_copy(table_hbm.at[ia_v], ra_v, sa)
            pltpu.sync_copy(ib_hbm.at[pl.ds(off, block)], ib_v)
            cpb = pltpu.async_copy(table_hbm.at[ib_v], rb_v, sb)
            cpa.wait()
            pltpu.sync_copy(ra_v, oa_hbm.at[pl.ds(off, block)])
            cpb.wait()
            pltpu.sync_copy(rb_v, ob_hbm.at[pl.ds(off, block)])
            return carry

        lax.fori_loop(0, nchunk, body, 0)

    return k(table, idx_a, idx_b)


def _silu(x):
    return x * jax.nn.sigmoid(x)


def _sc_node_scatter(pay, dst, N):
    E = pay.shape[0]
    C = 128
    nchunks = E // C
    base_k, extra = nchunks // _NS, nchunks % _NS
    rows_w = N // _NS
    zeros = jnp.zeros((N, H), jnp.float32)
    mesh = plsc.VectorSubcoreMesh(core_axis_name="c", subcore_axis_name="s")

    @functools.partial(
        pl.kernel,
        out_type=jax.ShapeDtypeStruct((N, 4 * H), jnp.float32),
        mesh=mesh,
        scratch_types=[
            pltpu.VMEM_SHARED((N, H), jnp.float32),
            pltpu.VMEM((C,), jnp.int32),
            pltpu.VMEM((C, H), jnp.float32),
        ],
        compiler_params=pltpu.CompilerParams(use_tc_tiling_on_sc=False),
    )
    def k(pay_hbm, dst_hbm, zero_hbm, out_hbm, acc, idx_v, pay_v):
        c = lax.axis_index("c")
        sid = lax.axis_index("s")
        nk = base_k + jnp.where(sid < extra, 1, 0)
        r0 = sid * rows_w

        for p in range(2):
            g = 2 * c + p
            col = g * H
            pltpu.sync_copy(zero_hbm.at[pl.ds(r0, rows_w)],
                            acc.at[pl.ds(r0, rows_w)])
            plsc.subcore_barrier()

            def body(j, carry):
                k_ = sid + j * _NS
                off = k_ * C
                pltpu.sync_copy(dst_hbm.at[pl.ds(off, C)], idx_v)
                pltpu.sync_copy(pay_hbm.at[pl.ds(off, C), pl.ds(col, H)],
                                pay_v)
                pltpu.sync_copy(pay_v, acc.at[idx_v], add=True)
                return carry

            lax.fori_loop(0, nk, body, 0)
            plsc.subcore_barrier()
            pltpu.sync_copy(acc.at[pl.ds(r0, rows_w)],
                            out_hbm.at[pl.ds(r0, rows_w), pl.ds(col, H)])
            plsc.subcore_barrier()

    return k(pay, dst, zeros)


def _triplet_body(gkj_ref, gji_ref, af_ref, w1a_ref, w1b_ref, w1c_ref,
                  b1_ref, w2_ref, b2_ref, o_ref):
    h = (
        jnp.dot(gkj_ref[...], w1a_ref[...], preferred_element_type=jnp.float32)
        + jnp.dot(gji_ref[...], w1b_ref[...], preferred_element_type=jnp.float32)
        + jnp.dot(af_ref[...], w1c_ref[...], preferred_element_type=jnp.float32)
        + b1_ref[...]
    )
    h = _silu(h)
    o_ref[...] = (
        jnp.dot(h, w2_ref[...], preferred_element_type=jnp.float32) + b2_ref[...]
    )


def _triplet_mlp(g_kj, g_ji, angle_feat, tW1, tb1, tW2, tb2, block=1600):
    T = g_kj.shape[0]
    grid = T // block
    nspec = pl.BlockSpec((block, 16), lambda i: (i, 0))
    wspec = pl.BlockSpec((16, H), lambda i: (0, 0))
    bspec = pl.BlockSpec((H,), lambda i: (0,))
    return pl.pallas_call(
        _triplet_body,
        grid=(grid,),
        in_specs=[
            nspec, nspec, nspec,
            wspec, wspec, wspec, bspec,
            pl.BlockSpec((H, H), lambda i: (0, 0)),
            bspec,
        ],
        out_specs=pl.BlockSpec((block, H), lambda i: (i, 0)),
        out_shape=jax.ShapeDtypeStruct((T, H), jnp.float32),
    )(g_kj, g_ji, angle_feat, tW1[:16], tW1[16:32], tW1[32:], tb1, tW2, tb2)


def _edge_body(gs_ref, gd_ref, rbf_ref, agg_ref, dir_ref, w1s_ref, w1d_ref,
               w1r_ref, w1a_ref, b1_ref, w2_ref, b2_ref, o_ref):
    h = (
        jnp.dot(gs_ref[...], w1s_ref[...], preferred_element_type=jnp.float32)
        + jnp.dot(gd_ref[...], w1d_ref[...], preferred_element_type=jnp.float32)
        + jnp.dot(rbf_ref[...], w1r_ref[...], preferred_element_type=jnp.float32)
        + jnp.dot(agg_ref[...], w1a_ref[...], preferred_element_type=jnp.float32)
        + b1_ref[...]
    )
    h = _silu(h)
    msg = jnp.dot(h, w2_ref[...], preferred_element_type=jnp.float32) + b2_ref[...]
    m_s, coeff = msg[:, :H], msg[:, H:]
    d = dir_ref[...]
    o_ref[...] = jnp.concatenate(
        [m_s, coeff * d[:, 0:1], coeff * d[:, 1:2], coeff * d[:, 2:3]], axis=-1)


def _edge_mlp(gs, gd, rbf, agg, edge_dir, mW1, mb1, mW2, mb2, block=1600):
    E = gs.shape[0]
    grid = E // block
    hspec = pl.BlockSpec((block, H), lambda i: (i, 0))
    wspec = pl.BlockSpec((H, H), lambda i: (0, 0))
    return pl.pallas_call(
        _edge_body,
        grid=(grid,),
        in_specs=[
            hspec,
            hspec,
            pl.BlockSpec((block, 16), lambda i: (i, 0)),
            hspec,
            pl.BlockSpec((block, 3), lambda i: (i, 0)),
            wspec, wspec,
            pl.BlockSpec((16, H), lambda i: (0, 0)),
            wspec,
            pl.BlockSpec((H,), lambda i: (0,)),
            pl.BlockSpec((H, 2 * H), lambda i: (0, 0)),
            pl.BlockSpec((2 * H,), lambda i: (0,)),
        ],
        out_specs=pl.BlockSpec((block, 4 * H), lambda i: (i, 0)),
        out_shape=jax.ShapeDtypeStruct((E, 4 * H), jnp.float32),
    )(gs, gd, rbf, agg, edge_dir, mW1[:H], mW1[H:2 * H], mW1[2 * H:2 * H + 16],
      mW1[2 * H + 16:], mb1, mW2, mb2)


def _node_body(
    s_ref, agg_ref, vT_ref,
    uw1s_ref, uw1a_ref, uw1n_ref, ub1_ref, uw2_ref, ub2_ref,
    gw1s_ref, gw1a_ref, gw1n_ref, gb1_ref, gw2_ref, gb2_ref,
    lng_ref, lnb_ref,
    so_ref, vo_ref,
):
    s = s_ref[...]
    aggs = agg_ref[:, :H]
    vx, vy, vz = vT_ref[0], vT_ref[1], vT_ref[2]
    vn = jnp.sqrt(vx * vx + vy * vy + vz * vz)

    def mlp(w1s, w1a, w1n, b1, w2, b2):
        h = (
            jnp.dot(s, w1s, preferred_element_type=jnp.float32)
            + jnp.dot(aggs, w1a, preferred_element_type=jnp.float32)
            + jnp.dot(vn, w1n, preferred_element_type=jnp.float32)
            + b1
        )
        h = _silu(h)
        return jnp.dot(h, w2, preferred_element_type=jnp.float32) + b2

    s_out = s + mlp(uw1s_ref[...], uw1a_ref[...], uw1n_ref[...], ub1_ref[...],
                    uw2_ref[...], ub2_ref[...])
    gate = jax.nn.sigmoid(
        mlp(gw1s_ref[...], gw1a_ref[...], gw1n_ref[...], gb1_ref[...],
            gw2_ref[...], gb2_ref[...])
    )
    mu = jnp.mean(s_out, axis=-1, keepdims=True)
    var = jnp.mean((s_out - mu) ** 2, axis=-1, keepdims=True)
    s_out = (s_out - mu) * jax.lax.rsqrt(var + 1e-5) * lng_ref[...] + lnb_ref[...]
    so_ref[...] = _silu(s_out)
    vo_ref[0] = vx + gate * agg_ref[:, H:2 * H]
    vo_ref[1] = vy + gate * agg_ref[:, 2 * H:3 * H]
    vo_ref[2] = vz + gate * agg_ref[:, 3 * H:]


def _node_update(s, agg, vT, uW1, ub1, uW2, ub2, gW1, gb1, gW2, gb2,
                 ln_g, ln_b, block=1000):
    N = s.shape[0]
    grid = N // block
    wspec = pl.BlockSpec((H, H), lambda i: (0, 0))
    bspec = pl.BlockSpec((H,), lambda i: (0,))
    return pl.pallas_call(
        _node_body,
        grid=(grid,),
        in_specs=[
            pl.BlockSpec((block, H), lambda i: (i, 0)),
            pl.BlockSpec((block, 4 * H), lambda i: (i, 0)),
            pl.BlockSpec((3, block, H), lambda i: (0, i, 0)),
            wspec, wspec, wspec, bspec, wspec, bspec,
            wspec, wspec, wspec, bspec, wspec, bspec,
            bspec, bspec,
        ],
        out_specs=[
            pl.BlockSpec((block, H), lambda i: (i, 0)),
            pl.BlockSpec((3, block, H), lambda i: (0, i, 0)),
        ],
        out_shape=[
            jax.ShapeDtypeStruct((N, H), jnp.float32),
            jax.ShapeDtypeStruct((3, N, H), jnp.float32),
        ],
    )(
        s, agg, vT,
        uW1[:H], uW1[H:2 * H], uW1[2 * H:], ub1, uW2, ub2,
        gW1[:H], gW1[H:2 * H], gW1[2 * H:], gb1, gW2, gb2,
        ln_g, ln_b,
    )


def kernel(s, v, edge_index, edge_rbf, edge_dir, triplet_kj, triplet_ji,
           angle_feat, tW1, tb1, tW2, tb2, mW1, mb1, mW2, mb2,
           uW1, ub1, uW2, ub2, gW1, gb1, gW2, gb2, ln_g, ln_b):
    E = edge_rbf.shape[0]
    N = s.shape[0]

    g_kj, g_ji = _sc_gather2(edge_rbf, triplet_kj, triplet_ji, block=2000)
    t_msg = _triplet_mlp(g_kj, g_ji, angle_feat, tW1, tb1, tW2, tb2)
    angle_agg = jnp.zeros((E, H), jnp.float32).at[triplet_ji].add(t_msg)

    src, dst = edge_index[0], edge_index[1]
    gs_src, gs_dst = _sc_gather2(s, src, dst, block=400)
    pay = _edge_mlp(gs_src, gs_dst, edge_rbf, angle_agg, edge_dir,
                    mW1, mb1, mW2, mb2)

    agg = _sc_node_scatter(pay, dst, N)

    vT = v.transpose(2, 0, 1)
    s_out, v_outT = _node_update(s, agg, vT, uW1, ub1, uW2, ub2,
                                 gW1, gb1, gW2, gb2, ln_g, ln_b)
    return s_out, v_outT.transpose(1, 2, 0)

# --- scband reference (transcript-rebuilt; emitter-appended) ---
"""Pipeline reference for scband-equi-block3-body-50929722196748 (READ-ONLY COPY).

The authoritative reference and input builder live on the scoring server;
editing this copy changes nothing except your own understanding.
"""

import jax, jax.numpy as jnp
import numpy as np

N, H, E, T = 10000, 128, 320000, 640000
ED, AB = 16, 16

def _linear(x, W, b):
    return x @ W + b

def _silu(x):
    return x * jax.nn.sigmoid(x)

def setup_inputs(seed: int = 0):
    key = jax.random.key(seed)
    ks = jax.random.split(key, 20)
    def gl(k, fan_in, shape):
        return jax.random.normal(k, shape, jnp.float32) / np.sqrt(fan_in)
    inp = {
        "s": jax.random.normal(ks[0], (N, H), jnp.float32),
        "v": jax.random.normal(ks[1], (N, H, 3), jnp.float32),
        "edge_index": jax.random.randint(ks[2], (2, E), 0, N, dtype=jnp.int32),
        "edge_rbf": jax.random.uniform(ks[3], (E, ED), jnp.float32),
        "edge_dir": jax.random.normal(ks[4], (E, 3), jnp.float32),
        "triplet_kj": jax.random.randint(ks[5], (T,), 0, E, dtype=jnp.int32),
        "triplet_ji": jax.random.randint(ks[6], (T,), 0, E, dtype=jnp.int32),
        "angle_feat": jax.random.uniform(ks[7], (T, AB), jnp.float32),
        "tW1": gl(ks[8], 2 * ED + AB, (2 * ED + AB, H)), "tb1": jnp.zeros((H,), jnp.float32),
        "tW2": gl(ks[9], H, (H, H)), "tb2": jnp.zeros((H,), jnp.float32),
        "mW1": gl(ks[10], 3 * H + ED, (3 * H + ED, H)), "mb1": jnp.zeros((H,), jnp.float32),
        "mW2": gl(ks[11], H, (H, 2 * H)), "mb2": jnp.zeros((2 * H,), jnp.float32),
        "uW1": gl(ks[12], 3 * H, (3 * H, H)), "ub1": jnp.zeros((H,), jnp.float32),
        "uW2": gl(ks[13], H, (H, H)), "ub2": jnp.zeros((H,), jnp.float32),
        "gW1": gl(ks[14], 3 * H, (3 * H, H)), "gb1": jnp.zeros((H,), jnp.float32),
        "gW2": gl(ks[15], H, (H, H)), "gb2": jnp.zeros((H,), jnp.float32),
        "ln_g": jnp.ones((H,), jnp.float32), "ln_b": jnp.zeros((H,), jnp.float32),
    }
    return inp

def reference(s, v, edge_index, edge_rbf, edge_dir, triplet_kj, triplet_ji, angle_feat, tW1, tb1, tW2, tb2, mW1, mb1, mW2, mb2, uW1, ub1, uW2, ub2, gW1, gb1, gW2, gb2, ln_g, ln_b):
    # triplet (3-body) angular messages aggregated onto edges
    t_in = jnp.concatenate([edge_rbf[triplet_kj], edge_rbf[triplet_ji], angle_feat], axis=-1)
    t_msg = _linear(_silu(_linear(t_in, tW1, tb1)), tW2, tb2)
    angle_agg = jnp.zeros((E, H), jnp.float32).at[triplet_ji].add(t_msg)
    src, dst = edge_index[0], edge_index[1]
    # edge messages
    msg_in = jnp.concatenate([s[src], s[dst], edge_rbf, angle_agg], axis=-1)
    msg = _linear(_silu(_linear(msg_in, mW1, mb1)), mW2, mb2)
    m_s, m_v_coeff = msg[:, :H], msg[:, H:]
    agg_s = jnp.zeros((N, H), jnp.float32).at[dst].add(m_s)
    m_v = m_v_coeff[:, :, None] * edge_dir[:, None, :]
    agg_v = jnp.zeros((N, H * 3), jnp.float32).at[dst].add(m_v.reshape(E, H * 3)).reshape(N, H, 3)
    # node updates
    v_norm = jnp.linalg.norm(v, axis=-1)
    ctx = jnp.concatenate([s, agg_s, v_norm], axis=-1)
    s_out = s + _linear(_silu(_linear(ctx, uW1, ub1)), uW2, ub2)
    gate = jax.nn.sigmoid(_linear(_silu(_linear(ctx, gW1, gb1)), gW2, gb2))
    v_out = v + gate[:, :, None] * agg_v
    mu = jnp.mean(s_out, axis=-1, keepdims=True)
    var = jnp.var(s_out, axis=-1, keepdims=True)
    s_out = (s_out - mu) / jnp.sqrt(var + 1e-5) * ln_g + ln_b
    s_out = _silu(s_out)
    # dropout is a no-op in eval mode
    return (s_out, v_out)

if __name__ == "__main__":
    import jax
    _d = setup_inputs()
    print(jax.jit(kernel)(*tuple(_d.values())))

</pallas_src>

<mosaic_0001>
#map = affine_map<(d0, d1) -> (0, 0)>
#map1 = affine_map<(d0, d1) -> (0)>
module attributes {stable_mosaic.version = 14 : i64} {
  func.func @k(%arg0: i32, %arg1: i32, %arg2: memref<10000x128xf32, #tpu.memory_space<hbm>>, %arg3: memref<320000xi32, #tpu.memory_space<hbm>>, %arg4: memref<320000xi32, #tpu.memory_space<hbm>>, %arg5: memref<320000x128xf32, #tpu.memory_space<hbm>>, %arg6: memref<320000x128xf32, #tpu.memory_space<hbm>>, %arg7: memref<400xi32, #tpu.memory_space<vmem>>, %arg8: memref<400xi32, #tpu.memory_space<vmem>>, %arg9: memref<400x128xf32, #tpu.memory_space<vmem>>, %arg10: memref<400x128xf32, #tpu.memory_space<vmem>>, %arg11: memref<!tpu.dma_semaphore, #tpu.memory_space<semaphore_mem>>, %arg12: memref<!tpu.dma_semaphore, #tpu.memory_space<semaphore_mem>>) attributes {dimension_semantics = [#tpu.dimension_semantics<core_parallel>, #tpu.dimension_semantics<subcore_parallel>], iteration_bounds = array<i64: 2, 16>, scalar_prefetch = 0 : i64, scratch_operands = 6 : i64, tpu.core_type = #tpu.core_type<sc_vector_subcore>, window_params = [{transform_indices = #map}, {transform_indices = #map1}, {transform_indices = #map1}, {transform_indices = #map}, {transform_indices = #map}]} {
    %mul3A = arith.constant 2 : i32
    %mul3A_0 = arith.muli %arg1, %mul3A : i32
    %add3A = arith.addi %mul3A_0, %arg0 : i32
    %mul3A_1 = arith.constant 10000 : i32
    %mul3A_2 = arith.muli %add3A, %mul3A_1 : i32
    %scan3A = arith.constant 0 : i32
    %scan3A_3 = arith.constant 0 : i32
    %scan3A_4 = arith.constant 25 : i32
    %scan3A_5 = arith.addi %scan3A_3, %scan3A_4 : i32
    %scan3A_6 = arith.constant 1 : i32
    scf.for %scan3A_8 = %scan3A_3 to %scan3A_5 step %scan3A_6  : i32 {
      %mul3A_9 = arith.constant 400 : i32
      %mul3A_10 = arith.muli %scan3A_8, %mul3A_9 : i32
      %add3A_11 = arith.addi %mul3A_2, %mul3A_10 : i32
      "tpu.region"() ({
        %run_scoped3A = tpu.sem_alloc : memref<!tpu.dma_semaphore, #tpu.memory_space<semaphore_mem>>
        %dma_start3A_22 = tpu.memref_slice %arg3[%add3A_11] : memref<320000xi32, #tpu.memory_space<hbm>> -> memref<400xi32, #tpu.memory_space<hbm>>
        %dma_start3A_23 = tpu.memref_slice %arg3[%add3A_11] : memref<320000xi32, #tpu.memory_space<hbm>> -> memref<400xi32, #tpu.memory_space<hbm>>
        tpu.enqueue_dma source(%dma_start3A_23 : memref<400xi32, #tpu.memory_space<hbm>>) target(%arg7 : memref<400xi32, #tpu.memory_space<vmem>>) target_semaphore(%run_scoped3A : memref<!tpu.dma_semaphore, #tpu.memory_space<semaphore_mem>>)
        %dma_wait3A_24 = tpu.memref_slice %arg3[%add3A_11] : memref<320000xi32, #tpu.memory_space<hbm>> -> memref<400xi32, #tpu.memory_space<hbm>>
        %dma_wait3A_25 = tpu.memref_slice %arg3[%add3A_11] : memref<320000xi32, #tpu.memory_space<hbm>> -> memref<400xi32, #tpu.memory_space<hbm>>
        tpu.wait_dma2 semaphore(%run_scoped3A : memref<!tpu.dma_semaphore, #tpu.memory_space<semaphore_mem>>) src(%dma_wait3A_25 : memref<400xi32, #tpu.memory_space<hbm>>) dst(%arg7 : memref<400xi32, #tpu.memory_space<vmem>>)
        tpu.yield
      }) : () -> ()
      %dma_start3A = arith.constant 0 : i32
      %dma_start3A_12 = arith.constant 0 : i32
      %dma_start3A_13 = tpu.memref_slice %arg2[%dma_start3A, %dma_start3A_12] : memref<10000x128xf32, #tpu.memory_space<hbm>> -> memref<10000x128xf32, #tpu.memory_space<hbm>>
      tpu.enqueue_indirect_dma source(%dma_start3A_13 : memref<10000x128xf32, #tpu.memory_space<hbm>>) target(%arg9 : memref<400x128xf32, #tpu.memory_space<vmem>>) offsets(%arg7 : memref<400xi32, #tpu.memory_space<vmem>>) semaphore(%arg11 : memref<!tpu.dma_semaphore, #tpu.memory_space<semaphore_mem>>)
      "tpu.region"() ({
        %run_scoped3A = tpu.sem_alloc : memref<!tpu.dma_semaphore, #tpu.memory_space<semaphore_mem>>
        %dma_start3A_22 = tpu.memref_slice %arg4[%add3A_11] : memref<320000xi32, #tpu.memory_space<hbm>> -> memref<400xi32, #tpu.memory_space<hbm>>
        %dma_start3A_23 = tpu.memref_slice %arg4[%add3A_11] : memref<320000xi32, #tpu.memory_space<hbm>> -> memref<400xi32, #tpu.memory_space<hbm>>
        tpu.enqueue_dma source(%dma_start3A_23 : memref<400xi32, #tpu.memory_space<hbm>>) target(%arg8 : memref<400xi32, #tpu.memory_space<vmem>>) target_semaphore(%run_scoped3A : memref<!tpu.dma_semaphore, #tpu.memory_space<semaphore_mem>>)
        %dma_wait3A_24 = tpu.memref_slice %arg4[%add3A_11] : memref<320000xi32, #tpu.memory_space<hbm>> -> memref<400xi32, #tpu.memory_space<hbm>>
        %dma_wait3A_25 = tpu.memref_slice %arg4[%add3A_11] : memref<320000xi32, #tpu.memory_space<hbm>> -> memref<400xi32, #tpu.memory_space<hbm>>
        tpu.wait_dma2 semaphore(%run_scoped3A : memref<!tpu.dma_semaphore, #tpu.memory_space<semaphore_mem>>) src(%dma_wait3A_25 : memref<400xi32, #tpu.memory_space<hbm>>) dst(%arg8 : memref<400xi32, #tpu.memory_space<vmem>>)
        tpu.yield
      }) : () -> ()
      %dma_start3A_14 = arith.constant 0 : i32
      %dma_start3A_15 = arith.constant 0 : i32
      %dma_start3A_16 = tpu.memref_slice %arg2[%dma_start3A_14, %dma_start3A_15] : memref<10000x128xf32, #tpu.memory_space<hbm>> -> memref<10000x128xf32, #tpu.memory_space<hbm>>
      tpu.enqueue_indirect_dma source(%dma_start3A_16 : memref<10000x128xf32, #tpu.memory_space<hbm>>) target(%arg10 : memref<400x128xf32, #tpu.memory_space<vmem>>) offsets(%arg8 : memref<400xi32, #tpu.memory_space<vmem>>) semaphore(%arg12 : memref<!tpu.dma_semaphore, #tpu.memory_space<semaphore_mem>>)
      %dma_wait3A = arith.constant 0 : i32
      %dma_wait3A_17 = arith.constant 0 : i32
      %dma_wait3A_18 = tpu.memref_slice %arg2[%dma_wait3A, %dma_wait3A_17] : memref<10000x128xf32, #tpu.memory_space<hbm>> -> memref<10000x128xf32, #tpu.memory_space<hbm>>
      tpu.wait_indirect_dma semaphore(%arg11 : memref<!tpu.dma_semaphore, #tpu.memory_space<semaphore_mem>>) src(%dma_wait3A_18 : memref<10000x128xf32, #tpu.memory_space<hbm>>) dst(%arg9 : memref<400x128xf32, #tpu.memory_space<vmem>>)
      "tpu.region"() ({
        %run_scoped3A = tpu.sem_alloc : memref<!tpu.dma_semaphore, #tpu.memory_space<semaphore_mem>>
        %dma_start3A_22 = arith.constant 0 : i32
        %dma_start3A_23 = tpu.memref_slice %arg5[%add3A_11, %dma_start3A_22] : memref<320000x128xf32, #tpu.memory_space<hbm>> -> memref<400x128xf32, #tpu.memory_space<hbm>>
        %dma_start3A_24 = arith.constant 0 : i32
        %dma_start3A_25 = tpu.memref_slice %arg5[%add3A_11, %dma_start3A_24] : memref<320000x128xf32, #tpu.memory_space<hbm>> -> memref<400x128xf32, #tpu.memory_space<hbm>>
        tpu.enqueue_dma source(%arg9 : memref<400x128xf32, #tpu.memory_space<vmem>>) target(%dma_start3A_25 : memref<400x128xf32, #tpu.memory_space<hbm>>) target_semaphore(%run_scoped3A : memref<!tpu.dma_semaphore, #tpu.memory_space<semaphore_mem>>)
        %dma_wait3A_26 = arith.constant 0 : i32
        %dma_wait3A_27 = tpu.memref_slice %arg5[%add3A_11, %dma_wait3A_26] : memref<320000x128xf32, #tpu.memory_space<hbm>> -> memref<400x128xf32, #tpu.memory_space<hbm>>
        %dma_wait3A_28 = arith.constant 0 : i32
        %dma_wait3A_29 = tpu.memref_slice %arg5[%add3A_11, %dma_wait3A_28] : memref<320000x128xf32, #tpu.memory_space<hbm>> -> memref<400x128xf32, #tpu.memory_space<hbm>>
        tpu.wait_dma2 semaphore(%run_scoped3A : memref<!tpu.dma_semaphore, #tpu.memory_space<semaphore_mem>>) src(%arg9 : memref<400x128xf32, #tpu.memory_space<vmem>>) dst(%dma_wait3A_29 : memref<400x128xf32, #tpu.memory_space<hbm>>)
        tpu.yield
      }) : () -> ()
      %dma_wait3A_19 = arith.constant 0 : i32
      %dma_wait3A_20 = arith.constant 0 : i32
      %dma_wait3A_21 = tpu.memref_slice %arg2[%dma_wait3A_19, %dma_wait3A_20] : memref<10000x128xf32, #tpu.memory_space<hbm>> -> memref<10000x128xf32, #tpu.memory_space<hbm>>
      tpu.wait_indirect_dma semaphore(%arg12 : memref<!tpu.dma_semaphore, #tpu.memory_space<semaphore_mem>>) src(%dma_wait3A_21 : memref<10000x128xf32, #tpu.memory_space<hbm>>) dst(%arg10 : memref<400x128xf32, #tpu.memory_space<vmem>>)
      "tpu.region"() ({
        %run_scoped3A = tpu.sem_alloc : memref<!tpu.dma_semaphore, #tpu.memory_space<semaphore_mem>>
        %dma_start3A_22 = arith.constant 0 : i32
        %dma_start3A_23 = tpu.memref_slice %arg6[%add3A_11, %dma_start3A_22] : memref<320000x128xf32, #tpu.memory_space<hbm>> -> memref<400x128xf32, #tpu.memory_space<hbm>>
        %dma_start3A_24 = arith.constant 0 : i32
        %dma_start3A_25 = tpu.memref_slice %arg6[%add3A_11, %dma_start3A_24] : memref<320000x128xf32, #tpu.memory_space<hbm>> -> memref<400x128xf32, #tpu.memory_space<hbm>>
        tpu.enqueue_dma source(%arg10 : memref<400x128xf32, #tpu.memory_space<vmem>>) target(%dma_start3A_25 : memref<400x128xf32, #tpu.memory_space<hbm>>) target_semaphore(%run_scoped3A : memref<!tpu.dma_semaphore, #tpu.memory_space<semaphore_mem>>)
        %dma_wait3A_26 = arith.constant 0 : i32
        %dma_wait3A_27 = tpu.memref_slice %arg6[%add3A_11, %dma_wait3A_26] : memref<320000x128xf32, #tpu.memory_space<hbm>> -> memref<400x128xf32, #tpu.memory_space<hbm>>
        %dma_wait3A_28 = arith.constant 0 : i32
        %dma_wait3A_29 = tpu.memref_slice %arg6[%add3A_11, %dma_wait3A_28] : memref<320000x128xf32, #tpu.memory_space<hbm>> -> memref<400x128xf32, #tpu.memory_space<hbm>>
        tpu.wait_dma2 semaphore(%run_scoped3A : memref<!tpu.dma_semaphore, #tpu.memory_space<semaphore_mem>>) src(%arg10 : memref<400x128xf32, #tpu.memory_space<vmem>>) dst(%dma_wait3A_29 : memref<400x128xf32, #tpu.memory_space<hbm>>)
        tpu.yield
      }) : () -> ()
    }
    %scan3A_7 = arith.constant 25 : i32
    return
  }
}

#map = affine_map<(d0, d1) -> (0, 0)>
#map1 = affine_map<(d0, d1) -> (0)>
module attributes {stable_mosaic.version = 14 : i64} {
  func.func @k(%arg0: i32, %arg1: i32, %arg2: memref<320000x16xf32, #tpu.memory_space<hbm>>, %arg3: memref<640000xi32, #tpu.memory_space<hbm>>, %arg4: memref<640000xi32, #tpu.memory_space<hbm>>, %arg5: memref<640000x16xf32, #tpu.memory_space<hbm>>, %arg6: memref<640000x16xf32, #tpu.memory_space<hbm>>, %arg7: memref<2000xi32, #tpu.memory_space<vmem>>, %arg8: memref<2000xi32, #tpu.memory_space<vmem>>, %arg9: memref<2000x16xf32, #tpu.memory_space<vmem>>, %arg10: memref<2000x16xf32, #tpu.memory_space<vmem>>, %arg11: memref<!tpu.dma_semaphore, #tpu.memory_space<semaphore_mem>>, %arg12: memref<!tpu.dma_semaphore, #tpu.memory_space<semaphore_mem>>) attributes {dimension_semantics = [#tpu.dimension_semantics<core_parallel>, #tpu.dimension_semantics<subcore_parallel>], iteration_bounds = array<i64: 2, 16>, scalar_prefetch = 0 : i64, scratch_operands = 6 : i64, tpu.core_type = #tpu.core_type<sc_vector_subcore>, window_params = [{transform_indices = #map}, {transform_indices = #map1}, {transform_indices = #map1}, {transform_indices = #map}, {transform_indices = #map}]} {
    %mul3A = arith.constant 2 : i32
    %mul3A_0 = arith.muli %arg1, %mul3A : i32
    %add3A = arith.addi %mul3A_0, %arg0 : i32
    %mul3A_1 = arith.constant 20000 : i32
    %mul3A_2 = arith.muli %add3A, %mul3A_1 : i32
    %scan3A = arith.constant 0 : i32
    %scan3A_3 = arith.constant 0 : i32
    %scan3A_4 = arith.constant 10 : i32
    %scan3A_5 = arith.addi %scan3A_3, %scan3A_4 : i32
    %scan3A_6 = arith.constant 1 : i32
    scf.for %scan3A_8 = %scan3A_3 to %scan3A_5 step %scan3A_6  : i32 {
      %mul3A_9 = arith.constant 2000 : i32
      %mul3A_10 = arith.muli %scan3A_8, %mul3A_9 : i32
      %add3A_11 = arith.addi %mul3A_2, %mul3A_10 : i32
      "tpu.region"() ({
        %run_scoped3A = tpu.sem_alloc : memref<!tpu.dma_semaphore, #tpu.memory_space<semaphore_mem>>
        %dma_start3A_22 = tpu.memref_slice %arg3[%add3A_11] : memref<640000xi32, #tpu.memory_space<hbm>> -> memref<2000xi32, #tpu.memory_space<hbm>>
        %dma_start3A_23 = tpu.memref_slice %arg3[%add3A_11] : memref<640000xi32, #tpu.memory_space<hbm>> -> memref<2000xi32, #tpu.memory_space<hbm>>
        tpu.enqueue_dma source(%dma_start3A_23 : memref<2000xi32, #tpu.memory_space<hbm>>) target(%arg7 : memref<2000xi32, #tpu.memory_space<vmem>>) target_semaphore(%run_scoped3A : memref<!tpu.dma_semaphore, #tpu.memory_space<semaphore_mem>>)
        %dma_wait3A_24 = tpu.memref_slice %arg3[%add3A_11] : memref<640000xi32, #tpu.memory_space<hbm>> -> memref<2000xi32, #tpu.memory_space<hbm>>
        %dma_wait3A_25 = tpu.memref_slice %arg3[%add3A_11] : memref<640000xi32, #tpu.memory_space<hbm>> -> memref<2000xi32, #tpu.memory_space<hbm>>
        tpu.wait_dma2 semaphore(%run_scoped3A : memref<!tpu.dma_semaphore, #tpu.memory_space<semaphore_mem>>) src(%dma_wait3A_25 : memref<2000xi32, #tpu.memory_space<hbm>>) dst(%arg7 : memref<2000xi32, #tpu.memory_space<vmem>>)
        tpu.yield
      }) : () -> ()
      %dma_start3A = arith.constant 0 : i32
      %dma_start3A_12 = arith.constant 0 : i32
      %dma_start3A_13 = tpu.memref_slice %arg2[%dma_start3A, %dma_start3A_12] : memref<320000x16xf32, #tpu.memory_space<hbm>> -> memref<320000x16xf32, #tpu.memory_space<hbm>>
      tpu.enqueue_indirect_dma source(%dma_start3A_13 : memref<320000x16xf32, #tpu.memory_space<hbm>>) target(%arg9 : memref<2000x16xf32, #tpu.memory_space<vmem>>) offsets(%arg7 : memref<2000xi32, #tpu.memory_space<vmem>>) semaphore(%arg11 : memref<!tpu.dma_semaphore, #tpu.memory_space<semaphore_mem>>)
      "tpu.region"() ({
        %run_scoped3A = tpu.sem_alloc : memref<!tpu.dma_semaphore, #tpu.memory_space<semaphore_mem>>
        %dma_start3A_22 = tpu.memref_slice %arg4[%add3A_11] : memref<640000xi32, #tpu.memory_space<hbm>> -> memref<2000xi32, #tpu.memory_space<hbm>>
        %dma_start3A_23 = tpu.memref_slice %arg4[%add3A_11] : memref<640000xi32, #tpu.memory_space<hbm>> -> memref<2000xi32, #tpu.memory_space<hbm>>
        tpu.enqueue_dma source(%dma_start3A_23 : memref<2000xi32, #tpu.memory_space<hbm>>) target(%arg8 : memref<2000xi32, #tpu.memory_space<vmem>>) target_semaphore(%run_scoped3A : memref<!tpu.dma_semaphore, #tpu.memory_space<semaphore_mem>>)
        %dma_wait3A_24 = tpu.memref_slice %arg4[%add3A_11] : memref<640000xi32, #tpu.memory_space<hbm>> -> memref<2000xi32, #tpu.memory_space<hbm>>
        %dma_wait3A_25 = tpu.memref_slice %arg4[%add3A_11] : memref<640000xi32, #tpu.memory_space<hbm>> -> memref<2000xi32, #tpu.memory_space<hbm>>
        tpu.wait_dma2 semaphore(%run_scoped3A : memref<!tpu.dma_semaphore, #tpu.memory_space<semaphore_mem>>) src(%dma_wait3A_25 : memref<2000xi32, #tpu.memory_space<hbm>>) dst(%arg8 : memref<2000xi32, #tpu.memory_space<vmem>>)
        tpu.yield
      }) : () -> ()
      %dma_start3A_14 = arith.constant 0 : i32
      %dma_start3A_15 = arith.constant 0 : i32
      %dma_start3A_16 = tpu.memref_slice %arg2[%dma_start3A_14, %dma_start3A_15] : memref<320000x16xf32, #tpu.memory_space<hbm>> -> memref<320000x16xf32, #tpu.memory_space<hbm>>
      tpu.enqueue_indirect_dma source(%dma_start3A_16 : memref<320000x16xf32, #tpu.memory_space<hbm>>) target(%arg10 : memref<2000x16xf32, #tpu.memory_space<vmem>>) offsets(%arg8 : memref<2000xi32, #tpu.memory_space<vmem>>) semaphore(%arg12 : memref<!tpu.dma_semaphore, #tpu.memory_space<semaphore_mem>>)
      %dma_wait3A = arith.constant 0 : i32
      %dma_wait3A_17 = arith.constant 0 : i32
      %dma_wait3A_18 = tpu.memref_slice %arg2[%dma_wait3A, %dma_wait3A_17] : memref<320000x16xf32, #tpu.memory_space<hbm>> -> memref<320000x16xf32, #tpu.memory_space<hbm>>
      tpu.wait_indirect_dma semaphore(%arg11 : memref<!tpu.dma_semaphore, #tpu.memory_space<semaphore_mem>>) src(%dma_wait3A_18 : memref<320000x16xf32, #tpu.memory_space<hbm>>) dst(%arg9 : memref<2000x16xf32, #tpu.memory_space<vmem>>)
      "tpu.region"() ({
        %run_scoped3A = tpu.sem_alloc : memref<!tpu.dma_semaphore, #tpu.memory_space<semaphore_mem>>
        %dma_start3A_22 = arith.constant 0 : i32
        %dma_start3A_23 = tpu.memref_slice %arg5[%add3A_11, %dma_start3A_22] : memref<640000x16xf32, #tpu.memory_space<hbm>> -> memref<2000x16xf32, #tpu.memory_space<hbm>>
        %dma_start3A_24 = arith.constant 0 : i32
        %dma_start3A_25 = tpu.memref_slice %arg5[%add3A_11, %dma_start3A_24] : memref<640000x16xf32, #tpu.memory_space<hbm>> -> memref<2000x16xf32, #tpu.memory_space<hbm>>
        tpu.enqueue_dma source(%arg9 : memref<2000x16xf32, #tpu.memory_space<vmem>>) target(%dma_start3A_25 : memref<2000x16xf32, #tpu.memory_space<hbm>>) target_semaphore(%run_scoped3A : memref<!tpu.dma_semaphore, #tpu.memory_space<semaphore_mem>>)
        %dma_wait3A_26 = arith.constant 0 : i32
        %dma_wait3A_27 = tpu.memref_slice %arg5[%add3A_11, %dma_wait3A_26] : memref<640000x16xf32, #tpu.memory_space<hbm>> -> memref<2000x16xf32, #tpu.memory_space<hbm>>
        %dma_wait3A_28 = arith.constant 0 : i32
        %dma_wait3A_29 = tpu.memref_slice %arg5[%add3A_11, %dma_wait3A_28] : memref<640000x16xf32, #tpu.memory_space<hbm>> -> memref<2000x16xf32, #tpu.memory_space<hbm>>
        tpu.wait_dma2 semaphore(%run_scoped3A : memref<!tpu.dma_semaphore, #tpu.memory_space<semaphore_mem>>) src(%arg9 : memref<2000x16xf32, #tpu.memory_space<vmem>>) dst(%dma_wait3A_29 : memref<2000x16xf32, #tpu.memory_space<hbm>>)
        tpu.yield
      }) : () -> ()
      %dma_wait3A_19 = arith.constant 0 : i32
      %dma_wait3A_20 = arith.constant 0 : i32
      %dma_wait3A_21 = tpu.memref_slice %arg2[%dma_wait3A_19, %dma_wait3A_20] : memref<320000x16xf32, #tpu.memory_space<hbm>> -> memref<320000x16xf32, #tpu.memory_space<hbm>>
      tpu.wait_indirect_dma semaphore(%arg12 : memref<!tpu.dma_semaphore, #tpu.memory_space<semaphore_mem>>) src(%dma_wait3A_21 : memref<320000x16xf32, #tpu.memory_space<hbm>>) dst(%arg10 : memref<2000x16xf32, #tpu.memory_space<vmem>>)
      "tpu.region"() ({
        %run_scoped3A = tpu.sem_alloc : memref<!tpu.dma_semaphore, #tpu.memory_space<semaphore_mem>>
        %dma_start3A_22 = arith.constant 0 : i32
        %dma_start3A_23 = tpu.memref_slice %arg6[%add3A_11, %dma_start3A_22] : memref<640000x16xf32, #tpu.memory_space<hbm>> -> memref<2000x16xf32, #tpu.memory_space<hbm>>
        %dma_start3A_24 = arith.constant 0 : i32
        %dma_start3A_25 = tpu.memref_slice %arg6[%add3A_11, %dma_start3A_24] : memref<640000x16xf32, #tpu.memory_space<hbm>> -> memref<2000x16xf32, #tpu.memory_space<hbm>>
        tpu.enqueue_dma source(%arg10 : memref<2000x16xf32, #tpu.memory_space<vmem>>) target(%dma_start3A_25 : memref<2000x16xf32, #tpu.memory_space<hbm>>) target_semaphore(%run_scoped3A : memref<!tpu.dma_semaphore, #tpu.memory_space<semaphore_mem>>)
        %dma_wait3A_26 = arith.constant 0 : i32
        %dma_wait3A_27 = tpu.memref_slice %arg6[%add3A_11, %dma_wait3A_26] : memref<640000x16xf32, #tpu.memory_space<hbm>> -> memref<2000x16xf32, #tpu.memory_space<hbm>>
        %dma_wait3A_28 = arith.constant 0 : i32
        %dma_wait3A_29 = tpu.memref_slice %arg6[%add3A_11, %dma_wait3A_28] : memref<640000x16xf32, #tpu.memory_space<hbm>> -> memref<2000x16xf32, #tpu.memory_space<hbm>>
        tpu.wait_dma2 semaphore(%run_scoped3A : memref<!tpu.dma_semaphore, #tpu.memory_space<semaphore_mem>>) src(%arg10 : memref<2000x16xf32, #tpu.memory_space<vmem>>) dst(%dma_wait3A_29 : memref<2000x16xf32, #tpu.memory_space<hbm>>)
        tpu.yield
      }) : () -> ()
    }
    %scan3A_7 = arith.constant 10 : i32
    return
  }
}

#map = affine_map<(d0, d1) -> (0, 0)>
#map1 = affine_map<(d0, d1) -> (0)>
module attributes {stable_mosaic.version = 14 : i64} {
  func.func @k(%arg0: i32, %arg1: i32, %arg2: memref<320000x512xf32, #tpu.memory_space<hbm>>, %arg3: memref<320000xi32, #tpu.memory_space<hbm>>, %arg4: memref<10000x128xf32, #tpu.memory_space<hbm>>, %arg5: memref<10000x512xf32, #tpu.memory_space<hbm>>, %arg6: memref<10000x128xf32, #tpu.memory_space<vmem_shared>>, %arg7: memref<128xi32, #tpu.memory_space<vmem>>, %arg8: memref<128x128xf32, #tpu.memory_space<vmem>>) attributes {dimension_semantics = [#tpu.dimension_semantics<core_parallel>, #tpu.dimension_semantics<subcore_parallel>], iteration_bounds = array<i64: 2, 16>, scalar_prefetch = 0 : i64, scratch_operands = 3 : i64, tpu.core_type = #tpu.core_type<sc_vector_subcore>, window_params = [{transform_indices = #map}, {transform_indices = #map1}, {transform_indices = #map}, {transform_indices = #map}]} {
    %lt3A = arith.constant 4 : i32
    %lt3A_0 = arith.cmpi slt, %arg1, %lt3A : i32
    %jit3A = arith.constant 1 : i32
    %jit3A_1 = arith.constant 0 : i32
    %select_n3A = arith.select %lt3A_0, %jit3A, %jit3A_1 : i32
    %add3A = arith.constant 156 : i32
    %add3A_2 = arith.addi %add3A, %select_n3A : i32
    %mul3A = arith.constant 625 : i32
    %mul3A_3 = arith.muli %arg1, %mul3A : i32
    %mul3A_4 = arith.constant 2 : i32
    %mul3A_5 = arith.muli %mul3A_4, %arg0 : i32
    %add3A_6 = arith.constant 0 : i32
    %add3A_7 = arith.addi %mul3A_5, %add3A_6 : i32
    %mul3A_8 = arith.constant 128 : i32
    %mul3A_9 = arith.muli %add3A_7, %mul3A_8 : i32
    "tpu.region"() ({
      %run_scoped3A = tpu.sem_alloc : memref<!tpu.dma_semaphore, #tpu.memory_space<semaphore_mem>>
      %dma_start3A = arith.constant 0 : i32
      %dma_start3A_40 = tpu.memref_slice %arg6[%mul3A_3, %dma_start3A] : memref<10000x128xf32, #tpu.memory_space<vmem_shared>> -> memref<625x128xf32, #tpu.memory_space<vmem_shared>>
      %dma_start3A_41 = arith.constant 0 : i32
      %dma_start3A_42 = tpu.memref_slice %arg4[%mul3A_3, %dma_start3A_41] : memref<10000x128xf32, #tpu.memory_space<hbm>> -> memref<625x128xf32, #tpu.memory_space<hbm>>
      tpu.enqueue_dma source(%dma_start3A_42 : memref<625x128xf32, #tpu.memory_space<hbm>>) target(%dma_start3A_40 : memref<625x128xf32, #tpu.memory_space<vmem_shared>>) target_semaphore(%run_scoped3A : memref<!tpu.dma_semaphore, #tpu.memory_space<semaphore_mem>>)
      %dma_wait3A = arith.constant 0 : i32
      %dma_wait3A_43 = tpu.memref_slice %arg6[%mul3A_3, %dma_wait3A] : memref<10000x128xf32, #tpu.memory_space<vmem_shared>> -> memref<625x128xf32, #tpu.memory_space<vmem_shared>>
      %dma_wait3A_44 = arith.constant 0 : i32
      %dma_wait3A_45 = tpu.memref_slice %arg4[%mul3A_3, %dma_wait3A_44] : memref<10000x128xf32, #tpu.memory_space<hbm>> -> memref<625x128xf32, #tpu.memory_space<hbm>>
      tpu.wait_dma2 semaphore(%run_scoped3A : memref<!tpu.dma_semaphore, #tpu.memory_space<semaphore_mem>>) src(%dma_wait3A_45 : memref<625x128xf32, #tpu.memory_space<hbm>>) dst(%dma_wait3A_43 : memref<625x128xf32, #tpu.memory_space<vmem_shared>>)
      tpu.yield
    }) : () -> ()
    %barrier3A = arith.constant 0 : index
    tpu.barrier barrier_id(%barrier3A)
    %while3A = arith.constant 0 : i32
    %while3A_10 = arith.constant 0 : i32
    %while3A_11 = arith.subi %add3A_2, %while3A_10 : i32
    %while3A_12 = arith.addi %while3A_10, %while3A_11 : i32
    %while3A_13 = arith.constant 1 : i32
    %while3A_14 = arith.divsi %while3A_11, %while3A_13 : i32
    %while3A_15 = arith.muli %while3A_14, %while3A_13 : i32
    %while3A_16 = arith.addi %while3A_10, %while3A_15 : i32
    %while3A_17 = arith.constant 1 : i32
    scf.for %while3A_40 = %while3A_10 to %while3A_16 step %while3A_17  : i32 {
      %mul3A_41 = arith.constant 16 : i32
      %mul3A_42 = arith.muli %while3A_40, %mul3A_41 : i32
      %add3A_43 = arith.addi %arg1, %mul3A_42 : i32
      %mul3A_44 = arith.constant 128 : i32
      %mul3A_45 = arith.muli %add3A_43, %mul3A_44 : i32
      "tpu.region"() ({
        %run_scoped3A = tpu.sem_alloc : memref<!tpu.dma_semaphore, #tpu.memory_space<semaphore_mem>>
        %dma_start3A = tpu.memref_slice %arg3[%mul3A_45] : memref<320000xi32, #tpu.memory_space<hbm>> -> memref<128xi32, #tpu.memory_space<hbm>>
        %dma_start3A_46 = tpu.memref_slice %arg3[%mul3A_45] : memref<320000xi32, #tpu.memory_space<hbm>> -> memref<128xi32, #tpu.memory_space<hbm>>
        tpu.enqueue_dma source(%dma_start3A_46 : memref<128xi32, #tpu.memory_space<hbm>>) target(%arg7 : memref<128xi32, #tpu.memory_space<vmem>>) target_semaphore(%run_scoped3A : memref<!tpu.dma_semaphore, #tpu.memory_space<semaphore_mem>>)
        %dma_wait3A = tpu.memref_slice %arg3[%mul3A_45] : memref<320000xi32, #tpu.memory_space<hbm>> -> memref<128xi32, #tpu.memory_space<hbm>>
        %dma_wait3A_47 = tpu.memref_slice %arg3[%mul3A_45] : memref<320000xi32, #tpu.memory_space<hbm>> -> memref<128xi32, #tpu.memory_space<hbm>>
        tpu.wait_dma2 semaphore(%run_scoped3A : memref<!tpu.dma_semaphore, #tpu.memory_space<semaphore_mem>>) src(%dma_wait3A_47 : memref<128xi32, #tpu.memory_space<hbm>>) dst(%arg7 : memref<128xi32, #tpu.memory_space<vmem>>)
        tpu.yield
      }) : () -> ()
      "tpu.region"() ({
        %run_scoped3A = tpu.sem_alloc : memref<!tpu.dma_semaphore, #tpu.memory_space<semaphore_mem>>
        %dma_start3A = tpu.memref_slice %arg2[%mul3A_45, %mul3A_9] : memref<320000x512xf32, #tpu.memory_space<hbm>> -> memref<128x128xf32, #tpu.memory_space<hbm>>
        %dma_start3A_46 = tpu.memref_slice %arg2[%mul3A_45, %mul3A_9] : memref<320000x512xf32, #tpu.memory_space<hbm>> -> memref<128x128xf32, #tpu.memory_space<hbm>>
        tpu.enqueue_dma source(%dma_start3A_46 : memref<128x128xf32, #tpu.memory_space<hbm>>) target(%arg8 : memref<128x128xf32, #tpu.memory_space<vmem>>) target_semaphore(%run_scoped3A : memref<!tpu.dma_semaphore, #tpu.memory_space<semaphore_mem>>)
        %dma_wait3A = tpu.memref_slice %arg2[%mul3A_45, %mul3A_9] : memref<320000x512xf32, #tpu.memory_space<hbm>> -> memref<128x128xf32, #tpu.memory_space<hbm>>
        %dma_wait3A_47 = tpu.memref_slice %arg2[%mul3A_45, %mul3A_9] : memref<320000x512xf32, #tpu.memory_space<hbm>> -> memref<128x128xf32, #tpu.memory_space<hbm>>
        tpu.wait_dma2 semaphore(%run_scoped3A : memref<!tpu.dma_semaphore, #tpu.memory_space<semaphore_mem>>) src(%dma_wait3A_47 : memref<128x128xf32, #tpu.memory_space<hbm>>) dst(%arg8 : memref<128x128xf32, #tpu.memory_space<vmem>>)
        tpu.yield
      }) : () -> ()
      "tpu.region"() ({
        %run_scoped3A = tpu.sem_alloc : memref<!tpu.dma_semaphore, #tpu.memory_space<semaphore_mem>>
        %dma_start3A = arith.constant 0 : i32
        %dma_start3A_46 = arith.constant 0 : i32
        %dma_start3A_47 = tpu.memref_slice %arg6[%dma_start3A, %dma_start3A_46] : memref<10000x128xf32, #tpu.memory_space<vmem_shared>> -> memref<10000x128xf32, #tpu.memory_space<vmem_shared>>
        tpu.enqueue_indirect_dma source(%arg8 : memref<128x128xf32, #tpu.memory_space<vmem>>) target(%dma_start3A_47 : memref<10000x128xf32, #tpu.memory_space<vmem_shared>>) offsets(%arg7 : memref<128xi32, #tpu.memory_space<vmem>>) semaphore(%run_scoped3A : memref<!tpu.dma_semaphore, #tpu.memory_space<semaphore_mem>>) {add = true}
        %dma_wait3A = arith.constant 0 : i32
        %dma_wait3A_48 = arith.constant 0 : i32
        %dma_wait3A_49 = tpu.memref_slice %arg6[%dma_wait3A, %dma_wait3A_48] : memref<10000x128xf32, #tpu.memory_space<vmem_shared>> -> memref<10000x128xf32, #tpu.memory_space<vmem_shared>>
        tpu.wait_indirect_dma semaphore(%run_scoped3A : memref<!tpu.dma_semaphore, #tpu.memory_space<semaphore_mem>>) src(%arg8 : memref<128x128xf32, #tpu.memory_space<vmem>>) dst(%dma_wait3A_49 : memref<10000x128xf32, #tpu.memory_space<vmem_shared>>)
        tpu.yield
      }) : () -> ()
    }
    %while3A_18 = arith.constant 1 : i32
    scf.for %while3A_40 = %while3A_16 to %while3A_12 step %while3A_18  : i32 {
      %mul3A_41 = arith.constant 16 : i32
      %mul3A_42 = arith.muli %while3A_40, %mul3A_41 : i32
      %add3A_43 = arith.addi %arg1, %mul3A_42 : i32
      %mul3A_44 = arith.constant 128 : i32
      %mul3A_45 = arith.muli %add3A_43, %mul3A_44 : i32
      "tpu.region"() ({
        %run_scoped3A = tpu.sem_alloc : memref<!tpu.dma_semaphore, #tpu.memory_space<semaphore_mem>>
        %dma_start3A = tpu.memref_slice %arg3[%mul3A_45] : memref<320000xi32, #tpu.memory_space<hbm>> -> memref<128xi32, #tpu.memory_space<hbm>>
        %dma_start3A_46 = tpu.memref_slice %arg3[%mul3A_45] : memref<320000xi32, #tpu.memory_space<hbm>> -> memref<128xi32, #tpu.memory_space<hbm>>
        tpu.enqueue_dma source(%dma_start3A_46 : memref<128xi32, #tpu.memory_space<hbm>>) target(%arg7 : memref<128xi32, #tpu.memory_space<vmem>>) target_semaphore(%run_scoped3A : memref<!tpu.dma_semaphore, #tpu.memory_space<semaphore_mem>>)
        %dma_wait3A = tpu.memref_slice %arg3[%mul3A_45] : memref<320000xi32, #tpu.memory_space<hbm>> -> memref<128xi32, #tpu.memory_space<hbm>>
        %dma_wait3A_47 = tpu.memref_slice %arg3[%mul3A_45] : memref<320000xi32, #tpu.memory_space<hbm>> -> memref<128xi32, #tpu.memory_space<hbm>>
        tpu.wait_dma2 semaphore(%run_scoped3A : memref<!tpu.dma_semaphore, #tpu.memory_space<semaphore_mem>>) src(%dma_wait3A_47 : memref<128xi32, #tpu.memory_space<hbm>>) dst(%arg7 : memref<128xi32, #tpu.memory_space<vmem>>)
        tpu.yield
      }) : () -> ()
      "tpu.region"() ({
        %run_scoped3A = tpu.sem_alloc : memref<!tpu.dma_semaphore, #tpu.memory_space<semaphore_mem>>
        %dma_start3A = tpu.memref_slice %arg2[%mul3A_45, %mul3A_9] : memref<320000x512xf32, #tpu.memory_space<hbm>> -> memref<128x128xf32, #tpu.memory_space<hbm>>
        %dma_start3A_46 = tpu.memref_slice %arg2[%mul3A_45, %mul3A_9] : memref<320000x512xf32, #tpu.memory_space<hbm>> -> memref<128x128xf32, #tpu.memory_space<hbm>>
        tpu.enqueue_dma source(%dma_start3A_46 : memref<128x128xf32, #tpu.memory_space<hbm>>) target(%arg8 : memref<128x128xf32, #tpu.memory_space<vmem>>) target_semaphore(%run_scoped3A : memref<!tpu.dma_semaphore, #tpu.memory_space<semaphore_mem>>)
        %dma_wait3A = tpu.memref_slice %arg2[%mul3A_45, %mul3A_9] : memref<320000x512xf32, #tpu.memory_space<hbm>> -> memref<128x128xf32, #tpu.memory_space<hbm>>
        %dma_wait3A_47 = tpu.memref_slice %arg2[%mul3A_45, %mul3A_9] : memref<320000x512xf32, #tpu.memory_space<hbm>> -> memref<128x128xf32, #tpu.memory_space<hbm>>
        tpu.wait_dma2 semaphore(%run_scoped3A : memref<!tpu.dma_semaphore, #tpu.memory_space<semaphore_mem>>) src(%dma_wait3A_47 : memref<128x128xf32, #tpu.memory_space<hbm>>) dst(%arg8 : memref<128x128xf32, #tpu.memory_space<vmem>>)
        tpu.yield
      }) : () -> ()
      "tpu.region"() ({
        %run_scoped3A = tpu.sem_alloc : memref<!tpu.dma_semaphore, #tpu.memory_space<semaphore_mem>>
        %dma_start3A = arith.constant 0 : i32
        %dma_start3A_46 = arith.constant 0 : i32
        %dma_start3A_47 = tpu.memref_slice %arg6[%dma_start3A, %dma_start3A_46] : memref<10000x128xf32, #tpu.memory_space<vmem_shared>> -> memref<10000x128xf32, #tpu.memory_space<vmem_shared>>
        tpu.enqueue_indirect_dma source(%arg8 : memref<128x128xf32, #tpu.memory_space<vmem>>) target(%dma_start3A_47 : memref<10000x128xf32, #tpu.memory_space<vmem_shared>>) offsets(%arg7 : memref<128xi32, #tpu.memory_space<vmem>>) semaphore(%run_scoped3A : memref<!tpu.dma_semaphore, #tpu.memory_space<semaphore_mem>>) {add = true}
        %dma_wait3A = arith.constant 0 : i32
        %dma_wait3A_48 = arith.constant 0 : i32
        %dma_wait3A_49 = tpu.memref_slice %arg6[%dma_wait3A, %dma_wait3A_48] : memref<10000x128xf32, #tpu.memory_space<vmem_shared>> -> memref<10000x128xf32, #tpu.memory_space<vmem_shared>>
        tpu.wait_indirect_dma semaphore(%run_scoped3A : memref<!tpu.dma_semaphore, #tpu.memory_space<semaphore_mem>>) src(%arg8 : memref<128x128xf32, #tpu.memory_space<vmem>>) dst(%dma_wait3A_49 : memref<10000x128xf32, #tpu.memory_space<vmem_shared>>)
        tpu.yield
      }) : () -> ()
    }
    %barrier3A_19 = arith.constant 0 : index
    tpu.barrier barrier_id(%barrier3A_19)
    "tpu.region"() ({
      %run_scoped3A = tpu.sem_alloc : memref<!tpu.dma_semaphore, #tpu.memory_space<semaphore_mem>>
      %dma_start3A = tpu.memref_slice %arg5[%mul3A_3, %mul3A_9] : memref<10000x512xf32, #tpu.memory_space<hbm>> -> memref<625x128xf32, #tpu.memory_space<hbm>>
      %dma_start3A_40 = arith.constant 0 : i32
      %dma_start3A_41 = tpu.memref_slice %arg6[%mul3A_3, %dma_start3A_40] : memref<10000x128xf32, #tpu.memory_space<vmem_shared>> -> memref<625x128xf32, #tpu.memory_space<vmem_shared>>
      tpu.enqueue_dma source(%dma_start3A_41 : memref<625x128xf32, #tpu.memory_space<vmem_shared>>) target(%dma_start3A : memref<625x128xf32, #tpu.memory_space<hbm>>) target_semaphore(%run_scoped3A : memref<!tpu.dma_semaphore, #tpu.memory_space<semaphore_mem>>)
      %dma_wait3A = tpu.memref_slice %arg5[%mul3A_3, %mul3A_9] : memref<10000x512xf32, #tpu.memory_space<hbm>> -> memref<625x128xf32, #tpu.memory_space<hbm>>
      %dma_wait3A_42 = arith.constant 0 : i32
      %dma_wait3A_43 = tpu.memref_slice %arg6[%mul3A_3, %dma_wait3A_42] : memref<10000x128xf32, #tpu.memory_space<vmem_shared>> -> memref<625x128xf32, #tpu.memory_space<vmem_shared>>
      tpu.wait_dma2 semaphore(%run_scoped3A : memref<!tpu.dma_semaphore, #tpu.memory_space<semaphore_mem>>) src(%dma_wait3A_43 : memref<625x128xf32, #tpu.memory_space<vmem_shared>>) dst(%dma_wait3A : memref<625x128xf32, #tpu.memory_space<hbm>>)
      tpu.yield
    }) : () -> ()
    %barrier3A_20 = arith.constant 0 : index
    tpu.barrier barrier_id(%barrier3A_20)
    %mul3A_21 = arith.constant 2 : i32
    %mul3A_22 = arith.muli %mul3A_21, %arg0 : i32
    %add3A_23 = arith.constant 1 : i32
    %add3A_24 = arith.addi %mul3A_22, %add3A_23 : i32
    %mul3A_25 = arith.constant 128 : i32
    %mul3A_26 = arith.muli %add3A_24, %mul3A_25 : i32
    "tpu.region"() ({
      %run_scoped3A = tpu.sem_alloc : memref<!tpu.dma_semaphore, #tpu.memory_space<semaphore_mem>>
      %dma_start3A = arith.constant 0 : i32
      %dma_start3A_40 = tpu.memref_slice %arg6[%mul3A_3, %dma_start3A] : memref<10000x128xf32, #tpu.memory_space<vmem_shared>> -> memref<625x128xf32, #tpu.memory_space<vmem_shared>>
      %dma_start3A_41 = arith.constant 0 : i32
      %dma_start3A_42 = tpu.memref_slice %arg4[%mul3A_3, %dma_start3A_41] : memref<10000x128xf32, #tpu.memory_space<hbm>> -> memref<625x128xf32, #tpu.memory_space<hbm>>
      tpu.enqueue_dma source(%dma_start3A_42 : memref<625x128xf32, #tpu.memory_space<hbm>>) target(%dma_start3A_40 : memref<625x128xf32, #tpu.memory_space<vmem_shared>>) target_semaphore(%run_scoped3A : memref<!tpu.dma_semaphore, #tpu.memory_space<semaphore_mem>>)
      %dma_wait3A = arith.constant 0 : i32
      %dma_wait3A_43 = tpu.memref_slice %arg6[%mul3A_3, %dma_wait3A] : memref<10000x128xf32, #tpu.memory_space<vmem_shared>> -> memref<625x128xf32, #tpu.memory_space<vmem_shared>>
      %dma_wait3A_44 = arith.constant 0 : i32
      %dma_wait3A_45 = tpu.memref_slice %arg4[%mul3A_3, %dma_wait3A_44] : memref<10000x128xf32, #tpu.memory_space<hbm>> -> memref<625x128xf32, #tpu.memory_space<hbm>>
      tpu.wait_dma2 semaphore(%run_scoped3A : memref<!tpu.dma_semaphore, #tpu.memory_space<semaphore_mem>>) src(%dma_wait3A_45 : memref<625x128xf32, #tpu.memory_space<hbm>>) dst(%dma_wait3A_43 : memref<625x128xf32, #tpu.memory_space<vmem_shared>>)
      tpu.yield
    }) : () -> ()
    %barrier3A_27 = arith.constant 0 : index
    tpu.barrier barrier_id(%barrier3A_27)
    %while3A_28 = arith.constant 0 : i32
    %while3A_29 = arith.constant 0 : i32
    %while3A_30 = arith.subi %add3A_2, %while3A_29 : i32
    %while3A_31 = arith.addi %while3A_29, %while3A_30 : i32
    %while3A_32 = arith.constant 1 : i32
    %while3A_33 = arith.divsi %while3A_30, %while3A_32 : i32
    %while3A_34 = arith.muli %while3A_33, %while3A_32 : i32
    %while3A_35 = arith.addi %while3A_29, %while3A_34 : i32
    %while3A_36 = arith.constant 1 : i32
    scf.for %while3A_40 = %while3A_29 to %while3A_35 step %while3A_36  : i32 {
      %mul3A_41 = arith.constant 16 : i32
      %mul3A_42 = arith.muli %while3A_40, %mul3A_41 : i32
      %add3A_43 = arith.addi %arg1, %mul3A_42 : i32
      %mul3A_44 = arith.constant 128 : i32
      %mul3A_45 = arith.muli %add3A_43, %mul3A_44 : i32
      "tpu.region"() ({
        %run_scoped3A = tpu.sem_alloc : memref<!tpu.dma_semaphore, #tpu.memory_space<semaphore_mem>>
        %dma_start3A = tpu.memref_slice %arg3[%mul3A_45] : memref<320000xi32, #tpu.memory_space<hbm>> -> memref<128xi32, #tpu.memory_space<hbm>>
        %dma_start3A_46 = tpu.memref_slice %arg3[%mul3A_45] : memref<320000xi32, #tpu.memory_space<hbm>> -> memref<128xi32, #tpu.memory_space<hbm>>
        tpu.enqueue_dma source(%dma_start3A_46 : memref<128xi32, #tpu.memory_space<hbm>>) target(%arg7 : memref<128xi32, #tpu.memory_space<vmem>>) target_semaphore(%run_scoped3A : memref<!tpu.dma_semaphore, #tpu.memory_space<semaphore_mem>>)
        %dma_wait3A = tpu.memref_slice %arg3[%mul3A_45] : memref<320000xi32, #tpu.memory_space<hbm>> -> memref<128xi32, #tpu.memory_space<hbm>>
        %dma_wait3A_47 = tpu.memref_slice %arg3[%mul3A_45] : memref<320000xi32, #tpu.memory_space<hbm>> -> memref<128xi32, #tpu.memory_space<hbm>>
        tpu.wait_dma2 semaphore(%run_scoped3A : memref<!tpu.dma_semaphore, #tpu.memory_space<semaphore_mem>>) src(%dma_wait3A_47 : memref<128xi32, #tpu.memory_space<hbm>>) dst(%arg7 : memref<128xi32, #tpu.memory_space<vmem>>)
        tpu.yield
      }) : () -> ()
      "tpu.region"() ({
        %run_scoped3A = tpu.sem_alloc : memref<!tpu.dma_semaphore, #tpu.memory_space<semaphore_mem>>
        %dma_start3A = tpu.memref_slice %arg2[%mul3A_45, %mul3A_26] : memref<320000x512xf32, #tpu.memory_space<hbm>> -> memref<128x128xf32, #tpu.memory_space<hbm>>
        %dma_start3A_46 = tpu.memref_slice %arg2[%mul3A_45, %mul3A_26] : memref<320000x512xf32, #tpu.memory_space<hbm>> -> memref<128x128xf32, #tpu.memory_space<hbm>>
        tpu.enqueue_dma source(%dma_start3A_46 : memref<128x128xf32, #tpu.memory_space<hbm>>) target(%arg8 : memref<128x128xf32, #tpu.memory_space<vmem>>) target_semaphore(%run_scoped3A : memref<!tpu.dma_semaphore, #tpu.memory_space<semaphore_mem>>)
        %dma_wait3A = tpu.memref_slice %arg2[%mul3A_45, %mul3A_26] : memref<320000x512xf32, #tpu.memory_space<hbm>> -> memref<128x128xf32, #tpu.memory_space<hbm>>
        %dma_wait3A_47 = tpu.memref_slice %arg2[%mul3A_45, %mul3A_26] : memref<320000x512xf32, #tpu.memory_space<hbm>> -> memref<128x128xf32, #tpu.memory_space<hbm>>
        tpu.wait_dma2 semaphore(%run_scoped3A : memref<!tpu.dma_semaphore, #tpu.memory_space<semaphore_mem>>) src(%dma_wait3A_47 : memref<128x128xf32, #tpu.memory_space<hbm>>) dst(%arg8 : memref<128x128xf32, #tpu.memory_space<vmem>>)
        tpu.yield
      }) : () -> ()
      "tpu.region"() ({
        %run_scoped3A = tpu.sem_alloc : memref<!tpu.dma_semaphore, #tpu.memory_space<semaphore_mem>>
        %dma_start3A = arith.constant 0 : i32
        %dma_start3A_46 = arith.constant 0 : i32
        %dma_start3A_47 = tpu.memref_slice %arg6[%dma_start3A, %dma_start3A_46] : memref<10000x128xf32, #tpu.memory_space<vmem_shared>> -> memref<10000x128xf32, #tpu.memory_space<vmem_shared>>
        tpu.enqueue_indirect_dma source(%arg8 : memref<128x128xf32, #tpu.memory_space<vmem>>) target(%dma_start3A_47 : memref<10000x128xf32, #tpu.memory_space<vmem_shared>>) offsets(%arg7 : memref<128xi32, #tpu.memory_space<vmem>>) semaphore(%run_scoped3A : memref<!tpu.dma_semaphore, #tpu.memory_space<semaphore_mem>>) {add = true}
        %dma_wait3A = arith.constant 0 : i32
        %dma_wait3A_48 = arith.constant 0 : i32
        %dma_wait3A_49 = tpu.memref_slice %arg6[%dma_wait3A, %dma_wait3A_48] : memref<10000x128xf32, #tpu.memory_space<vmem_shared>> -> memref<10000x128xf32, #tpu.memory_space<vmem_shared>>
        tpu.wait_indirect_dma semaphore(%run_scoped3A : memref<!tpu.dma_semaphore, #tpu.memory_space<semaphore_mem>>) src(%arg8 : memref<128x128xf32, #tpu.memory_space<vmem>>) dst(%dma_wait3A_49 : memref<10000x128xf32, #tpu.memory_space<vmem_shared>>)
        tpu.yield
      }) : () -> ()
    }
    %while3A_37 = arith.constant 1 : i32
    scf.for %while3A_40 = %while3A_35 to %while3A_31 step %while3A_37  : i32 {
      %mul3A_41 = arith.constant 16 : i32
      %mul3A_42 = arith.muli %while3A_40, %mul3A_41 : i32
      %add3A_43 = arith.addi %arg1, %mul3A_42 : i32
      %mul3A_44 = arith.constant 128 : i32
      %mul3A_45 = arith.muli %add3A_43, %mul3A_44 : i32
      "tpu.region"() ({
        %run_scoped3A = tpu.sem_alloc : memref<!tpu.dma_semaphore, #tpu.memory_space<semaphore_mem>>
        %dma_start3A = tpu.memref_slice %arg3[%mul3A_45] : memref<320000xi32, #tpu.memory_space<hbm>> -> memref<128xi32, #tpu.memory_space<hbm>>
        %dma_start3A_46 = tpu.memref_slice %arg3[%mul3A_45] : memref<320000xi32, #tpu.memory_space<hbm>> -> memref<128xi32, #tpu.memory_space<hbm>>
        tpu.enqueue_dma source(%dma_start3A_46 : memref<128xi32, #tpu.memory_space<hbm>>) target(%arg7 : memref<128xi32, #tpu.memory_space<vmem>>) target_semaphore(%run_scoped3A : memref<!tpu.dma_semaphore, #tpu.memory_space<semaphore_mem>>)
        %dma_wait3A = tpu.memref_slice %arg3[%mul3A_45] : memref<320000xi32, #tpu.memory_space<hbm>> -> memref<128xi32, #tpu.memory_space<hbm>>
        %dma_wait3A_47 = tpu.memref_slice %arg3[%mul3A_45] : memref<320000xi32, #tpu.memory_space<hbm>> -> memref<128xi32, #tpu.memory_space<hbm>>
        tpu.wait_dma2 semaphore(%run_scoped3A : memref<!tpu.dma_semaphore, #tpu.memory_space<semaphore_mem>>) src(%dma_wait3A_47 : memref<128xi32, #tpu.memory_space<hbm>>) dst(%arg7 : memref<128xi32, #tpu.memory_space<vmem>>)
        tpu.yield
      }) : () -> ()
      "tpu.region"() ({
        %run_scoped3A = tpu.sem_alloc : memref<!tpu.dma_semaphore, #tpu.memory_space<semaphore_mem>>
        %dma_start3A = tpu.memref_slice %arg2[%mul3A_45, %mul3A_26] : memref<320000x512xf32, #tpu.memory_space<hbm>> -> memref<128x128xf32, #tpu.memory_space<hbm>>
        %dma_start3A_46 = tpu.memref_slice %arg2[%mul3A_45, %mul3A_26] : memref<320000x512xf32, #tpu.memory_space<hbm>> -> memref<128x128xf32, #tpu.memory_space<hbm>>
        tpu.enqueue_dma source(%dma_start3A_46 : memref<128x128xf32, #tpu.memory_space<hbm>>) target(%arg8 : memref<128x128xf32, #tpu.memory_space<vmem>>) target_semaphore(%run_scoped3A : memref<!tpu.dma_semaphore, #tpu.memory_space<semaphore_mem>>)
        %dma_wait3A = tpu.memref_slice %arg2[%mul3A_45, %mul3A_26] : memref<320000x512xf32, #tpu.memory_space<hbm>> -> memref<128x128xf32, #tpu.memory_space<hbm>>
        %dma_wait3A_47 = tpu.memref_slice %arg2[%mul3A_45, %mul3A_26] : memref<320000x512xf32, #tpu.memory_space<hbm>> -> memref<128x128xf32, #tpu.memory_space<hbm>>
        tpu.wait_dma2 semaphore(%run_scoped3A : memref<!tpu.dma_semaphore, #tpu.memory_space<semaphore_mem>>) src(%dma_wait3A_47 : memref<128x128xf32, #tpu.memory_space<hbm>>) dst(%arg8 : memref<128x128xf32, #tpu.memory_space<vmem>>)
        tpu.yield
      }) : () -> ()
      "tpu.region"() ({
        %run_scoped3A = tpu.sem_alloc : memref<!tpu.dma_semaphore, #tpu.memory_space<semaphore_mem>>
        %dma_start3A = arith.constant 0 : i32
        %dma_start3A_46 = arith.constant 0 : i32
        %dma_start3A_47 = tpu.memref_slice %arg6[%dma_start3A, %dma_start3A_46] : memref<10000x128xf32, #tpu.memory_space<vmem_shared>> -> memref<10000x128xf32, #tpu.memory_space<vmem_shared>>
        tpu.enqueue_indirect_dma source(%arg8 : memref<128x128xf32, #tpu.memory_space<vmem>>) target(%dma_start3A_47 : memref<10000x128xf32, #tpu.memory_space<vmem_shared>>) offsets(%arg7 : memref<128xi32, #tpu.memory_space<vmem>>) semaphore(%run_scoped3A : memref<!tpu.dma_semaphore, #tpu.memory_space<semaphore_mem>>) {add = true}
        %dma_wait3A = arith.constant 0 : i32
        %dma_wait3A_48 = arith.constant 0 : i32
        %dma_wait3A_49 = tpu.memref_slice %arg6[%dma_wait3A, %dma_wait3A_48] : memref<10000x128xf32, #tpu.memory_space<vmem_shared>> -> memref<10000x128xf32, #tpu.memory_space<vmem_shared>>
        tpu.wait_indirect_dma semaphore(%run_scoped3A : memref<!tpu.dma_semaphore, #tpu.memory_space<semaphore_mem>>) src(%arg8 : memref<128x128xf32, #tpu.memory_space<vmem>>) dst(%dma_wait3A_49 : memref<10000x128xf32, #tpu.memory_space<vmem_shared>>)
        tpu.yield
      }) : () -> ()
    }
    %barrier3A_38 = arith.constant 0 : index
    tpu.barrier barrier_id(%barrier3A_38)
    "tpu.region"() ({
      %run_scoped3A = tpu.sem_alloc : memref<!tpu.dma_semaphore, #tpu.memory_space<semaphore_mem>>
      %dma_start3A = tpu.memref_slice %arg5[%mul3A_3, %mul3A_26] : memref<10000x512xf32, #tpu.memory_space<hbm>> -> memref<625x128xf32, #tpu.memory_space<hbm>>
      %dma_start3A_40 = arith.constant 0 : i32
      %dma_start3A_41 = tpu.memref_slice %arg6[%mul3A_3, %dma_start3A_40] : memref<10000x128xf32, #tpu.memory_space<vmem_shared>> -> memref<625x128xf32, #tpu.memory_space<vmem_shared>>
      tpu.enqueue_dma source(%dma_start3A_41 : memref<625x128xf32, #tpu.memory_space<vmem_shared>>) target(%dma_start3A : memref<625x128xf32, #tpu.memory_space<hbm>>) target_semaphore(%run_scoped3A : memref<!tpu.dma_semaphore, #tpu.memory_space<semaphore_mem>>)
      %dma_wait3A = tpu.memref_slice %arg5[%mul3A_3, %mul3A_26] : memref<10000x512xf32, #tpu.memory_space<hbm>> -> memref<625x128xf32, #tpu.memory_space<hbm>>
      %dma_wait3A_42 = arith.constant 0 : i32
      %dma_wait3A_43 = tpu.memref_slice %arg6[%mul3A_3, %dma_wait3A_42] : memref<10000x128xf32, #tpu.memory_space<vmem_shared>> -> memref<625x128xf32, #tpu.memory_space<vmem_shared>>
      tpu.wait_dma2 semaphore(%run_scoped3A : memref<!tpu.dma_semaphore, #tpu.memory_space<semaphore_mem>>) src(%dma_wait3A_43 : memref<625x128xf32, #tpu.memory_space<vmem_shared>>) dst(%dma_wait3A : memref<625x128xf32, #tpu.memory_space<hbm>>)
      tpu.yield
    }) : () -> ()
    %barrier3A_39 = arith.constant 0 : index
    tpu.barrier barrier_id(%barrier3A_39)
    return
  }
}

module attributes {stable_mosaic.version = 14 : i64} {
  func.func @_triplet_body(%arg0: i32, %arg1: memref<1600x16xf32, #tpu.memory_space<vmem>>, %arg2: memref<1600x16xf32, #tpu.memory_space<vmem>>, %arg3: memref<1600x16xf32, #tpu.memory_space<vmem>>, %arg4: memref<16x128xf32, #tpu.memory_space<vmem>>, %arg5: memref<16x128xf32, #tpu.memory_space<vmem>>, %arg6: memref<16x128xf32, #tpu.memory_space<vmem>>, %arg7: memref<128xf32, #tpu.memory_space<vmem>>, %arg8: memref<128x128xf32, #tpu.memory_space<vmem>>, %arg9: memref<128xf32, #tpu.memory_space<vmem>>, %arg10: memref<1600x128xf32, #tpu.memory_space<vmem>>) attributes {dimension_semantics = [#tpu.dimension_semantics<arbitrary>], iteration_bounds = array<i64: 400>, scalar_prefetch = 0 : i64, scratch_operands = 0 : i64, tpu.core_type = #tpu.core_type<tc>, window_params = [{transform_indices = @transform_0, window_bounds = array<i64: 1600, 16>}, {transform_indices = @transform_1, window_bounds = array<i64: 1600, 16>}, {transform_indices = @transform_2, window_bounds = array<i64: 1600, 16>}, {pipeline_mode = #tpu.pipeline_mode<synchronous>, transform_indices = @transform_3, window_bounds = array<i64: 16, 128>}, {pipeline_mode = #tpu.pipeline_mode<synchronous>, transform_indices = @transform_4, window_bounds = array<i64: 16, 128>}, {pipeline_mode = #tpu.pipeline_mode<synchronous>, transform_indices = @transform_5, window_bounds = array<i64: 16, 128>}, {pipeline_mode = #tpu.pipeline_mode<synchronous>, transform_indices = @transform_6, window_bounds = array<i64: 128>}, {pipeline_mode = #tpu.pipeline_mode<synchronous>, transform_indices = @transform_7, window_bounds = array<i64: 128, 128>}, {pipeline_mode = #tpu.pipeline_mode<synchronous>, transform_indices = @transform_8, window_bounds = array<i64: 128>}, {transform_indices = @transform_9, window_bounds = array<i64: 1600, 128>}]} {
    %get3A = arith.constant 0 : index
    %get3A_0 = arith.constant 0 : index
    %get3A_1 = vector.load %arg1[%get3A, %get3A_0] : memref<1600x16xf32, #tpu.memory_space<vmem>>, vector<1600x16xf32>
    %get3A_2 = arith.constant 0 : index
    %get3A_3 = arith.constant 0 : index
    %get3A_4 = vector.load %arg4[%get3A_2, %get3A_3] : memref<16x128xf32, #tpu.memory_space<vmem>>, vector<16x128xf32>
    %dot_general3A = arith.constant dense<0.000000e+00> : vector<1600x128xf32>
    %dot_general3A_5 = tpu.matmul %get3A_1, %get3A_4, %dot_general3A {dimension_numbers = #tpu.dot_dimension_numbers<[1], [0], [0], [1], [0, 0, 1, 1], [], []>, transpose_lhs_hint = false} : vector<1600x16xf32>, vector<16x128xf32>, vector<1600x128xf32> -> vector<1600x128xf32>
    %get3A_6 = arith.constant 0 : index
    %get3A_7 = arith.constant 0 : index
    %get3A_8 = vector.load %arg2[%get3A_6, %get3A_7] : memref<1600x16xf32, #tpu.memory_space<vmem>>, vector<1600x16xf32>
    %get3A_9 = arith.constant 0 : index
    %get3A_10 = arith.constant 0 : index
    %get3A_11 = vector.load %arg5[%get3A_9, %get3A_10] : memref<16x128xf32, #tpu.memory_space<vmem>>, vector<16x128xf32>
    %dot_general3A_12 = arith.constant dense<0.000000e+00> : vector<1600x128xf32>
    %dot_general3A_13 = tpu.matmul %get3A_8, %get3A_11, %dot_general3A_12 {dimension_numbers = #tpu.dot_dimension_numbers<[1], [0], [0], [1], [0, 0, 1, 1], [], []>, transpose_lhs_hint = false} : vector<1600x16xf32>, vector<16x128xf32>, vector<1600x128xf32> -> vector<1600x128xf32>
    %add3A = arith.addf %dot_general3A_5, %dot_general3A_13 : vector<1600x128xf32>
    %get3A_14 = arith.constant 0 : index
    %get3A_15 = arith.constant 0 : index
    %get3A_16 = vector.load %arg3[%get3A_14, %get3A_15] : memref<1600x16xf32, #tpu.memory_space<vmem>>, vector<1600x16xf32>
    %get3A_17 = arith.constant 0 : index
    %get3A_18 = arith.constant 0 : index
    %get3A_19 = vector.load %arg6[%get3A_17, %get3A_18] : memref<16x128xf32, #tpu.memory_space<vmem>>, vector<16x128xf32>
    %dot_general3A_20 = arith.constant dense<0.000000e+00> : vector<1600x128xf32>
    %dot_general3A_21 = tpu.matmul %get3A_16, %get3A_19, %dot_general3A_20 {dimension_numbers = #tpu.dot_dimension_numbers<[1], [0], [0], [1], [0, 0, 1, 1], [], []>, transpose_lhs_hint = false} : vector<1600x16xf32>, vector<16x128xf32>, vector<1600x128xf32> -> vector<1600x128xf32>
    %add3A_22 = arith.addf %add3A, %dot_general3A_21 : vector<1600x128xf32>
    %get3A_23 = arith.constant 0 : index
    %get3A_24 = vector.load %arg7[%get3A_23] : memref<128xf32, #tpu.memory_space<vmem>>, vector<128xf32>
    %broadcast_in_dim3A = vector.shape_cast %get3A_24 : vector<128xf32> to vector<1x128xf32>
    %add3A_25 = vector.broadcast %broadcast_in_dim3A : vector<1x128xf32> to vector<1600x128xf32>
    %add3A_26 = arith.addf %add3A_22, %add3A_25 : vector<1600x128xf32>
    %logistic3A = arith.negf %add3A_26 : vector<1600x128xf32>
    %logistic3A_27 = math.exp %logistic3A : vector<1600x128xf32>
    %logistic3A_28 = arith.constant 1.000000e+00 : f32
    %logistic3A_29 = vector.broadcast %logistic3A_28 : f32 to vector<1600x128xf32>
    %logistic3A_30 = arith.addf %logistic3A_29, %logistic3A_27 : vector<1600x128xf32>
    %logistic3A_31 = arith.divf %logistic3A_29, %logistic3A_30 : vector<1600x128xf32>
    %mul3A = arith.mulf %add3A_26, %logistic3A_31 : vector<1600x128xf32>
    %get3A_32 = arith.constant 0 : index
    %get3A_33 = arith.constant 0 : index
    %get3A_34 = vector.load %arg8[%get3A_32, %get3A_33] : memref<128x128xf32, #tpu.memory_space<vmem>>, vector<128x128xf32>
    %dot_general3A_35 = arith.constant dense<0.000000e+00> : vector<1600x128xf32>
    %dot_general3A_36 = tpu.matmul %mul3A, %get3A_34, %dot_general3A_35 {dimension_numbers = #tpu.dot_dimension_numbers<[1], [0], [0], [1], [0, 0, 1, 1], [], []>, transpose_lhs_hint = false} : vector<1600x128xf32>, vector<128x128xf32>, vector<1600x128xf32> -> vector<1600x128xf32>
    %get3A_37 = arith.constant 0 : index
    %get3A_38 = vector.load %arg9[%get3A_37] : memref<128xf32, #tpu.memory_space<vmem>>, vector<128xf32>
    %broadcast_in_dim3A_39 = vector.shape_cast %get3A_38 : vector<128xf32> to vector<1x128xf32>
    %add3A_40 = vector.broadcast %broadcast_in_dim3A_39 : vector<1x128xf32> to vector<1600x128xf32>
    %add3A_41 = arith.addf %dot_general3A_36, %add3A_40 : vector<1600x128xf32>
    %swap3A = arith.constant 0 : index
    %swap3A_42 = arith.constant 0 : index
    %swap3A_43 = vector.load %arg10[%swap3A, %swap3A_42] : memref<1600x128xf32, #tpu.memory_space<vmem>>, vector<1600x128xf32>
    tpu.vector_store %arg10[%swap3A, %swap3A_42], %add3A_41 {strides = array<i32>} : memref<1600x128xf32, #tpu.memory_space<vmem>>, vector<1600x128xf32>,
    return
  }
  func.func @transform_0(%arg0: i32) -> (i32, i32) {
    %c0_i32 = arith.constant 0 : i32
    %c0_i32_0 = arith.constant 0 : i32
    return %arg0, %c0_i32 : i32, i32
  }
  func.func @transform_1(%arg0: i32) -> (i32, i32) {
    %c0_i32 = arith.constant 0 : i32
    %c0_i32_0 = arith.constant 0 : i32
    return %arg0, %c0_i32 : i32, i32
  }
  func.func @transform_2(%arg0: i32) -> (i32, i32) {
    %c0_i32 = arith.constant 0 : i32
    %c0_i32_0 = arith.constant 0 : i32
    return %arg0, %c0_i32 : i32, i32
  }
  func.func @transform_3(%arg0: i32) -> (i32, i32) {
    %c0_i32 = arith.constant 0 : i32
    %c0_i32_0 = arith.constant 0 : i32
    %c0_i32_1 = arith.constant 0 : i32
    return %c0_i32, %c0_i32_0 : i32, i32
  }
  func.func @transform_4(%arg0: i32) -> (i32, i32) {
    %c0_i32 = arith.constant 0 : i32
    %c0_i32_0 = arith.constant 0 : i32
    %c0_i32_1 = arith.constant 0 : i32
    return %c0_i32, %c0_i32_0 : i32, i32
  }
  func.func @transform_5(%arg0: i32) -> (i32, i32) {
    %c0_i32 = arith.constant 0 : i32
    %c0_i32_0 = arith.constant 0 : i32
    %c0_i32_1 = arith.constant 0 : i32
    return %c0_i32, %c0_i32_0 : i32, i32
  }
  func.func @transform_6(%arg0: i32) -> i32 {
    %c0_i32 = arith.constant 0 : i32
    %c0_i32_0 = arith.constant 0 : i32
    return %c0_i32 : i32
  }
  func.func @transform_7(%arg0: i32) -> (i32, i32) {
    %c0_i32 = arith.constant 0 : i32
    %c0_i32_0 = arith.constant 0 : i32
    %c0_i32_1 = arith.constant 0 : i32
    return %c0_i32, %c0_i32_0 : i32, i32
  }
  func.func @transform_8(%arg0: i32) -> i32 {
    %c0_i32 = arith.constant 0 : i32
    %c0_i32_0 = arith.constant 0 : i32
    return %c0_i32 : i32
  }
  func.func @transform_9(%arg0: i32) -> (i32, i32) {
    %c0_i32 = arith.constant 0 : i32
    %c0_i32_0 = arith.constant 0 : i32
    return %arg0, %c0_i32 : i32, i32
  }
}

module attributes {stable_mosaic.version = 14 : i64} {
  func.func @_edge_body(%arg0: i32, %arg1: memref<1600x128xf32, #tpu.memory_space<vmem>>, %arg2: memref<1600x128xf32, #tpu.memory_space<vmem>>, %arg3: memref<1600x16xf32, #tpu.memory_space<vmem>>, %arg4: memref<1600x128xf32, #tpu.memory_space<vmem>>, %arg5: memref<1600x3xf32, #tpu.memory_space<vmem>>, %arg6: memref<128x128xf32, #tpu.memory_space<vmem>>, %arg7: memref<128x128xf32, #tpu.memory_space<vmem>>, %arg8: memref<16x128xf32, #tpu.memory_space<vmem>>, %arg9: memref<128x128xf32, #tpu.memory_space<vmem>>, %arg10: memref<128xf32, #tpu.memory_space<vmem>>, %arg11: memref<128x256xf32, #tpu.memory_space<vmem>>, %arg12: memref<256xf32, #tpu.memory_space<vmem>>, %arg13: memref<1600x512xf32, #tpu.memory_space<vmem>>) attributes {dimension_semantics = [#tpu.dimension_semantics<arbitrary>], iteration_bounds = array<i64: 200>, scalar_prefetch = 0 : i64, scratch_operands = 0 : i64, tpu.core_type = #tpu.core_type<tc>, window_params = [{transform_indices = @transform_0, window_bounds = array<i64: 1600, 128>}, {transform_indices = @transform_1, window_bounds = array<i64: 1600, 128>}, {transform_indices = @transform_2, window_bounds = array<i64: 1600, 16>}, {transform_indices = @transform_3, window_bounds = array<i64: 1600, 128>}, {transform_indices = @transform_4, window_bounds = array<i64: 1600, 3>}, {pipeline_mode = #tpu.pipeline_mode<synchronous>, transform_indices = @transform_5, window_bounds = array<i64: 128, 128>}, {pipeline_mode = #tpu.pipeline_mode<synchronous>, transform_indices = @transform_6, window_bounds = array<i64: 128, 128>}, {pipeline_mode = #tpu.pipeline_mode<synchronous>, transform_indices = @transform_7, window_bounds = array<i64: 16, 128>}, {pipeline_mode = #tpu.pipeline_mode<synchronous>, transform_indices = @transform_8, window_bounds = array<i64: 128, 128>}, {pipeline_mode = #tpu.pipeline_mode<synchronous>, transform_indices = @transform_9, window_bounds = array<i64: 128>}, {pipeline_mode = #tpu.pipeline_mode<synchronous>, transform_indices = @transform_10, window_bounds = array<i64: 128, 256>}, {pipeline_mode = #tpu.pipeline_mode<synchronous>, transform_indices = @transform_11, window_bounds = array<i64: 256>}, {transform_indices = @transform_12, window_bounds = array<i64: 1600, 512>}]} {
    %get3A = arith.constant 0 : index
    %get3A_0 = arith.constant 0 : index
    %get3A_1 = vector.load %arg1[%get3A, %get3A_0] : memref<1600x128xf32, #tpu.memory_space<vmem>>, vector<1600x128xf32>
    %get3A_2 = arith.constant 0 : index
    %get3A_3 = arith.constant 0 : index
    %get3A_4 = vector.load %arg6[%get3A_2, %get3A_3] : memref<128x128xf32, #tpu.memory_space<vmem>>, vector<128x128xf32>
    %dot_general3A = arith.constant dense<0.000000e+00> : vector<1600x128xf32>
    %dot_general3A_5 = tpu.matmul %get3A_1, %get3A_4, %dot_general3A {dimension_numbers = #tpu.dot_dimension_numbers<[1], [0], [0], [1], [0, 0, 1, 1], [], []>, transpose_lhs_hint = false} : vector<1600x128xf32>, vector<128x128xf32>, vector<1600x128xf32> -> vector<1600x128xf32>
    %get3A_6 = arith.constant 0 : index
    %get3A_7 = arith.constant 0 : index
    %get3A_8 = vector.load %arg2[%get3A_6, %get3A_7] : memref<1600x128xf32, #tpu.memory_space<vmem>>, vector<1600x128xf32>
    %get3A_9 = arith.constant 0 : index
    %get3A_10 = arith.constant 0 : index
    %get3A_11 = vector.load %arg7[%get3A_9, %get3A_10] : memref<128x128xf32, #tpu.memory_space<vmem>>, vector<128x128xf32>
    %dot_general3A_12 = arith.constant dense<0.000000e+00> : vector<1600x128xf32>
    %dot_general3A_13 = tpu.matmul %get3A_8, %get3A_11, %dot_general3A_12 {dimension_numbers = #tpu.dot_dimension_numbers<[1], [0], [0], [1], [0, 0, 1, 1], [], []>, transpose_lhs_hint = false} : vector<1600x128xf32>, vector<128x128xf32>, vector<1600x128xf32> -> vector<1600x128xf32>
    %add3A = arith.addf %dot_general3A_5, %dot_general3A_13 : vector<1600x128xf32>
    %get3A_14 = arith.constant 0 : index
    %get3A_15 = arith.constant 0 : index
    %get3A_16 = vector.load %arg3[%get3A_14, %get3A_15] : memref<1600x16xf32, #tpu.memory_space<vmem>>, vector<1600x16xf32>
    %get3A_17 = arith.constant 0 : index
    %get3A_18 = arith.constant 0 : index
    %get3A_19 = vector.load %arg8[%get3A_17, %get3A_18] : memref<16x128xf32, #tpu.memory_space<vmem>>, vector<16x128xf32>
    %dot_general3A_20 = arith.constant dense<0.000000e+00> : vector<1600x128xf32>
    %dot_general3A_21 = tpu.matmul %get3A_16, %get3A_19, %dot_general3A_20 {dimension_numbers = #tpu.dot_dimension_numbers<[1], [0], [0], [1], [0, 0, 1, 1], [], []>, transpose_lhs_hint = false} : vector<1600x16xf32>, vector<16x128xf32>, vector<1600x128xf32> -> vector<1600x128xf32>
    %add3A_22 = arith.addf %add3A, %dot_general3A_21 : vector<1600x128xf32>
    %get3A_23 = arith.constant 0 : index
    %get3A_24 = arith.constant 0 : index
    %get3A_25 = vector.load %arg4[%get3A_23, %get3A_24] : memref<1600x128xf32, #tpu.memory_space<vmem>>, vector<1600x128xf32>
    %get3A_26 = arith.constant 0 : index
    %get3A_27 = arith.constant 0 : index
    %get3A_28 = vector.load %arg9[%get3A_26, %get3A_27] : memref<128x128xf32, #tpu.memory_space<vmem>>, vector<128x128xf32>
    %dot_general3A_29 = arith.constant dense<0.000000e+00> : vector<1600x128xf32>
    %dot_general3A_30 = tpu.matmul %get3A_25, %get3A_28, %dot_general3A_29 {dimension_numbers = #tpu.dot_dimension_numbers<[1], [0], [0], [1], [0, 0, 1, 1], [], []>, transpose_lhs_hint = false} : vector<1600x128xf32>, vector<128x128xf32>, vector<1600x128xf32> -> vector<1600x128xf32>
    %add3A_31 = arith.addf %add3A_22, %dot_general3A_30 : vector<1600x128xf32>
    %get3A_32 = arith.constant 0 : index
    %get3A_33 = vector.load %arg10[%get3A_32] : memref<128xf32, #tpu.memory_space<vmem>>, vector<128xf32>
    %broadcast_in_dim3A = vector.shape_cast %get3A_33 : vector<128xf32> to vector<1x128xf32>
    %add3A_34 = vector.broadcast %broadcast_in_dim3A : vector<1x128xf32> to vector<1600x128xf32>
    %add3A_35 = arith.addf %add3A_31, %add3A_34 : vector<1600x128xf32>
    %logistic3A = arith.negf %add3A_35 : vector<1600x128xf32>
    %logistic3A_36 = math.exp %logistic3A : vector<1600x128xf32>
    %logistic3A_37 = arith.constant 1.000000e+00 : f32
    %logistic3A_38 = vector.broadcast %logistic3A_37 : f32 to vector<1600x128xf32>
    %logistic3A_39 = arith.addf %logistic3A_38, %logistic3A_36 : vector<1600x128xf32>
    %logistic3A_40 = arith.divf %logistic3A_38, %logistic3A_39 : vector<1600x128xf32>
    %mul3A = arith.mulf %add3A_35, %logistic3A_40 : vector<1600x128xf32>
    %get3A_41 = arith.constant 0 : index
    %get3A_42 = arith.constant 0 : index
    %get3A_43 = vector.load %arg11[%get3A_41, %get3A_42] : memref<128x256xf32, #tpu.memory_space<vmem>>, vector<128x256xf32>
    %dot_general3A_44 = arith.constant dense<0.000000e+00> : vector<1600x256xf32>
    %dot_general3A_45 = tpu.matmul %mul3A, %get3A_43, %dot_general3A_44 {dimension_numbers = #tpu.dot_dimension_numbers<[1], [0], [0], [1], [0, 0, 1, 1], [], []>, transpose_lhs_hint = false} : vector<1600x128xf32>, vector<128x256xf32>, vector<1600x256xf32> -> vector<1600x256xf32>
    %get3A_46 = arith.constant 0 : index
    %get3A_47 = vector.load %arg12[%get3A_46] : memref<256xf32, #tpu.memory_space<vmem>>, vector<256xf32>
    %broadcast_in_dim3A_48 = vector.shape_cast %get3A_47 : vector<256xf32> to vector<1x256xf32>
    %add3A_49 = vector.broadcast %broadcast_in_dim3A_48 : vector<1x256xf32> to vector<1600x256xf32>
    %add3A_50 = arith.addf %dot_general3A_45, %add3A_49 : vector<1600x256xf32>
    %slice3A = vector.extract_strided_slice %add3A_50 {offsets = [0, 0], sizes = [1600, 128], strides = [1, 1]} : vector<1600x256xf32> to vector<1600x128xf32>
    %slice3A_51 = vector.extract_strided_slice %add3A_50 {offsets = [0, 128], sizes = [1600, 128], strides = [1, 1]} : vector<1600x256xf32> to vector<1600x128xf32>
    %get3A_52 = arith.constant 0 : index
    %get3A_53 = arith.constant 0 : index
    %get3A_54 = vector.load %arg5[%get3A_52, %get3A_53] : memref<1600x3xf32, #tpu.memory_space<vmem>>, vector<1600x3xf32>
    %slice3A_55 = vector.extract_strided_slice %get3A_54 {offsets = [0, 0], sizes = [1600, 1], strides = [1, 1]} : vector<1600x3xf32> to vector<1600x1xf32>
    %mul3A_56 = vector.broadcast %slice3A_55 : vector<1600x1xf32> to vector<1600x128xf32>
    %mul3A_57 = arith.mulf %slice3A_51, %mul3A_56 : vector<1600x128xf32>
    %slice3A_58 = vector.extract_strided_slice %get3A_54 {offsets = [0, 1], sizes = [1600, 1], strides = [1, 1]} : vector<1600x3xf32> to vector<1600x1xf32>
    %mul3A_59 = vector.broadcast %slice3A_58 : vector<1600x1xf32> to vector<1600x128xf32>
    %mul3A_60 = arith.mulf %slice3A_51, %mul3A_59 : vector<1600x128xf32>
    %slice3A_61 = vector.extract_strided_slice %get3A_54 {offsets = [0, 2], sizes = [1600, 1], strides = [1, 1]} : vector<1600x3xf32> to vector<1600x1xf32>
    %mul3A_62 = vector.broadcast %slice3A_61 : vector<1600x1xf32> to vector<1600x128xf32>
    %mul3A_63 = arith.mulf %slice3A_51, %mul3A_62 : vector<1600x128xf32>
    %concatenate3A = tpu.concatenate %slice3A, %mul3A_57, %mul3A_60, %mul3A_63 in 1 : vector<1600x128xf32>, vector<1600x128xf32>, vector<1600x128xf32>, vector<1600x128xf32> -> vector<1600x512xf32>
    %swap3A = arith.constant 0 : index
    %swap3A_64 = arith.constant 0 : index
    %swap3A_65 = vector.load %arg13[%swap3A, %swap3A_64] : memref<1600x512xf32, #tpu.memory_space<vmem>>, vector<1600x512xf32>
    tpu.vector_store %arg13[%swap3A, %swap3A_64], %concatenate3A {strides = array<i32>} : memref<1600x512xf32, #tpu.memory_space<vmem>>, vector<1600x512xf32>,
    return
  }
  func.func @transform_0(%arg0: i32) -> (i32, i32) {
    %c0_i32 = arith.constant 0 : i32
    %c0_i32_0 = arith.constant 0 : i32
    return %arg0, %c0_i32 : i32, i32
  }
  func.func @transform_1(%arg0: i32) -> (i32, i32) {
    %c0_i32 = arith.constant 0 : i32
    %c0_i32_0 = arith.constant 0 : i32
    return %arg0, %c0_i32 : i32, i32
  }
  func.func @transform_2(%arg0: i32) -> (i32, i32) {
    %c0_i32 = arith.constant 0 : i32
    %c0_i32_0 = arith.constant 0 : i32
    return %arg0, %c0_i32 : i32, i32
  }
  func.func @transform_3(%arg0: i32) -> (i32, i32) {
    %c0_i32 = arith.constant 0 : i32
    %c0_i32_0 = arith.constant 0 : i32
    return %arg0, %c0_i32 : i32, i32
  }
  func.func @transform_4(%arg0: i32) -> (i32, i32) {
    %c0_i32 = arith.constant 0 : i32
    %c0_i32_0 = arith.constant 0 : i32
    return %arg0, %c0_i32 : i32, i32
  }
  func.func @transform_5(%arg0: i32) -> (i32, i32) {
    %c0_i32 = arith.constant 0 : i32
    %c0_i32_0 = arith.constant 0 : i32
    %c0_i32_1 = arith.constant 0 : i32
    return %c0_i32, %c0_i32_0 : i32, i32
  }
  func.func @transform_6(%arg0: i32) -> (i32, i32) {
    %c0_i32 = arith.constant 0 : i32
    %c0_i32_0 = arith.constant 0 : i32
    %c0_i32_1 = arith.constant 0 : i32
    return %c0_i32, %c0_i32_0 : i32, i32
  }
  func.func @transform_7(%arg0: i32) -> (i32, i32) {
    %c0_i32 = arith.constant 0 : i32
    %c0_i32_0 = arith.constant 0 : i32
    %c0_i32_1 = arith.constant 0 : i32
    return %c0_i32, %c0_i32_0 : i32, i32
  }
  func.func @transform_8(%arg0: i32) -> (i32, i32) {
    %c0_i32 = arith.constant 0 : i32
    %c0_i32_0 = arith.constant 0 : i32
    %c0_i32_1 = arith.constant 0 : i32
    return %c0_i32, %c0_i32_0 : i32, i32
  }
  func.func @transform_9(%arg0: i32) -> i32 {
    %c0_i32 = arith.constant 0 : i32
    %c0_i32_0 = arith.constant 0 : i32
    return %c0_i32 : i32
  }
  func.func @transform_10(%arg0: i32) -> (i32, i32) {
    %c0_i32 = arith.constant 0 : i32
    %c0_i32_0 = arith.constant 0 : i32
    %c0_i32_1 = arith.constant 0 : i32
    return %c0_i32, %c0_i32_0 : i32, i32
  }
  func.func @transform_11(%arg0: i32) -> i32 {
    %c0_i32 = arith.constant 0 : i32
    %c0_i32_0 = arith.constant 0 : i32
    return %c0_i32 : i32
  }
  func.func @transform_12(%arg0: i32) -> (i32, i32) {
    %c0_i32 = arith.constant 0 : i32
    %c0_i32_0 = arith.constant 0 : i32
    return %arg0, %c0_i32 : i32, i32
  }
}

module attributes {stable_mosaic.version = 14 : i64} {
  func.func @_node_body(%arg0: i32, %arg1: memref<1000x128xf32, #tpu.memory_space<vmem>>, %arg2: memref<1000x512xf32, #tpu.memory_space<vmem>>, %arg3: memref<3x1000x128xf32, #tpu.memory_space<vmem>>, %arg4: memref<128x128xf32, #tpu.memory_space<vmem>>, %arg5: memref<128x128xf32, #tpu.memory_space<vmem>>, %arg6: memref<128x128xf32, #tpu.memory_space<vmem>>, %arg7: memref<128xf32, #tpu.memory_space<vmem>>, %arg8: memref<128x128xf32, #tpu.memory_space<vmem>>, %arg9: memref<128xf32, #tpu.memory_space<vmem>>, %arg10: memref<128x128xf32, #tpu.memory_space<vmem>>, %arg11: memref<128x128xf32, #tpu.memory_space<vmem>>, %arg12: memref<128x128xf32, #tpu.memory_space<vmem>>, %arg13: memref<128xf32, #tpu.memory_space<vmem>>, %arg14: memref<128x128xf32, #tpu.memory_space<vmem>>, %arg15: memref<128xf32, #tpu.memory_space<vmem>>, %arg16: memref<128xf32, #tpu.memory_space<vmem>>, %arg17: memref<128xf32, #tpu.memory_space<vmem>>, %arg18: memref<1000x128xf32, #tpu.memory_space<vmem>>, %arg19: memref<3x1000x128xf32, #tpu.memory_space<vmem>>) attributes {dimension_semantics = [#tpu.dimension_semantics<arbitrary>], iteration_bounds = array<i64: 10>, scalar_prefetch = 0 : i64, scratch_operands = 0 : i64, tpu.core_type = #tpu.core_type<tc>, window_params = [{transform_indices = @transform_0, window_bounds = array<i64: 1000, 128>}, {transform_indices = @transform_1, window_bounds = array<i64: 1000, 512>}, {transform_indices = @transform_2, window_bounds = array<i64: 3, 1000, 128>}, {pipeline_mode = #tpu.pipeline_mode<synchronous>, transform_indices = @transform_3, window_bounds = array<i64: 128, 128>}, {pipeline_mode = #tpu.pipeline_mode<synchronous>, transform_indices = @transform_4, window_bounds = array<i64: 128, 128>}, {pipeline_mode = #tpu.pipeline_mode<synchronous>, transform_indices = @transform_5, window_bounds = array<i64: 128, 128>}, {pipeline_mode = #tpu.pipeline_mode<synchronous>, transform_indices = @transform_6, window_bounds = array<i64: 128>}, {pipeline_mode = #tpu.pipeline_mode<synchronous>, transform_indices = @transform_7, window_bounds = array<i64: 128, 128>}, {pipeline_mode = #tpu.pipeline_mode<synchronous>, transform_indices = @transform_8, window_bounds = array<i64: 128>}, {pipeline_mode = #tpu.pipeline_mode<synchronous>, transform_indices = @transform_9, window_bounds = array<i64: 128, 128>}, {pipeline_mode = #tpu.pipeline_mode<synchronous>, transform_indices = @transform_10, window_bounds = array<i64: 128, 128>}, {pipeline_mode = #tpu.pipeline_mode<synchronous>, transform_indices = @transform_11, window_bounds = array<i64: 128, 128>}, {pipeline_mode = #tpu.pipeline_mode<synchronous>, transform_indices = @transform_12, window_bounds = array<i64: 128>}, {pipeline_mode = #tpu.pipeline_mode<synchronous>, transform_indices = @transform_13, window_bounds = array<i64: 128, 128>}, {pipeline_mode = #tpu.pipeline_mode<synchronous>, transform_indices = @transform_14, window_bounds = array<i64: 128>}, {pipeline_mode = #tpu.pipeline_mode<synchronous>, transform_indices = @transform_15, window_bounds = array<i64: 128>}, {pipeline_mode = #tpu.pipeline_mode<synchronous>, transform_indices = @transform_16, window_bounds = array<i64: 128>}, {transform_indices = @transform_17, window_bounds = array<i64: 1000, 128>}, {transform_indices = @transform_18, window_bounds = array<i64: 3, 1000, 128>}]} {
    %get3A = arith.constant 0 : index
    %get3A_0 = arith.constant 0 : index
    %get3A_1 = vector.load %arg1[%get3A, %get3A_0] : memref<1000x128xf32, #tpu.memory_space<vmem>>, vector<1000x128xf32>
    %get3A_2 = arith.constant 0 : index
    %get3A_3 = arith.constant 0 : index
    %get3A_4 = vector.load %arg2[%get3A_2, %get3A_3] : memref<1000x512xf32, #tpu.memory_space<vmem>>, vector<1000x128xf32>
    %get3A_5 = arith.constant 0 : index
    %get3A_6 = arith.constant 0 : index
    %get3A_7 = arith.constant 0 : index
    %get3A_8 = vector.load %arg3[%get3A_5, %get3A_6, %get3A_7] : memref<3x1000x128xf32, #tpu.memory_space<vmem>>, vector<1x1000x128xf32>
    %get3A_9 = vector.shape_cast %get3A_8 : vector<1x1000x128xf32> to vector<1000x128xf32>
    %get3A_10 = arith.constant 1 : index
    %get3A_11 = arith.constant 0 : index
    %get3A_12 = arith.constant 0 : index
    %get3A_13 = vector.load %arg3[%get3A_10, %get3A_11, %get3A_12] : memref<3x1000x128xf32, #tpu.memory_space<vmem>>, vector<1x1000x128xf32>
    %get3A_14 = vector.shape_cast %get3A_13 : vector<1x1000x128xf32> to vector<1000x128xf32>
    %get3A_15 = arith.constant 2 : index
    %get3A_16 = arith.constant 0 : index
    %get3A_17 = arith.constant 0 : index
    %get3A_18 = vector.load %arg3[%get3A_15, %get3A_16, %get3A_17] : memref<3x1000x128xf32, #tpu.memory_space<vmem>>, vector<1x1000x128xf32>
    %get3A_19 = vector.shape_cast %get3A_18 : vector<1x1000x128xf32> to vector<1000x128xf32>
    %mul3A = arith.mulf %get3A_9, %get3A_9 : vector<1000x128xf32>
    %mul3A_20 = arith.mulf %get3A_14, %get3A_14 : vector<1000x128xf32>
    %add3A = arith.addf %mul3A, %mul3A_20 : vector<1000x128xf32>
    %mul3A_21 = arith.mulf %get3A_19, %get3A_19 : vector<1000x128xf32>
    %add3A_22 = arith.addf %add3A, %mul3A_21 : vector<1000x128xf32>
    %sqrt3A = math.sqrt %add3A_22 : vector<1000x128xf32>
    %get3A_23 = arith.constant 0 : index
    %get3A_24 = arith.constant 0 : index
    %get3A_25 = vector.load %arg4[%get3A_23, %get3A_24] : memref<128x128xf32, #tpu.memory_space<vmem>>, vector<128x128xf32>
    %get3A_26 = arith.constant 0 : index
    %get3A_27 = arith.constant 0 : index
    %get3A_28 = vector.load %arg5[%get3A_26, %get3A_27] : memref<128x128xf32, #tpu.memory_space<vmem>>, vector<128x128xf32>
    %get3A_29 = arith.constant 0 : index
    %get3A_30 = arith.constant 0 : index
    %get3A_31 = vector.load %arg6[%get3A_29, %get3A_30] : memref<128x128xf32, #tpu.memory_space<vmem>>, vector<128x128xf32>
    %get3A_32 = arith.constant 0 : index
    %get3A_33 = vector.load %arg7[%get3A_32] : memref<128xf32, #tpu.memory_space<vmem>>, vector<128xf32>
    %get3A_34 = arith.constant 0 : index
    %get3A_35 = arith.constant 0 : index
    %get3A_36 = vector.load %arg8[%get3A_34, %get3A_35] : memref<128x128xf32, #tpu.memory_space<vmem>>, vector<128x128xf32>
    %get3A_37 = arith.constant 0 : index
    %get3A_38 = vector.load %arg9[%get3A_37] : memref<128xf32, #tpu.memory_space<vmem>>, vector<128xf32>
    %dot_general3A = arith.constant dense<0.000000e+00> : vector<1000x128xf32>
    %dot_general3A_39 = tpu.matmul %get3A_1, %get3A_25, %dot_general3A {dimension_numbers = #tpu.dot_dimension_numbers<[1], [0], [0], [1], [0, 0, 1, 1], [], []>, transpose_lhs_hint = false} : vector<1000x128xf32>, vector<128x128xf32>, vector<1000x128xf32> -> vector<1000x128xf32>
    %dot_general3A_40 = arith.constant dense<0.000000e+00> : vector<1000x128xf32>
    %dot_general3A_41 = tpu.matmul %get3A_4, %get3A_28, %dot_general3A_40 {dimension_numbers = #tpu.dot_dimension_numbers<[1], [0], [0], [1], [0, 0, 1, 1], [], []>, transpose_lhs_hint = false} : vector<1000x128xf32>, vector<128x128xf32>, vector<1000x128xf32> -> vector<1000x128xf32>
    %add3A_42 = arith.addf %dot_general3A_39, %dot_general3A_41 : vector<1000x128xf32>
    %dot_general3A_43 = arith.constant dense<0.000000e+00> : vector<1000x128xf32>
    %dot_general3A_44 = tpu.matmul %sqrt3A, %get3A_31, %dot_general3A_43 {dimension_numbers = #tpu.dot_dimension_numbers<[1], [0], [0], [1], [0, 0, 1, 1], [], []>, transpose_lhs_hint = false} : vector<1000x128xf32>, vector<128x128xf32>, vector<1000x128xf32> -> vector<1000x128xf32>
    %add3A_45 = arith.addf %add3A_42, %dot_general3A_44 : vector<1000x128xf32>
    %broadcast_in_dim3A = vector.shape_cast %get3A_33 : vector<128xf32> to vector<1x128xf32>
    %add3A_46 = vector.broadcast %broadcast_in_dim3A : vector<1x128xf32> to vector<1000x128xf32>
    %add3A_47 = arith.addf %add3A_45, %add3A_46 : vector<1000x128xf32>
    %logistic3A = arith.negf %add3A_47 : vector<1000x128xf32>
    %logistic3A_48 = math.exp %logistic3A : vector<1000x128xf32>
    %logistic3A_49 = arith.constant 1.000000e+00 : f32
    %logistic3A_50 = vector.broadcast %logistic3A_49 : f32 to vector<1000x128xf32>
    %logistic3A_51 = arith.addf %logistic3A_50, %logistic3A_48 : vector<1000x128xf32>
    %logistic3A_52 = arith.divf %logistic3A_50, %logistic3A_51 : vector<1000x128xf32>
    %mul3A_53 = arith.mulf %add3A_47, %logistic3A_52 : vector<1000x128xf32>
    %dot_general3A_54 = arith.constant dense<0.000000e+00> : vector<1000x128xf32>
    %dot_general3A_55 = tpu.matmul %mul3A_53, %get3A_36, %dot_general3A_54 {dimension_numbers = #tpu.dot_dimension_numbers<[1], [0], [0], [1], [0, 0, 1, 1], [], []>, transpose_lhs_hint = false} : vector<1000x128xf32>, vector<128x128xf32>, vector<1000x128xf32> -> vector<1000x128xf32>
    %broadcast_in_dim3A_56 = vector.shape_cast %get3A_38 : vector<128xf32> to vector<1x128xf32>
    %add3A_57 = vector.broadcast %broadcast_in_dim3A_56 : vector<1x128xf32> to vector<1000x128xf32>
    %add3A_58 = arith.addf %dot_general3A_55, %add3A_57 : vector<1000x128xf32>
    %add3A_59 = arith.addf %get3A_1, %add3A_58 : vector<1000x128xf32>
    %get3A_60 = arith.constant 0 : index
    %get3A_61 = arith.constant 0 : index
    %get3A_62 = vector.load %arg10[%get3A_60, %get3A_61] : memref<128x128xf32, #tpu.memory_space<vmem>>, vector<128x128xf32>
    %get3A_63 = arith.constant 0 : index
    %get3A_64 = arith.constant 0 : index
    %get3A_65 = vector.load %arg11[%get3A_63, %get3A_64] : memref<128x128xf32, #tpu.memory_space<vmem>>, vector<128x128xf32>
    %get3A_66 = arith.constant 0 : index
    %get3A_67 = arith.constant 0 : index
    %get3A_68 = vector.load %arg12[%get3A_66, %get3A_67] : memref<128x128xf32, #tpu.memory_space<vmem>>, vector<128x128xf32>
    %get3A_69 = arith.constant 0 : index
    %get3A_70 = vector.load %arg13[%get3A_69] : memref<128xf32, #tpu.memory_space<vmem>>, vector<128xf32>
    %get3A_71 = arith.constant 0 : index
    %get3A_72 = arith.constant 0 : index
    %get3A_73 = vector.load %arg14[%get3A_71, %get3A_72] : memref<128x128xf32, #tpu.memory_space<vmem>>, vector<128x128xf32>
    %get3A_74 = arith.constant 0 : index
    %get3A_75 = vector.load %arg15[%get3A_74] : memref<128xf32, #tpu.memory_space<vmem>>, vector<128xf32>
    %dot_general3A_76 = arith.constant dense<0.000000e+00> : vector<1000x128xf32>
    %dot_general3A_77 = tpu.matmul %get3A_1, %get3A_62, %dot_general3A_76 {dimension_numbers = #tpu.dot_dimension_numbers<[1], [0], [0], [1], [0, 0, 1, 1], [], []>, transpose_lhs_hint = false} : vector<1000x128xf32>, vector<128x128xf32>, vector<1000x128xf32> -> vector<1000x128xf32>
    %dot_general3A_78 = arith.constant dense<0.000000e+00> : vector<1000x128xf32>
    %dot_general3A_79 = tpu.matmul %get3A_4, %get3A_65, %dot_general3A_78 {dimension_numbers = #tpu.dot_dimension_numbers<[1], [0], [0], [1], [0, 0, 1, 1], [], []>, transpose_lhs_hint = false} : vector<1000x128xf32>, vector<128x128xf32>, vector<1000x128xf32> -> vector<1000x128xf32>
    %add3A_80 = arith.addf %dot_general3A_77, %dot_general3A_79 : vector<1000x128xf32>
    %dot_general3A_81 = arith.constant dense<0.000000e+00> : vector<1000x128xf32>
    %dot_general3A_82 = tpu.matmul %sqrt3A, %get3A_68, %dot_general3A_81 {dimension_numbers = #tpu.dot_dimension_numbers<[1], [0], [0], [1], [0, 0, 1, 1], [], []>, transpose_lhs_hint = false} : vector<1000x128xf32>, vector<128x128xf32>, vector<1000x128xf32> -> vector<1000x128xf32>
    %add3A_83 = arith.addf %add3A_80, %dot_general3A_82 : vector<1000x128xf32>
    %broadcast_in_dim3A_84 = vector.shape_cast %get3A_70 : vector<128xf32> to vector<1x128xf32>
    %add3A_85 = vector.broadcast %broadcast_in_dim3A_84 : vector<1x128xf32> to vector<1000x128xf32>
    %add3A_86 = arith.addf %add3A_83, %add3A_85 : vector<1000x128xf32>
    %logistic3A_87 = arith.negf %add3A_86 : vector<1000x128xf32>
    %logistic3A_88 = math.exp %logistic3A_87 : vector<1000x128xf32>
    %logistic3A_89 = arith.constant 1.000000e+00 : f32
    %logistic3A_90 = vector.broadcast %logistic3A_89 : f32 to vector<1000x128xf32>
    %logistic3A_91 = arith.addf %logistic3A_90, %logistic3A_88 : vector<1000x128xf32>
    %logistic3A_92 = arith.divf %logistic3A_90, %logistic3A_91 : vector<1000x128xf32>
    %mul3A_93 = arith.mulf %add3A_86, %logistic3A_92 : vector<1000x128xf32>
    %dot_general3A_94 = arith.constant dense<0.000000e+00> : vector<1000x128xf32>
    %dot_general3A_95 = tpu.matmul %mul3A_93, %get3A_73, %dot_general3A_94 {dimension_numbers = #tpu.dot_dimension_numbers<[1], [0], [0], [1], [0, 0, 1, 1], [], []>, transpose_lhs_hint = false} : vector<1000x128xf32>, vector<128x128xf32>, vector<1000x128xf32> -> vector<1000x128xf32>
    %broadcast_in_dim3A_96 = vector.shape_cast %get3A_75 : vector<128xf32> to vector<1x128xf32>
    %add3A_97 = vector.broadcast %broadcast_in_dim3A_96 : vector<1x128xf32> to vector<1000x128xf32>
    %add3A_98 = arith.addf %dot_general3A_95, %add3A_97 : vector<1000x128xf32>
    %logistic3A_99 = arith.negf %add3A_98 : vector<1000x128xf32>
    %logistic3A_100 = math.exp %logistic3A_99 : vector<1000x128xf32>
    %logistic3A_101 = arith.constant 1.000000e+00 : f32
    %logistic3A_102 = vector.broadcast %logistic3A_101 : f32 to vector<1000x128xf32>
    %logistic3A_103 = arith.addf %logistic3A_102, %logistic3A_100 : vector<1000x128xf32>
    %logistic3A_104 = arith.divf %logistic3A_102, %logistic3A_103 : vector<1000x128xf32>
    %reduce_sum3A = arith.constant dense<0.000000e+00> : vector<1000xf32>
    %reduce_sum3A_105 = vector.multi_reduction <add>, %add3A_59, %reduce_sum3A [1] : vector<1000x128xf32> to vector<1000xf32>
    %broadcast_in_dim3A_106 = vector.shape_cast %reduce_sum3A_105 : vector<1000xf32> to vector<1000x1xf32>
    %div3A = arith.constant 1.280000e+02 : f32
    %div3A_107 = vector.broadcast %div3A : f32 to vector<1000x1xf32>
    %div3A_108 = arith.divf %broadcast_in_dim3A_106, %div3A_107 : vector<1000x1xf32>
    %sub3A = vector.broadcast %div3A_108 : vector<1000x1xf32> to vector<1000x128xf32>
    %sub3A_109 = arith.subf %add3A_59, %sub3A : vector<1000x128xf32>
    %integer_pow3A = arith.mulf %sub3A_109, %sub3A_109 : vector<1000x128xf32>
    %reduce_sum3A_110 = arith.constant dense<0.000000e+00> : vector<1000xf32>
    %reduce_sum3A_111 = vector.multi_reduction <add>, %integer_pow3A, %reduce_sum3A_110 [1] : vector<1000x128xf32> to vector<1000xf32>
    %broadcast_in_dim3A_112 = vector.shape_cast %reduce_sum3A_111 : vector<1000xf32> to vector<1000x1xf32>
    %div3A_113 = arith.constant 1.280000e+02 : f32
    %div3A_114 = vector.broadcast %div3A_113 : f32 to vector<1000x1xf32>
    %div3A_115 = arith.divf %broadcast_in_dim3A_112, %div3A_114 : vector<1000x1xf32>
    %sub3A_116 = vector.broadcast %div3A_108 : vector<1000x1xf32> to vector<1000x128xf32>
    %sub3A_117 = arith.subf %add3A_59, %sub3A_116 : vector<1000x128xf32>
    %add3A_118 = arith.constant 9.99999974E-6 : f32
    %add3A_119 = vector.broadcast %add3A_118 : f32 to vector<1000x1xf32>
    %add3A_120 = arith.addf %div3A_115, %add3A_119 : vector<1000x1xf32>
    %rsqrt3A = math.rsqrt %add3A_120 : vector<1000x1xf32>
    %mul3A_121 = vector.broadcast %rsqrt3A : vector<1000x1xf32> to vector<1000x128xf32>
    %mul3A_122 = arith.mulf %sub3A_117, %mul3A_121 : vector<1000x128xf32>
    %get3A_123 = arith.constant 0 : index
    %get3A_124 = vector.load %arg16[%get3A_123] : memref<128xf32, #tpu.memory_space<vmem>>, vector<128xf32>
    %broadcast_in_dim3A_125 = vector.shape_cast %get3A_124 : vector<128xf32> to vector<1x128xf32>
    %mul3A_126 = vector.broadcast %broadcast_in_dim3A_125 : vector<1x128xf32> to vector<1000x128xf32>
    %mul3A_127 = arith.mulf %mul3A_122, %mul3A_126 : vector<1000x128xf32>
    %get3A_128 = arith.constant 0 : index
    %get3A_129 = vector.load %arg17[%get3A_128] : memref<128xf32, #tpu.memory_space<vmem>>, vector<128xf32>
    %broadcast_in_dim3A_130 = vector.shape_cast %get3A_129 : vector<128xf32> to vector<1x128xf32>
    %add3A_131 = vector.broadcast %broadcast_in_dim3A_130 : vector<1x128xf32> to vector<1000x128xf32>
    %add3A_132 = arith.addf %mul3A_127, %add3A_131 : vector<1000x128xf32>
    %logistic3A_133 = arith.negf %add3A_132 : vector<1000x128xf32>
    %logistic3A_134 = math.exp %logistic3A_133 : vector<1000x128xf32>
    %logistic3A_135 = arith.constant 1.000000e+00 : f32
    %logistic3A_136 = vector.broadcast %logistic3A_135 : f32 to vector<1000x128xf32>
    %logistic3A_137 = arith.addf %logistic3A_136, %logistic3A_134 : vector<1000x128xf32>
    %logistic3A_138 = arith.divf %logistic3A_136, %logistic3A_137 : vector<1000x128xf32>
    %mul3A_139 = arith.mulf %add3A_132, %logistic3A_138 : vector<1000x128xf32>
    %swap3A = arith.constant 0 : index
    %swap3A_140 = arith.constant 0 : index
    %swap3A_141 = vector.load %arg18[%swap3A, %swap3A_140] : memref<1000x128xf32, #tpu.memory_space<vmem>>, vector<1000x128xf32>
    tpu.vector_store %arg18[%swap3A, %swap3A_140], %mul3A_139 {strides = array<i32>} : memref<1000x128xf32, #tpu.memory_space<vmem>>, vector<1000x128xf32>,
    %get3A_142 = arith.constant 0 : index
    %get3A_143 = arith.constant 128 : index
    %get3A_144 = vector.load %arg2[%get3A_142, %get3A_143] : memref<1000x512xf32, #tpu.memory_space<vmem>>, vector<1000x128xf32>
    %mul3A_145 = arith.mulf %logistic3A_104, %get3A_144 : vector<1000x128xf32>
    %add3A_146 = arith.addf %get3A_9, %mul3A_145 : vector<1000x128xf32>
    %swap3A_147 = arith.constant 0 : index
    %swap3A_148 = arith.constant 0 : index
    %swap3A_149 = arith.constant 0 : index
    %swap3A_150 = vector.load %arg19[%swap3A_147, %swap3A_148, %swap3A_149] : memref<3x1000x128xf32, #tpu.memory_space<vmem>>, vector<1x1000x128xf32>
    %swap3A_151 = vector.shape_cast %swap3A_150 : vector<1x1000x128xf32> to vector<1000x128xf32>
    %swap3A_152 = vector.shape_cast %add3A_146 : vector<1000x128xf32> to vector<1x1000x128xf32>
    tpu.vector_store %arg19[%swap3A_147, %swap3A_148, %swap3A_149], %swap3A_152 {strides = array<i32>} : memref<3x1000x128xf32, #tpu.memory_space<vmem>>, vector<1x1000x128xf32>,
    %get3A_153 = arith.constant 0 : index
    %get3A_154 = arith.constant 256 : index
    %get3A_155 = vector.load %arg2[%get3A_153, %get3A_154] : memref<1000x512xf32, #tpu.memory_space<vmem>>, vector<1000x128xf32>
    %mul3A_156 = arith.mulf %logistic3A_104, %get3A_155 : vector<1000x128xf32>
    %add3A_157 = arith.addf %get3A_14, %mul3A_156 : vector<1000x128xf32>
    %swap3A_158 = arith.constant 1 : index
    %swap3A_159 = arith.constant 0 : index
    %swap3A_160 = arith.constant 0 : index
    %swap3A_161 = vector.load %arg19[%swap3A_158, %swap3A_159, %swap3A_160] : memref<3x1000x128xf32, #tpu.memory_space<vmem>>, vector<1x1000x128xf32>
    %swap3A_162 = vector.shape_cast %swap3A_161 : vector<1x1000x128xf32> to vector<1000x128xf32>
    %swap3A_163 = vector.shape_cast %add3A_157 : vector<1000x128xf32> to vector<1x1000x128xf32>
    tpu.vector_store %arg19[%swap3A_158, %swap3A_159, %swap3A_160], %swap3A_163 {strides = array<i32>} : memref<3x1000x128xf32, #tpu.memory_space<vmem>>, vector<1x1000x128xf32>,
    %get3A_164 = arith.constant 0 : index
    %get3A_165 = arith.constant 384 : index
    %get3A_166 = vector.load %arg2[%get3A_164, %get3A_165] : memref<1000x512xf32, #tpu.memory_space<vmem>>, vector<1000x128xf32>
    %mul3A_167 = arith.mulf %logistic3A_104, %get3A_166 : vector<1000x128xf32>
    %add3A_168 = arith.addf %get3A_19, %mul3A_167 : vector<1000x128xf32>
    %swap3A_169 = arith.constant 2 : index
    %swap3A_170 = arith.constant 0 : index
    %swap3A_171 = arith.constant 0 : index
    %swap3A_172 = vector.load %arg19[%swap3A_169, %swap3A_170, %swap3A_171] : memref<3x1000x128xf32, #tpu.memory_space<vmem>>, vector<1x1000x128xf32>
    %swap3A_173 = vector.shape_cast %swap3A_172 : vector<1x1000x128xf32> to vector<1000x128xf32>
    %swap3A_174 = vector.shape_cast %add3A_168 : vector<1000x128xf32> to vector<1x1000x128xf32>
    tpu.vector_store %arg19[%swap3A_169, %swap3A_170, %swap3A_171], %swap3A_174 {strides = array<i32>} : memref<3x1000x128xf32, #tpu.memory_space<vmem>>, vector<1x1000x128xf32>,
    return
  }
  func.func @transform_0(%arg0: i32) -> (i32, i32) {
    %c0_i32 = arith.constant 0 : i32
    %c0_i32_0 = arith.constant 0 : i32
    return %arg0, %c0_i32 : i32, i32
  }
  func.func @transform_1(%arg0: i32) -> (i32, i32) {
    %c0_i32 = arith.constant 0 : i32
    %c0_i32_0 = arith.constant 0 : i32
    return %arg0, %c0_i32 : i32, i32
  }
  func.func @transform_2(%arg0: i32) -> (i32, i32, i32) {
    %c0_i32 = arith.constant 0 : i32
    %c0_i32_0 = arith.constant 0 : i32
    %c0_i32_1 = arith.constant 0 : i32
    return %c0_i32, %arg0, %c0_i32_0 : i32, i32, i32
  }
  func.func @transform_3(%arg0: i32) -> (i32, i32) {
    %c0_i32 = arith.constant 0 : i32
    %c0_i32_0 = arith.constant 0 : i32
    %c0_i32_1 = arith.constant 0 : i32
    return %c0_i32, %c0_i32_0 : i32, i32
  }
  func.func @transform_4(%arg0: i32) -> (i32, i32) {
    %c0_i32 = arith.constant 0 : i32
    %c0_i32_0 = arith.constant 0 : i32
    %c0_i32_1 = arith.constant 0 : i32
    return %c0_i32, %c0_i32_0 : i32, i32
  }
  func.func @transform_5(%arg0: i32) -> (i32, i32) {
    %c0_i32 = arith.constant 0 : i32
    %c0_i32_0 = arith.constant 0 : i32
    %c0_i32_1 = arith.constant 0 : i32
    return %c0_i32, %c0_i32_0 : i32, i32
  }
  func.func @transform_6(%arg0: i32) -> i32 {
    %c0_i32 = arith.constant 0 : i32
    %c0_i32_0 = arith.constant 0 : i32
    return %c0_i32 : i32
  }
  func.func @transform_7(%arg0: i32) -> (i32, i32) {
    %c0_i32 = arith.constant 0 : i32
    %c0_i32_0 = arith.constant 0 : i32
    %c0_i32_1 = arith.constant 0 : i32
    return %c0_i32, %c0_i32_0 : i32, i32
  }
  func.func @transform_8(%arg0: i32) -> i32 {
    %c0_i32 = arith.constant 0 : i32
    %c0_i32_0 = arith.constant 0 : i32
    return %c0_i32 : i32
  }
  func.func @transform_9(%arg0: i32) -> (i32, i32) {
    %c0_i32 = arith.constant 0 : i32
    %c0_i32_0 = arith.constant 0 : i32
    %c0_i32_1 = arith.constant 0 : i32
    return %c0_i32, %c0_i32_0 : i32, i32
  }
  func.func @transform_10(%arg0: i32) -> (i32, i32) {
    %c0_i32 = arith.constant 0 : i32
    %c0_i32_0 = arith.constant 0 : i32
    %c0_i32_1 = arith.constant 0 : i32
    return %c0_i32, %c0_i32_0 : i32, i32
  }
  func.func @transform_11(%arg0: i32) -> (i32, i32) {
    %c0_i32 = arith.constant 0 : i32
    %c0_i32_0 = arith.constant 0 : i32
    %c0_i32_1 = arith.constant 0 : i32
    return %c0_i32, %c0_i32_0 : i32, i32
  }
  func.func @transform_12(%arg0: i32) -> i32 {
    %c0_i32 = arith.constant 0 : i32
    %c0_i32_0 = arith.constant 0 : i32
    return %c0_i32 : i32
  }
  func.func @transform_13(%arg0: i32) -> (i32, i32) {
    %c0_i32 = arith.constant 0 : i32
    %c0_i32_0 = arith.constant 0 : i32
    %c0_i32_1 = arith.constant 0 : i32
    return %c0_i32, %c0_i32_0 : i32, i32
  }
  func.func @transform_14(%arg0: i32) -> i32 {
    %c0_i32 = arith.constant 0 : i32
    %c0_i32_0 = arith.constant 0 : i32
    return %c0_i32 : i32
  }
  func.func @transform_15(%arg0: i32) -> i32 {
    %c0_i32 = arith.constant 0 : i32
    %c0_i32_0 = arith.constant 0 : i32
    return %c0_i32 : i32
  }
  func.func @transform_16(%arg0: i32) -> i32 {
    %c0_i32 = arith.constant 0 : i32
    %c0_i32_0 = arith.constant 0 : i32
    return %c0_i32 : i32
  }
  func.func @transform_17(%arg0: i32) -> (i32, i32) {
    %c0_i32 = arith.constant 0 : i32
    %c0_i32_0 = arith.constant 0 : i32
    return %arg0, %c0_i32 : i32, i32
  }
  func.func @transform_18(%arg0: i32) -> (i32, i32, i32) {
    %c0_i32 = arith.constant 0 : i32
    %c0_i32_0 = arith.constant 0 : i32
    %c0_i32_1 = arith.constant 0 : i32
    return %c0_i32, %arg0, %c0_i32_0 : i32, i32, i32
  }
}

</mosaic_0001>

<sc_bundles>
// kernel: kernel.11.cloned.1.call-start
scs
__scs_entry_jumppad:
0x0: {  	(pc) =	sbr.rel $0x88, $3  }
0x1: {  	(tag) =	ssettag $0x0;
	lr =	simm.s32 $0x1  }
0x2: {  	[smem:$0x3F87] =	sst lr;
	_ =	strace $0xD0000000  }
0x3: {  	_ = 	snop  }
0x4: {  	_ = 	snop  }
0x5: {  	_ = 	snop  }
0x6: {  	_ = 	snop  }
0x7: {  	_ = 	snop  }
__scs_overlays_trampoline_lowered:
0x8: {  	[smem:$0x3F96] =	sst s0  }
0x9: {  	[smem:$0x3F97] =	sst s1  }
0xa: {  	[smem:$0x3F98] =	sst s2  }
0xb: {  	[smem:$0x3F99] =	sst s3  }
0xc: {  	[smem:$0x3F9A] =	sst s4  }
0xd: {  	[smem:$0x3F9B] =	sst s5  }
0xe: {  	[smem:$0x3F9C] =	sst s6  }
0xf: {  	[smem:$0x3F9D] =	sst s7  }
0x10: {  	[smem:$0x3F9E] =	sst s8  }
0x11: {  	[smem:$0x3F9F] =	sst s9;
	s0 =	simm.s32 @!p0 $0x0  }
0x12: {  	s1 =	sld [smem:$0x3F85];
	s0 =	simm.s32 @p0 $0x1  }
0x13: {  	[smem:$0x3FA0] =	sst s0;
	s0 =	simm.s32 @!p1 $0x0  }
0x14: {  	s2 =	sld [smem:$0x3F84];
	s0 =	simm.s32 @p1 $0x1  }
0x15: {  	[smem:$0x3FA1] =	sst s0;
	s0 =	simm.s32 @!p2 $0x0  }
0x16: {  	s3 =	sld [smem:$0x3FDB];
	s0 =	simm.s32 @p2 $0x1  }
0x17: {  	s4 =	simm.s32 $0x1BF5;
	[smem:$0x3FA3] =	sst s0  }
0x18: {  	s0 =	sld [smem:$0x3F86];
	_ =	swait.ge [sflag:s4], $0x0  }
0x19: {  	s7 =	sld [smem:$0x3F87]  }
0x1a: {  	s8 =	sadd.s32 $0xFFFFE003, lr  }
0x1b: {  	s9 =	sadd.s32 $0xFFFFFEF7, lr;
	s5 =	simm.s32 $0xFFFFFFFF;
	p2 =	slt.u32 s8, $0xFFFFF086  }
0x1c: {  	p1 =	slt.u32 s9, $0xF7A;
	s5 =	simm.s32 @!p2 $0x0  }
0x1d: {  	s5 =	simm.s32 @p1 $0x1;
	p0 =	seq.s32 s7, s2  }
0x1e: {  	s7 =	smul.u32 @!p0 $0xF7A, s2;
	p2 =	seq.s32 @!p0 s5, $0x0  }
0x1f: {  	s9 =	smul.u32 $0xF7A, s1;
	s8 =	simm.s32 @!p0 $0x1BF5;
	p2 =	por !p2, p0  }
0x20: {  	[sflag:s8] =	ssyncset.s32 @!p0 $0xFFFFF086;
	s6 =	sadd.s32 @!p0 s3, s7;
	s7 =	simm.s32 @!p0 $0x108  }
0x21: {  	s3 =	sadd.s32 s3, s9;
	s6 =	sadd.s32 @!p0 $0x88, s6;
	s7 =	simm.s32 @p2 $0x1082  }
0x22: {  	[simem:s7], [sflag:s8] =	dma.local @!p0 [hbm:s6], $0xF7A  }
0x23: {  	s9 =	sor.u32 $0xD0000000, s2;
	s6 =	simm.s32 $0x108;
	_ =	swait.ge @!p0 [sflag:s8], $0x0  }
0x24: {  	s3 =	sadd.s32 $0x88, s3;
	s6 =	simm.s32 @!p1 $0x1082;
	[sflag:s4] =	ssyncset.s32 $0xFFFFF086  }
0x25: {  	[simem:s6], [sflag:s4] =	dma.local [hbm:s3], $0xF7A  }
0x26: {  	[smem:$0x3F87] =	sst s1;
	(tag) =	ssettag s2;
	_ =	strace s9  }
0x27: {  	s1 =	sld [smem:$0x3F97]  }
0x28: {  	s2 =	sld [smem:$0x3F98]  }
0x29: {  	s4 =	sld [smem:$0x3F9A]  }
0x2a: {  	p0 =	seq.s32 s5, $0x0;
	s5 =	sld [smem:$0x3F9B]  }
0x2b: {  	s6 =	sld [smem:$0x3F9C]  }
0x2c: {  	s7 =	sld [smem:$0x3F9D]  }
0x2d: {  	s3 =	simm.s32 $0x108;
	s8 =	sld [smem:$0x3F9E]  }
0x2e: {  	s3 =	simm.s32 @!p0 $0x1082;
	s9 =	sld [smem:$0x3F9F]  }
0x2f: {  	lr =	sadd.s32 s0, s3;
	s0 =	sld [smem:$0x3F96]  }
0x30: {  	s3 =	sld [smem:$0x3F99]  }
0x31: {  	[smem:$0x3FA2] =	sst s10  }
0x32: {  	s10 =	sld [smem:$0x3FA0];
	_ =	sdelay $0x3  }
0x33: {  	p0 =	seq.s32 s10, $0x1;
	s10 =	sld [smem:$0x3FA2];
	_ =	sdelay $0x3  }
0x34: {  	[smem:$0x3FA2] =	sst s10  }
0x35: {  	s10 =	sld [smem:$0x3FA1];
	_ =	sdelay $0x3  }
0x36: {  	p1 =	seq.s32 s10, $0x1;
	s10 =	sld [smem:$0x3FA2];
	_ =	sdelay $0x3  }
0x37: {  	[smem:$0x3FA2] =	sst s10  }
0x38: {  	s10 =	sld [smem:$0x3FA3]  }
0x39: {  	_ = 	snop;
	(pc) =	sbr.ind lr, $3  }
0x3a: {  	_ = 	snop  }
0x3b: {  	_ = 	snop  }
0x3c: {  	p2 =	seq.s32 s10, $0x1;
	s10 =	sld [smem:$0x3FA2]  }
0x3d: {  	_ =	shalt  }
0x3e: {  	_ =	shalt  }
0x3f: {  	_ =	shalt  }
0x40: {  	_ =	shalt  }
0x41: {  	_ =	shalt  }
0x42: {  	_ =	shalt  }
0x43: {  	_ =	shalt  }
0x44: {  	_ =	shalt  }
0x45: {  	_ =	shalt  }
0x46: {  	_ =	shalt  }
0x47: {  	_ =	shalt  }
0x48: {  	_ =	shalt  }
0x49: {  	_ =	shalt  }
0x4a: {  	_ =	shalt  }
0x4b: {  	_ =	shalt  }
0x4c: {  	_ =	shalt  }
0x4d: {  	_ =	shalt  }
0x4e: {  	_ =	shalt  }
0x4f: {  	_ =	shalt  }
0x50: {  	_ =	shalt  }
0x51: {  	_ =	shalt  }
0x52: {  	_ =	shalt  }
0x53: {  	_ =	shalt  }
0x54: {  	_ =	shalt  }
0x55: {  	_ =	shalt  }
0x56: {  	_ =	shalt  }
0x57: {  	_ =	shalt  }
0x58: {  	_ =	shalt  }
0x59: {  	_ =	shalt  }
0x5a: {  	_ =	shalt  }
0x5b: {  	_ =	shalt  }
0x5c: {  	_ =	shalt  }
0x5d: {  	_ =	shalt  }
0x5e: {  	_ =	shalt  }
0x5f: {  	_ =	shalt  }
0x60: {  	_ =	shalt  }
0x61: {  	_ =	shalt  }
0x62: {  	_ =	shalt  }
0x63: {  	_ =	shalt  }
0x64: {  	_ =	shalt  }
0x65: {  	_ =	shalt  }
0x66: {  	_ =	shalt  }
0x67: {  	_ =	shalt  }
0x68: {  	_ =	shalt  }
0x69: {  	_ =	shalt  }
0x6a: {  	_ =	shalt  }
0x6b: {  	_ =	shalt  }
0x6c: {  	_ =	shalt  }
0x6d: {  	_ =	shalt  }
0x6e: {  	_ =	shalt  }
0x6f: {  	_ =	shalt  }
0x70: {  	_ =	shalt  }
0x71: {  	_ =	shalt  }
0x72: {  	_ =	shalt  }
0x73: {  	_ =	shalt  }
0x74: {  	_ =	shalt  }
0x75: {  	_ =	shalt  }
0x76: {  	_ =	shalt  }
0x77: {  	_ =	shalt  }
0x78: {  	_ =	shalt  }
0x79: {  	_ =	shalt  }
0x7a: {  	_ =	shalt  }
0x7b: {  	_ =	shalt  }
0x7c: {  	_ =	shalt  }
0x7d: {  	_ =	shalt  }
0x7e: {  	_ =	shalt  }
0x7f: {  	_ =	shalt  }
0x80: {  	_ =	shalt  }
0x81: {  	_ =	shalt  }
0x82: {  	_ =	shalt  }
0x83: {  	_ =	shalt  }
0x84: {  	_ =	shalt  }
0x85: {  	_ =	shalt  }
0x86: {  	_ =	shalt  }
0x87: {  	_ =	shalt  }
.Lfunc_end0:
.L_simem_size_0:
called_computation.3_lowered:
.L_overlay_start_0:
0x88: {  	s2 =	sld [smem:$0x3FD9]  }
0x89: {  	s3 =	sld [smem:$0x3FFE];
	_ =	sdelay $0x1  }
0x8a: {  	s1 =	srdreg.scid  }
0x8b: {  	s0 =	sand.u32 $0x1, s1  }
0x8c: {  	s17 =	sshll.u32 s0, $0xA;
	s2 =	sadd.s32 s3, s2  }
0x8d: {  	s2 =	sadd.s32 s2, s17  }
0x8e: {  	[smem:$0x3FAE] =	sst s2  }
0x8f: {  	_ = 	snop  }
0x90: {  	s18 =	sld [smem:$0x3FC9];
	(tm) =	ssettm $0x1  }
0x91: {  	s19 =	sld [smem:$0x3FFB];
	_ =	sdelay $0x3  }
0x92: {  	_ =	strace s19  }
0x93: {  	s2 =	sld [smem:$0x3FFC];
	_ =	sdelay $0x3  }
0x94: {  	_ =	strace s2  }
0x95: {  	s2 =	sld [smem:$0x3FFD];
	_ =	sdelay $0x3  }
0x96: {  	_ =	strace s2  }
0x97: {  	_ =	strace $0x8FFFFFFF  }
0x98: {  	s20 =	sld [smem:$0x3FDB];
	_ =	sdelay $0x1  }
0x99: {  	s4 =	simm.s32 $_scs_section_size  }
0x9a: {  	s5 =	simm.s32 $_size__tile_overlayer_lowered;
	s6 =	simm.s32 $_tile_overlayer_lowered  }
0x9b: {  	s7 =	simm.s32 $0x1BFF;
	s21 =	sshll.u32 s6, $0x1;
	s4 =	sadd.s32 s4, s20  }
0x9c: {  	s22 =	simm.s32 $0x0;
	s5 =	sshll.u32 s5, $0x1;
	s6 =	sadd.s32 s21, s4  }
0x9d: {  	[timem:s22], [sflag:s7] =	dma.local [hbm:s6], s5  }
0x9e: {  	_ =	swait.ge [sflag:s7], s5  }
0x9f: {  	s5 =	ssub.s32 $0x0, s5;
	[sflag:s7] =	ssyncset.done $0x0  }
0xa0: {  	[sflag:s7] =	ssyncadd.s32 s5;
	_ =	sdelay $0x1  }
0xa1: {  	s23 =	simm.s32 $0x1B8B  }
0xa2: {  	_ =	swait.ge [sflag:s23], $0x1  }
0xa3: {  	[sflag:s23] =	ssyncset.done $0x0  }
0xa4: {  	[sflag:s23] =	ssyncadd.s32 $0xFFFFFFFF  }
0xa5: {  	s5 =	sld [smem:$0x0]  }
0xa6: {  	s6 =	sand.u32 $0xFFFFFFFE, s1  }
0xa7: {  	p0 =	sne.s32 s1, s6  }
0xa8: {  	s6 =	sshll.u32 @p0 s6, $0xE  }
0xa9: {  	s6 =	sadd.s32 @p0 $0x11B8D, s6;
	s7 =	sshll.u32 @p0 s5, $0x11  }
0xaa: {  	s6 =	sor.u32 @p0 s7, s6  }
0xab: {  	[sflag:s6] =	ssyncadd.remote.s32 @p0 $0x1;
	_ =	sdelay $0x1  }
0xac: {  	s6 =	simm.s32 @p0 $0x1B8D  }
0xad: {  	_ =	swait.eq @p0 [sflag:s6], $0x1  }
0xae: {  	[sflag:s6] =	ssyncadd.s32 @p0 $0xFFFFFFFF  }
0xaf: {  	s7 =	sshll.u32 @!p0 s1, $0xE  }
0xb0: {  	s7 =	sor.u32 @!p0 $0x4000, s7;
	s6 =	simm.s32 @!p0 $0x1B8D  }
0xb1: {  	s5 =	sshll.u32 @!p0 s5, $0x11;
	s7 =	sadd.s32 @!p0 $0x11B8D, s7;
	_ =	swait.eq @!p0 [sflag:s6], $0x1  }
0xb2: {  	s5 =	sor.u32 @!p0 s5, s7;
	[sflag:s6] =	ssyncadd.s32 @!p0 $0xFFFFFFFF  }
0xb3: {  	s25 =	simm.s32 $0x1B8E;
	s24 =	sld [smem:$0x3FFE];
	[sflag:s5] =	ssyncadd.remote.s32 @!p0 $0x1  }
0xb4: {  	s26 =	simm.s32 $execute0_lowered;
	[smem:$0x3FD2] =	sst s25  }
0xb5: {  	s6 =	sshll.u32 s26, $0x1;
	_ =	strace $0x80000049;
	[dreg:$0x1] =	wrdreg $0xFFFFFFFF  }
0xb6: {  	s28 =	simm.s32 $_size_execute0_lowered;
	s4 =	sadd.s32 s4, s6;
	[dreg:$0x0] =	wrdreg $0x0  }
0xb7: {  	s6 =	sshll.u32 s28, $0x1;
	[dreg:$0x2] =	wrdreg s4  }
0xb8: {  	[dreg:$0x3] =	wrdreg s6  }
0xb9: {  	[dreg:$0x4] =	wrdreg $0xC0  }
0xba: {  	_ =	task [dreg:s22], $0x5FFFF  }
0xbb: {  	[dreg:$0x1] =	wrdreg $0xFFFFFFFF  }
0xbc: {  	[dreg:$0x0] =	wrdreg $0x60  }
0xbd: {  	[dreg:$0x2] =	wrdreg s18  }
0xbe: {  	[dreg:$0x3] =	wrdreg s24  }
0xbf: {  	[dreg:$0x4] =	wrdreg $0x9  }
0xc0: {  	_ =	task.clear_ibuf [dreg:s22], $0x5FFFF;
	_ =	strace $0x90000049  }
0xc1: {  	s29 =	simm.s32 $0x9;
	_ =	strace $0x8000004B  }
0xc2: {  	_ =	swait.ge [sflag:s29], $0x1  }
0xc3: {  	[sflag:s29] =	ssyncadd.s32 $0xFFFFFFFF  }
0xc4: {  	_ =	strace $0x9000004B  }
0xc5: {  	_ =	sfence  }
0xc6: {  	s30 =	sld [smem:$0x0];
	_ =	sdelay $0x2  }
0xc7: {  	s31 =	sshll.u32 s1, $0xD;
	s1 =	sshrl.u32 s1, $0x2  }
0xc8: {  	s4 =	sand.u32 $0x4000, s31;
	s1 =	sadd.s32 s1, s30  }
0xc9: {  	s0 =	sor.u32 s4, s0;
	s1 =	sshll.u32 s1, $0x11  }
0xca: {  	s0 =	sor.u32 s1, s0  }
0xcb: {  	s0 =	sadd.s32 $0x8F2B, s0  }
0xcc: {  	[sflag:s0] =	ssyncadd.remote.s32 $0x1  }
0xcd: {  	_ =	sfence.sel $0xFFFF  }
0xce: {  	[dreg:$0x0] =	wrdreg $0xFFFFFFFF;
	(pc) =	sbr.abs _section_cstart, $3  }
0xcf: {  	[dreg:$0x1] =	wrdreg $0xFFFFFFFF  }
0xd0: {  	_ =	task.clear_ibuf [dreg:s22], $0x2FFFF;
	_ =	strace $0x9FFFFFFF  }
0xd1: {  	(tm) =	ssettm $0x7FFFFFFF  }
tec
execute0_lowered:
.L_overlay_start_1:
0x0: {  	(tag) =	ssettag $0x1  }
0x1: {  	s2 =	rddreg [dreg:$0x0]  }
0x2: {  	s4 =	rddreg [dreg:$0x1]  }
0x3: {  	s0 =	rddreg [dreg:$0x2]  }
0x4: {  	s5 =	srdreg.scid;
	s1 =	stileid.u32;
	s3 =	simm.s32 $0x0  }
0x5: {  	s11 =	simm.s32 $0x320;
	s12 =	simm.s32 $0xCB20;
	s13 =	simm.s32 $0x1  }
0x6: {  	s14 =	simm.s32 $0x2;
	s5 =	sand.u32 $0x1, s5;
	s6 =	smul.u32 $0x4E20, s1  }
0x7: {  	s15 =	simm.s32 $0x0;
	[smem:$0x7FF] =	sst s3;
	s7 =	smul.u32 $0x2710, s5  }
0x8: {  	s8 =	smul.u32 $0x4E200, s1;
	_ =	strace $0x8000004A;
	s29 =	ssub.s32 $0x2, s5  }
0x9: {  	s5 =	smul.u32 $0x27100, s5;
	s9 =	sshrl.u32 s29, $0x1;
	s6 =	sadd.s32 s7, s6  }
0xa: {  	s8 =	sadd.s32 s8, s4;
	s30 =	ssub.s32 s29, s9;
	s6 =	sshrl.u32 s6, $0x3  }
0xb: {  	s31 =	sadd.s32 s5, s8;
	s9 =	simm.s32 $0x3;
	s10 =	sadd.s32 s6, s4  }
0xc: {  	s5 =	sadd.s32 $0xCEA000, s31;
	s4 =	smax.u32 s30, $0x1;
	s7 =	sadd.s32 $0x7FE200, s10  }
0xd: {  	s6 =	sadd.s32 $0x808000, s31;
	s8 =	sadd.s32 $0x7F4400, s10;
	s10 =	simm.s32 $0x190  }
.LBB2_1:
0xe: {  	s16 =	sadd.s32 $0x0, s8  }
0xf: {  	[tilespmem:s3], [sflag:$0x3] =	stream.linear.gather [hbm4b:s16+s3], $0x190, $0x38;
	[tilespmem:$0x19320] =	vst v63  }
0x10: {  	_ =	swait.ge [sflag:s9], $0x190  }
0x11: {  	[sflag:s9] =	ssyncset.done $0x0  }
0x12: {  	[sflag:s9] =	ssyncadd.s32 $0xFFFFFE70  }
0x13: {  	[tilespmem:s11], [sflag:$0x1] =	stream.indirect.gather [hbm4b:s2+s10], $0x80, s3, s10, $0xb8;
	[tilespmem:$0x19320] =	vst v63  }
0x14: {  	s31 =	sadd.s32 $0x0, s7  }
0x15: {  	[tilespmem:s10], [sflag:$0x3] =	stream.linear.gather [hbm4b:s31+s3], $0x190, $0x38;
	[tilespmem:$0x19320] =	vst v63  }
0x16: {  	_ =	swait.ge [sflag:s9], $0x190  }
0x17: {  	[sflag:s9] =	ssyncset.done $0x0  }
0x18: {  	[sflag:s9] =	ssyncadd.s32 $0xFFFFFE70  }
0x19: {  	[tilespmem:s12], [sflag:$0x2] =	stream.indirect.gather [hbm4b:s2+s10], $0x80, s10, s10, $0xb8;
	[tilespmem:$0x19320] =	vst v63  }
0x1a: {  	_ =	swait.ge [sflag:s13], $0xC800  }
0x1b: {  	[sflag:s13] =	ssyncset.done $0x0  }
0x1c: {  	[sflag:s13] =	ssyncadd.s32 $0xFFFF3800  }
0x1d: {  	[hbm4b:s6+s3] =	stream.linear.scatter [tilespmem:s11], [sflag:$0x3], $0xC800, $0x38;
	[tilespmem:$0x19320] =	vst v63  }
0x1e: {  	_ =	swait.ge [sflag:s9], $0xC800  }
0x1f: {  	[sflag:s9] =	ssyncset.done $0x0  }
0x20: {  	[sflag:s9] =	ssyncadd.s32 $0xFFFF3800  }
0x21: {  	_ =	swait.ge [sflag:s14], $0xC800  }
0x22: {  	[sflag:s14] =	ssyncset.done $0x0  }
0x23: {  	[sflag:s14] =	ssyncadd.s32 $0xFFFF3800  }
0x24: {  	[hbm4b:s5+s3] =	stream.linear.scatter [tilespmem:s12], [sflag:$0x3], $0xC800, $0x38;
	[tilespmem:$0x19320] =	vst v63  }
0x25: {  	s18 =	simm.s32 $0x32;
	s19 =	simm.s32 $0x64;
	_ =	swait.ge [sflag:s9], $0xC800  }
0x26: {  	s17 =	sadd.s32 $0x1900, s6;
	s16 =	sadd.s32 $0x1900, s5;
	[sflag:s9] =	ssyncset.done $0x0  }
.LBB2_2:
0x27: {  	s20 =	sadd.s32 s18, s8  }
0x28: {  	[sflag:s9] =	ssyncadd.s32 $0xFFFF3800;
	s21 =	smov.u32 s19;
	s22 =	sadd.s32 $0x32, s19  }
0x29: {  	[tilespmem:s3], [sflag:$0x3] =	stream.linear.gather [hbm4b:s20+s3], $0x190, $0x38;
	[tilespmem:$0x19320] =	vst v63  }
0x2a: {  	p0 =	sne.s32 s19, $0x4B0;
	_ =	swait.ge [sflag:s9], $0x190  }
0x2b: {  	[sflag:s9] =	ssyncset.done $0x0  }
0x2c: {  	[sflag:s9] =	ssyncadd.s32 $0xFFFFFE70  }
0x2d: {  	[tilespmem:s11], [sflag:$0x1] =	stream.indirect.gather [hbm4b:s2+s10], $0x80, s3, s10, $0xb8;
	[tilespmem:$0x19320] =	vst v63  }
0x2e: {  	s19 =	sadd.s32 s18, s7;
	s18 =	smov.u32 s21  }
0x2f: {  	[tilespmem:s10], [sflag:$0x3] =	stream.linear.gather [hbm4b:s19+s3], $0x190, $0x38;
	[tilespmem:$0x19320] =	vst v63  }
0x30: {  	_ =	swait.ge [sflag:s9], $0x190  }
0x31: {  	[sflag:s9] =	ssyncset.done $0x0  }
0x32: {  	[sflag:s9] =	ssyncadd.s32 $0xFFFFFE70  }
0x33: {  	[tilespmem:s12], [sflag:$0x2] =	stream.indirect.gather [hbm4b:s2+s10], $0x80, s10, s10, $0xb8;
	[tilespmem:$0x19320] =	vst v63  }
0x34: {  	_ =	swait.ge [sflag:s13], $0xC800  }
0x35: {  	[sflag:s13] =	ssyncset.done $0x0  }
0x36: {  	[sflag:s13] =	ssyncadd.s32 $0xFFFF3800  }
0x37: {  	[hbm4b:s17+s3] =	stream.linear.scatter [tilespmem:s11], [sflag:$0x3], $0xC800, $0x38;
	[tilespmem:$0x19320] =	vst v63  }
0x38: {  	_ =	swait.ge [sflag:s9], $0xC800  }
0x39: {  	[sflag:s9] =	ssyncset.done $0x0  }
0x3a: {  	[sflag:s9] =	ssyncadd.s32 $0xFFFF3800  }
0x3b: {  	_ =	swait.ge [sflag:s14], $0xC800  }
.Ltmp0:
0x3c: {  	[sflag:s14] =	ssyncset.done $0x0;
	(pc) =	sbr.rel @p0 .LBB2_2-.Ltmp0, $4  }
0x3d: {  	[sflag:s14] =	ssyncadd.s32 $0xFFFF3800  }
0x3e: {  	[hbm4b:s16+s3] =	stream.linear.scatter [tilespmem:s12], [sflag:$0x3], $0xC800, $0x38;
	[tilespmem:$0x19320] =	vst v63  }
0x3f: {  	s19 =	smov.u32 s22;
	_ =	swait.ge [sflag:s9], $0xC800  }
0x40: {  	s17 =	sadd.s32 $0x1900, s17;
	s16 =	sadd.s32 $0x1900, s16;
	[sflag:s9] =	ssyncset.done $0x0  }
0x41: {  	s19 =	sadd.s32 s18, s8;
	[sflag:s9] =	ssyncadd.s32 $0xFFFF3800  }
0x42: {  	[tilespmem:s3], [sflag:$0x3] =	stream.linear.gather [hbm4b:s19+s3], $0x190, $0x38;
	[tilespmem:$0x19320] =	vst v63  }
0x43: {  	_ =	swait.ge [sflag:s9], $0x190  }
0x44: {  	[sflag:s9] =	ssyncset.done $0x0  }
0x45: {  	[sflag:s9] =	ssyncadd.s32 $0xFFFFFE70  }
0x46: {  	[tilespmem:s11], [sflag:$0x1] =	stream.indirect.gather [hbm4b:s2+s10], $0x80, s3, s10, $0xb8;
	[tilespmem:$0x19320] =	vst v63  }
0x47: {  	s31 =	sadd.s32 s18, s7  }
0x48: {  	[tilespmem:s10], [sflag:$0x3] =	stream.linear.gather [hbm4b:s31+s3], $0x190, $0x38;
	[tilespmem:$0x19320] =	vst v63  }
0x49: {  	_ =	swait.ge [sflag:s9], $0x190  }
0x4a: {  	[sflag:s9] =	ssyncset.done $0x0  }
0x4b: {  	[sflag:s9] =	ssyncadd.s32 $0xFFFFFE70  }
0x4c: {  	[tilespmem:s12], [sflag:$0x2] =	stream.indirect.gather [hbm4b:s2+s10], $0x80, s10, s10, $0xb8;
	[tilespmem:$0x19320] =	vst v63  }
0x4d: {  	_ =	swait.ge [sflag:s13], $0xC800  }
0x4e: {  	[sflag:s13] =	ssyncset.done $0x0  }
0x4f: {  	[sflag:s13] =	ssyncadd.s32 $0xFFFF3800  }
0x50: {  	[hbm4b:s17+s3] =	stream.linear.scatter [tilespmem:s11], [sflag:$0x3], $0xC800, $0x38;
	[tilespmem:$0x19320] =	vst v63  }
0x51: {  	_ =	swait.ge [sflag:s9], $0xC800  }
0x52: {  	[sflag:s9] =	ssyncset.done $0x0  }
0x53: {  	[sflag:s9] =	ssyncadd.s32 $0xFFFF3800  }
0x54: {  	s15 =	sadd.s32 $0x1, s15;
	_ =	swait.ge [sflag:s14], $0xC800  }
0x55: {  	p0 =	sne.s32 s15, s4;
	[sflag:s14] =	ssyncset.done $0x0  }
.Ltmp1:
0x56: {  	[sflag:s14] =	ssyncadd.s32 $0xFFFF3800;
	(pc) =	sbr.rel @p0 .LBB2_1-.Ltmp1, $4  }
0x57: {  	[hbm4b:s16+s3] =	stream.linear.scatter [tilespmem:s12], [sflag:$0x3], $0xC800, $0x38;
	[tilespmem:$0x19320] =	vst v63  }
0x58: {  	_ =	swait.ge [sflag:s9], $0xC800  }
0x59: {  	[sflag:s9] =	ssyncset.done $0x0  }
0x5a: {  	[sflag:s9] =	ssyncadd.s32 $0xFFFF3800  }
0x5b: {  	_ =	sfence.sel $0x180000  }
0x5c: {  	[bflag:$0x0] =	sbarrier.arrive $0xFFFF  }
0x5d: {  	p0 =	sne.s32 s1, $0x0;
	_ =	strace $0x9000004A  }
0x5e: {  	s0 =	sadd.s32 @!p0 $0x100000, s0;
	[bflag:$0x2] =	sbarrier.arrive $0xFFFF  }
0x5f: {  	[sflag:s0] =	ssyncadd.tile.s32 @!p0 $0x1;
	_ =	shalt  }
.Lfunc_end2:
_tile_overlayer_lowered:
.L_overlay_start_2:
0x60: {  	(tag) =	ssettag $0x2  }
0x61: {  	s0 =	rddreg [dreg:$0x0];
	s2 =	stileid.u32  }
0x62: {  	s1 =	rddreg [dreg:$0x1];
	p0 =	sne.s32 s2, $0x0  }
0x63: {  	s3 =	rddreg [dreg:$0x2];
	[bflag:$0x3] =	sbarrier.arrive $0xFFFF;
	s2 =	simm.s32 @!p0 $0x1C03  }
0x64: {  	[timem:s3], [sflag:s2] =	dma.local @!p0 [hbm:s0], s1  }
0x65: {  	s0 =	simm.s32 @!p0 $0x3  }
0x66: {  	_ =	swait.ge @!p0 [sflag:s0], s1  }
0x67: {  	s1 =	ssub.s32 @!p0 $0x0, s1;
	[sflag:s0] =	ssyncset.done @!p0 $0x0  }
0x68: {  	[sflag:s0] =	ssyncadd.s32 @!p0 s1  }
0x69: {  	[bflag:$0x3] =	sbarrier.arrive $0xFFFF  }
0x6a: {  	_ =	shalt  }

// kernel: kernel.14.cloned.1.call-start
scs
__scs_entry_jumppad:
0x0: {  	(pc) =	sbr.rel $0x88, $3  }
0x1: {  	(tag) =	ssettag $0x0;
	lr =	simm.s32 $0x1  }
0x2: {  	[smem:$0x3F87] =	sst lr;
	_ =	strace $0xD0000000  }
0x3: {  	_ = 	snop  }
0x4: {  	_ = 	snop  }
0x5: {  	_ = 	snop  }
0x6: {  	_ = 	snop  }
0x7: {  	_ = 	snop  }
__scs_overlays_trampoline_lowered:
0x8: {  	[smem:$0x3F96] =	sst s0  }
0x9: {  	[smem:$0x3F97] =	sst s1  }
0xa: {  	[smem:$0x3F98] =	sst s2  }
0xb: {  	[smem:$0x3F99] =	sst s3  }
0xc: {  	[smem:$0x3F9A] =	sst s4  }
0xd: {  	[smem:$0x3F9B] =	sst s5  }
0xe: {  	[smem:$0x3F9C] =	sst s6  }
0xf: {  	[smem:$0x3F9D] =	sst s7  }
0x10: {  	[smem:$0x3F9E] =	sst s8  }
0x11: {  	[smem:$0x3F9F] =	sst s9;
	s0 =	simm.s32 @!p0 $0x0  }
0x12: {  	s1 =	sld [smem:$0x3F85];
	s0 =	simm.s32 @p0 $0x1  }
0x13: {  	[smem:$0x3FA0] =	sst s0;
	s0 =	simm.s32 @!p1 $0x0  }
0x14: {  	s2 =	sld [smem:$0x3F84];
	s0 =	simm.s32 @p1 $0x1  }
0x15: {  	[smem:$0x3FA1] =	sst s0;
	s0 =	simm.s32 @!p2 $0x0  }
0x16: {  	s3 =	sld [smem:$0x3FDB];
	s0 =	simm.s32 @p2 $0x1  }
0x17: {  	s4 =	simm.s32 $0x1BF5;
	[smem:$0x3FA3] =	sst s0  }
0x18: {  	s0 =	sld [smem:$0x3F86];
	_ =	swait.ge [sflag:s4], $0x0  }
0x19: {  	s7 =	sld [smem:$0x3F87]  }
0x1a: {  	s8 =	sadd.s32 $0xFFFFE003, lr  }
0x1b: {  	s9 =	sadd.s32 $0xFFFFFEF7, lr;
	s5 =	simm.s32 $0xFFFFFFFF;
	p2 =	slt.u32 s8, $0xFFFFF086  }
0x1c: {  	p1 =	slt.u32 s9, $0xF7A;
	s5 =	simm.s32 @!p2 $0x0  }
0x1d: {  	s5 =	simm.s32 @p1 $0x1;
	p0 =	seq.s32 s7, s2  }
0x1e: {  	s7 =	smul.u32 @!p0 $0xF7A, s2;
	p2 =	seq.s32 @!p0 s5, $0x0  }
0x1f: {  	s9 =	smul.u32 $0xF7A, s1;
	s8 =	simm.s32 @!p0 $0x1BF5;
	p2 =	por !p2, p0  }
0x20: {  	[sflag:s8] =	ssyncset.s32 @!p0 $0xFFFFF086;
	s6 =	sadd.s32 @!p0 s3, s7;
	s7 =	simm.s32 @!p0 $0x108  }
0x21: {  	s3 =	sadd.s32 s3, s9;
	s6 =	sadd.s32 @!p0 $0x88, s6;
	s7 =	simm.s32 @p2 $0x1082  }
0x22: {  	[simem:s7], [sflag:s8] =	dma.local @!p0 [hbm:s6], $0xF7A  }
0x23: {  	s9 =	sor.u32 $0xD0000000, s2;
	s6 =	simm.s32 $0x108;
	_ =	swait.ge @!p0 [sflag:s8], $0x0  }
0x24: {  	s3 =	sadd.s32 $0x88, s3;
	s6 =	simm.s32 @!p1 $0x1082;
	[sflag:s4] =	ssyncset.s32 $0xFFFFF086  }
0x25: {  	[simem:s6], [sflag:s4] =	dma.local [hbm:s3], $0xF7A  }
0x26: {  	[smem:$0x3F87] =	sst s1;
	(tag) =	ssettag s2;
	_ =	strace s9  }
0x27: {  	s1 =	sld [smem:$0x3F97]  }
0x28: {  	s2 =	sld [smem:$0x3F98]  }
0x29: {  	s4 =	sld [smem:$0x3F9A]  }
0x2a: {  	p0 =	seq.s32 s5, $0x0;
	s5 =	sld [smem:$0x3F9B]  }
0x2b: {  	s6 =	sld [smem:$0x3F9C]  }
0x2c: {  	s7 =	sld [smem:$0x3F9D]  }
0x2d: {  	s3 =	simm.s32 $0x108;
	s8 =	sld [smem:$0x3F9E]  }
0x2e: {  	s3 =	simm.s32 @!p0 $0x1082;
	s9 =	sld [smem:$0x3F9F]  }
0x2f: {  	lr =	sadd.s32 s0, s3;
	s0 =	sld [smem:$0x3F96]  }
0x30: {  	s3 =	sld [smem:$0x3F99]  }
0x31: {  	[smem:$0x3FA2] =	sst s10  }
0x32: {  	s10 =	sld [smem:$0x3FA0];
	_ =	sdelay $0x3  }
0x33: {  	p0 =	seq.s32 s10, $0x1;
	s10 =	sld [smem:$0x3FA2];
	_ =	sdelay $0x3  }
0x34: {  	[smem:$0x3FA2] =	sst s10  }
0x35: {  	s10 =	sld [smem:$0x3FA1];
	_ =	sdelay $0x3  }
0x36: {  	p1 =	seq.s32 s10, $0x1;
	s10 =	sld [smem:$0x3FA2];
	_ =	sdelay $0x3  }
0x37: {  	[smem:$0x3FA2] =	sst s10  }
0x38: {  	s10 =	sld [smem:$0x3FA3]  }
0x39: {  	_ = 	snop;
	(pc) =	sbr.ind lr, $3  }
0x3a: {  	_ = 	snop  }
0x3b: {  	_ = 	snop  }
0x3c: {  	p2 =	seq.s32 s10, $0x1;
	s10 =	sld [smem:$0x3FA2]  }
0x3d: {  	_ =	shalt  }
0x3e: {  	_ =	shalt  }
0x3f: {  	_ =	shalt  }
0x40: {  	_ =	shalt  }
0x41: {  	_ =	shalt  }
0x42: {  	_ =	shalt  }
0x43: {  	_ =	shalt  }
0x44: {  	_ =	shalt  }
0x45: {  	_ =	shalt  }
0x46: {  	_ =	shalt  }
0x47: {  	_ =	shalt  }
0x48: {  	_ =	shalt  }
0x49: {  	_ =	shalt  }
0x4a: {  	_ =	shalt  }
0x4b: {  	_ =	shalt  }
0x4c: {  	_ =	shalt  }
0x4d: {  	_ =	shalt  }
0x4e: {  	_ =	shalt  }
0x4f: {  	_ =	shalt  }
0x50: {  	_ =	shalt  }
0x51: {  	_ =	shalt  }
0x52: {  	_ =	shalt  }
0x53: {  	_ =	shalt  }
0x54: {  	_ =	shalt  }
0x55: {  	_ =	shalt  }
0x56: {  	_ =	shalt  }
0x57: {  	_ =	shalt  }
0x58: {  	_ =	shalt  }
0x59: {  	_ =	shalt  }
0x5a: {  	_ =	shalt  }
0x5b: {  	_ =	shalt  }
0x5c: {  	_ =	shalt  }
0x5d: {  	_ =	shalt  }
0x5e: {  	_ =	shalt  }
0x5f: {  	_ =	shalt  }
0x60: {  	_ =	shalt  }
0x61: {  	_ =	shalt  }
0x62: {  	_ =	shalt  }
0x63: {  	_ =	shalt  }
0x64: {  	_ =	shalt  }
0x65: {  	_ =	shalt  }
0x66: {  	_ =	shalt  }
0x67: {  	_ =	shalt  }
0x68: {  	_ =	shalt  }
0x69: {  	_ =	shalt  }
0x6a: {  	_ =	shalt  }
0x6b: {  	_ =	shalt  }
0x6c: {  	_ =	shalt  }
0x6d: {  	_ =	shalt  }
0x6e: {  	_ =	shalt  }
0x6f: {  	_ =	shalt  }
0x70: {  	_ =	shalt  }
0x71: {  	_ =	shalt  }
0x72: {  	_ =	shalt  }
0x73: {  	_ =	shalt  }
0x74: {  	_ =	shalt  }
0x75: {  	_ =	shalt  }
0x76: {  	_ =	shalt  }
0x77: {  	_ =	shalt  }
0x78: {  	_ =	shalt  }
0x79: {  	_ =	shalt  }
0x7a: {  	_ =	shalt  }
0x7b: {  	_ =	shalt  }
0x7c: {  	_ =	shalt  }
0x7d: {  	_ =	shalt  }
0x7e: {  	_ =	shalt  }
0x7f: {  	_ =	shalt  }
0x80: {  	_ =	shalt  }
0x81: {  	_ =	shalt  }
0x82: {  	_ =	shalt  }
0x83: {  	_ =	shalt  }
0x84: {  	_ =	shalt  }
0x85: {  	_ =	shalt  }
0x86: {  	_ =	shalt  }
0x87: {  	_ =	shalt  }
.Lfunc_end0:
.L_simem_size_0:
called_computation.4_lowered:
.L_overlay_start_0:
0x88: {  	s2 =	sld [smem:$0x3FD9]  }
0x89: {  	s3 =	sld [smem:$0x3FFE];
	_ =	sdelay $0x1  }
0x8a: {  	s1 =	srdreg.scid  }
0x8b: {  	s0 =	sand.u32 $0x1, s1  }
0x8c: {  	s14 =	sshll.u32 s0, $0xA;
	s2 =	sadd.s32 s3, s2  }
0x8d: {  	s2 =	sadd.s32 s2, s14  }
0x8e: {  	[smem:$0x3FAE] =	sst s2  }
0x8f: {  	_ = 	snop  }
0x90: {  	s2 =	sld [smem:$0x3FD0];
	_ =	sdelay $0x2  }
0x91: {  	s15 =	simm.s32 $0xB;
	s4 =	simm.s32 $0x10  }
0x92: {  	[smem:s4], [sflag:s15] =	dma.local [hbm:s2], $0x1  }
0x93: {  	_ =	swait.eq [sflag:s15], $0x1  }
0x94: {  	[sflag:s15] =	ssyncset.done $0x0  }
0x95: {  	[sflag:s15] =	ssyncadd.s32 $0xFFFFFFFF  }
0x96: {  	s16 =	sld [smem:$0x10];
	(tm) =	ssettm $0x1  }
0x97: {  	s17 =	sld [smem:$0x3FFB];
	_ =	sdelay $0x3  }
0x98: {  	_ =	strace s17  }
0x99: {  	s3 =	sld [smem:$0x3FFC];
	_ =	sdelay $0x3  }
0x9a: {  	_ =	strace s3  }
0x9b: {  	s3 =	sld [smem:$0x3FFD];
	_ =	sdelay $0x3  }
0x9c: {  	_ =	strace s3  }
0x9d: {  	_ =	strace $0x8FFFFFFF  }
0x9e: {  	s18 =	sld [smem:$0x3FDB];
	_ =	sdelay $0x1  }
0x9f: {  	s19 =	simm.s32 $_scs_section_size  }
0xa0: {  	s5 =	simm.s32 $_size__tile_overlayer_lowered;
	s6 =	simm.s32 $_tile_overlayer_lowered  }
0xa1: {  	s22 =	simm.s32 $0x1BFF;
	s21 =	sshll.u32 s6, $0x1;
	s3 =	sadd.s32 s19, s18  }
0xa2: {  	s7 =	simm.s32 $0x0;
	s20 =	sshll.u32 s5, $0x1;
	s5 =	sadd.s32 s21, s3  }
0xa3: {  	[timem:s7], [sflag:s22] =	dma.local [hbm:s5], s20  }
0xa4: {  	_ =	swait.ge [sflag:s22], s20  }
0xa5: {  	s4 =	ssub.s32 $0x0, s20;
	[sflag:s22] =	ssyncset.done $0x0  }
0xa6: {  	[sflag:s22] =	ssyncadd.s32 s4;
	_ =	sdelay $0x1  }
0xa7: {  	s23 =	simm.s32 $0x1B8B  }
0xa8: {  	_ =	swait.ge [sflag:s23], $0x1  }
0xa9: {  	[sflag:s23] =	ssyncset.done $0x0  }
0xaa: {  	s25 =	simm.s32 $0x1B8E;
	s24 =	sld [smem:$0x3FFE];
	[sflag:s23] =	ssyncadd.s32 $0xFFFFFFFF  }
0xab: {  	s26 =	simm.s32 $execute0_lowered;
	[smem:$0x3FD2] =	sst s25  }
0xac: {  	s5 =	sshll.u32 s26, $0x1;
	_ =	strace $0x80000052;
	[dreg:$0x1] =	wrdreg $0xFFFFFFFF  }
0xad: {  	s28 =	simm.s32 $_size_execute0_lowered;
	s3 =	sadd.s32 s3, s5;
	[dreg:$0x0] =	wrdreg $0x0  }
0xae: {  	s5 =	sshll.u32 s28, $0x1;
	[dreg:$0x2] =	wrdreg s3  }
0xaf: {  	[dreg:$0x3] =	wrdreg s5  }
0xb0: {  	[dreg:$0x4] =	wrdreg $0xC0  }
0xb1: {  	_ =	task [dreg:s7], $0x5FFFF  }
0xb2: {  	[dreg:$0x1] =	wrdreg $0xFFFFFFFF  }
0xb3: {  	[dreg:$0x0] =	wrdreg $0x60  }
0xb4: {  	[dreg:$0x2] =	wrdreg s24  }
0xb5: {  	[dreg:$0x3] =	wrdreg s16  }
0xb6: {  	[dreg:$0x4] =	wrdreg $0x0  }
0xb7: {  	[dreg:$0x5] =	wrdreg $0x9  }
0xb8: {  	_ =	task.clear_ibuf [dreg:s7], $0x6FFFF;
	_ =	strace $0x90000052  }
0xb9: {  	s29 =	simm.s32 $0x9;
	_ =	strace $0x80000054  }
0xba: {  	_ =	swait.ge [sflag:s29], $0x1  }
0xbb: {  	[sflag:s29] =	ssyncadd.s32 $0xFFFFFFFF  }
0xbc: {  	_ =	strace $0x90000054  }
0xbd: {  	_ =	sfence  }
0xbe: {  	s30 =	sld [smem:$0x0];
	_ =	sdelay $0x2  }
0xbf: {  	s31 =	sshll.u32 s1, $0xD;
	s1 =	sshrl.u32 s1, $0x2  }
0xc0: {  	s3 =	sand.u32 $0x4000, s31;
	s1 =	sadd.s32 s1, s30  }
0xc1: {  	s0 =	sor.u32 s3, s0;
	s1 =	sshll.u32 s1, $0x11  }
0xc2: {  	s0 =	sor.u32 s1, s0  }
0xc3: {  	s0 =	sadd.s32 $0x8F2B, s0  }
0xc4: {  	[sflag:s0] =	ssyncadd.remote.s32 $0x1  }
0xc5: {  	_ =	sfence.sel $0xFFFF  }
0xc6: {  	[dreg:$0x0] =	wrdreg $0xFFFFFFFF;
	(pc) =	sbr.abs _section_cstart, $3  }
0xc7: {  	[dreg:$0x1] =	wrdreg $0xFFFFFFFF  }
0xc8: {  	_ =	task.clear_ibuf [dreg:s7], $0x2FFFF;
	_ =	strace $0x9FFFFFFF  }
0xc9: {  	(tm) =	ssettm $0x7FFFFFFF  }
tec
execute0_lowered:
.L_overlay_start_1:
0x0: {  	(tag) =	ssettag $0x1  }
0x1: {  	s4 =	rddreg [dreg:$0x0]  }
0x2: {  	s5 =	rddreg [dreg:$0x1]  }
0x3: {  	s1 =	rddreg [dreg:$0x2]  }
0x4: {  	s0 =	rddreg [dreg:$0x3]  }
0x5: {  	s3 =	simm.s32 $0x0;
	s6 =	srdreg.scid;
	s2 =	stileid.u32  }
0x6: {  	s16 =	simm.s32 $0x80;
	s17 =	simm.s32 $0x200;
	s18 =	simm.s32 $0x13900  }
0x7: {  	s19 =	simm.s32 $0x40;
	s20 =	simm.s32 $0x10;
	s21 =	simm.s32 $0x0  }
0x8: {  	[smem:$0x7FF] =	sst s3;
	s6 =	sand.u32 $0x1, s6;
	s12 =	sadd.s32 $0x808000, s4  }
0x9: {  	s7 =	sshll.u32 s2, $0x4;
	s9 =	sadd.s32 $0x5000, s4;
	s11 =	smul.u32 $0x13880, s2  }
0xa: {  	p0 =	slt.u32 s2, $0x4;
	s23 =	smul.u32 $0x4E200, s2;
	s26 =	sshll.u32 s2, $0x6  }
0xb: {  	s15 =	sshll.u32 s2, $0x10;
	_ =	strace $0x80000053;
	s8 =	ssub.s32 $0x2, s6  }
0xc: {  	s10 =	sadd.s32 s7, s4;
	s4 =	simm.s32 $0x9D;
	s24 =	sshll.u32 s6, $0x8  }
0xd: {  	s6 =	sor.u32 $0x1C01, s26;
	s22 =	sshrl.u32 s8, $0x1;
	s4 =	simm.s32 @!p0 $0x9C  }
0xe: {  	s14 =	sadd.s32 s11, s1;
	s25 =	sshrl.u32 s11, $0x3;
	s7 =	sor.u32 s24, s23  }
0xf: {  	s15 =	sor.u32 s24, s15;
	s10 =	sadd.s32 $0x7FE200, s10;
	s13 =	ssub.s32 s8, s22  }
0x10: {  	s5 =	sadd.s32 s5, s25;
	s28 =	sor.u32 $0x80, s7;
	s7 =	sshrl.u32 s7, $0x3  }
0x11: {  	s29 =	sor.u32 $0x80, s15;
	s30 =	sshrl.u32 s15, $0x3;
	s15 =	simm.s32 $0x13880  }
0x12: {  	s11 =	sshrl.u32 s28, $0x3;
	s7 =	sadd.s32 s9, s7;
	s31 =	sshrl.u32 s29, $0x3  }
0x13: {  	s8 =	sadd.s32 s9, s11;
	s9 =	smax.u32 s13, $0x1;
	s11 =	sadd.s32 s30, s12  }
0x14: {  	s12 =	sadd.s32 s31, s12;
	s13 =	sshrl.u32 s14, $0x3;
	s14 =	simm.s32 $0x1  }
.LBB2_1:
0x15: {  	[spmem:s13], [sflag:s6] =	dma.local [hbm:s5], $0x2710  }
0x16: {  	_ =	swait.ge [sflag:s14], $0x2710  }
0x17: {  	[sflag:s14] =	ssyncset.done $0x0  }
0x18: {  	[sflag:s14] =	ssyncadd.s32 $0xFFFFD8F0  }
0x19: {  	[bflag:$0x0] =	sbarrier.arrive $0xFFFF  }
0x1a: {  	[tilespmem:s15], [sflag:$0x1] =	stream.linear.gather [hbm4b:s10+s3], $0x80, $0x38;
	[tilespmem:$0x17900] =	vst v63  }
0x1b: {  	_ =	swait.ge [sflag:s14], $0x80  }
0x1c: {  	[sflag:s14] =	ssyncset.done $0x0  }
0x1d: {  	[sflag:s14] =	ssyncadd.s32 $0xFFFFFF80  }
0x1e: {  	[tilespmem:s18], [sflag:$0x1] =	stream.strided.gather [hbm4b:s11+s16], $0x4000, s17, s16, $0x38;
	[tilespmem:$0x17900] =	vst v63  }
0x1f: {  	p0 =	sne.s32 s4, $0x1;
	_ =	swait.ge [sflag:s14], $0x4000  }
.Ltmp0:
0x20: {  	[sflag:s14] =	ssyncset.done $0x0;
	(pc) =	sbr.rel @!p0 .LBB2_3-.Ltmp0, $4  }
0x21: {  	[sflag:s14] =	ssyncadd.s32 $0xFFFFC000  }
0x22: {  	[spmem:s1] =	stream.indirect.scatter.add.f32 [tilespmem:s18], [sflag:$0x1], $0x80, s15, s16, $0xb8;
	[tilespmem:$0x17900] =	vst v63  }
0x23: {  	s22 =	sadd.s32 $0xFFFFFFFF, s4;
	_ =	swait.ge [sflag:s14], $0x4000  }
0x24: {  	s23 =	smov.u32 s10;
	s24 =	smov.u32 s11;
	[sflag:s14] =	ssyncset.done $0x0  }
.LBB2_2:
0x25: {  	[sflag:s14] =	ssyncadd.s32 $0xFFFFC000;
	s23 =	sadd.s32 $0x100, s23;
	s24 =	sadd.s32 $0x20000, s24  }
0x26: {  	[tilespmem:s15], [sflag:$0x1] =	stream.linear.gather [hbm4b:s23+s3], $0x80, $0x38;
	[tilespmem:$0x17900] =	vst v63  }
0x27: {  	p1 =	sne.s32 s22, $0x1;
	s22 =	sadd.s32 $0xFFFFFFFF, s22;
	_ =	swait.ge [sflag:s14], $0x80  }
0x28: {  	[sflag:s14] =	ssyncset.done $0x0  }
0x29: {  	[sflag:s14] =	ssyncadd.s32 $0xFFFFFF80  }
0x2a: {  	[tilespmem:s18], [sflag:$0x1] =	stream.strided.gather [hbm4b:s24+s16], $0x4000, s17, s16, $0x38;
	[tilespmem:$0x17900] =	vst v63  }
0x2b: {  	_ =	swait.ge [sflag:s14], $0x4000  }
.Ltmp1:
0x2c: {  	[sflag:s14] =	ssyncset.done $0x0;
	(pc) =	sbr.rel @p1 .LBB2_2-.Ltmp1, $4  }
0x2d: {  	[sflag:s14] =	ssyncadd.s32 $0xFFFFC000  }
0x2e: {  	[spmem:s1] =	stream.indirect.scatter.add.f32 [tilespmem:s18], [sflag:$0x1], $0x80, s15, s16, $0xb8;
	[tilespmem:$0x17900] =	vst v63  }
0x2f: {  	_ =	swait.ge [sflag:s14], $0x4000  }
0x30: {  	[sflag:s14] =	ssyncset.done $0x0  }
.LBB2_3:
0x31: {  	[sflag:s14] =	ssyncadd.s32 $0xFFFFC000  }
0x32: {  	[bflag:$0x0] =	sbarrier.arrive $0xFFFF  }
0x33: {  	[hbm:s7@s19], [sflag:s6] =	dma.strided [spmem:s13@s20], $0x2710, s14, $0x10   }
0x34: {  	_ =	swait.ge [sflag:s14], $0x2710  }
0x35: {  	[sflag:s14] =	ssyncset.done $0x0  }
0x36: {  	[sflag:s14] =	ssyncadd.s32 $0xFFFFD8F0  }
0x37: {  	[bflag:$0x0] =	sbarrier.arrive $0xFFFF  }
0x38: {  	[spmem:s13], [sflag:s6] =	dma.local [hbm:s5], $0x2710  }
0x39: {  	_ =	swait.ge [sflag:s14], $0x2710  }
0x3a: {  	[sflag:s14] =	ssyncset.done $0x0  }
0x3b: {  	[sflag:s14] =	ssyncadd.s32 $0xFFFFD8F0  }
0x3c: {  	[bflag:$0x0] =	sbarrier.arrive $0xFFFF  }
0x3d: {  	[tilespmem:s15], [sflag:$0x1] =	stream.linear.gather [hbm4b:s10+s3], $0x80, $0x38;
	[tilespmem:$0x17900] =	vst v63  }
0x3e: {  	_ =	swait.ge [sflag:s14], $0x80  }
0x3f: {  	[sflag:s14] =	ssyncset.done $0x0  }
0x40: {  	[sflag:s14] =	ssyncadd.s32 $0xFFFFFF80  }
0x41: {  	[tilespmem:s18], [sflag:$0x1] =	stream.strided.gather [hbm4b:s12+s16], $0x4000, s17, s16, $0x38;
	[tilespmem:$0x17900] =	vst v63  }
0x42: {  	_ =	swait.ge [sflag:s14], $0x4000  }
.Ltmp2:
0x43: {  	[sflag:s14] =	ssyncset.done $0x0;
	(pc) =	sbr.rel @!p0 .LBB2_5-.Ltmp2, $4  }
0x44: {  	[sflag:s14] =	ssyncadd.s32 $0xFFFFC000  }
0x45: {  	[spmem:s1] =	stream.indirect.scatter.add.f32 [tilespmem:s18], [sflag:$0x1], $0x80, s15, s16, $0xb8;
	[tilespmem:$0x17900] =	vst v63  }
0x46: {  	s22 =	sadd.s32 $0xFFFFFFFF, s4;
	_ =	swait.ge [sflag:s14], $0x4000  }
0x47: {  	s23 =	smov.u32 s10;
	s24 =	smov.u32 s12;
	[sflag:s14] =	ssyncset.done $0x0  }
.LBB2_4:
0x48: {  	[sflag:s14] =	ssyncadd.s32 $0xFFFFC000;
	s23 =	sadd.s32 $0x100, s23;
	s24 =	sadd.s32 $0x20000, s24  }
0x49: {  	[tilespmem:s15], [sflag:$0x1] =	stream.linear.gather [hbm4b:s23+s3], $0x80, $0x38;
	[tilespmem:$0x17900] =	vst v63  }
0x4a: {  	p0 =	sne.s32 s22, $0x1;
	s22 =	sadd.s32 $0xFFFFFFFF, s22;
	_ =	swait.ge [sflag:s14], $0x80  }
0x4b: {  	[sflag:s14] =	ssyncset.done $0x0  }
0x4c: {  	[sflag:s14] =	ssyncadd.s32 $0xFFFFFF80  }
0x4d: {  	[tilespmem:s18], [sflag:$0x1] =	stream.strided.gather [hbm4b:s24+s16], $0x4000, s17, s16, $0x38;
	[tilespmem:$0x17900] =	vst v63  }
0x4e: {  	_ =	swait.ge [sflag:s14], $0x4000  }
.Ltmp3:
0x4f: {  	[sflag:s14] =	ssyncset.done $0x0;
	(pc) =	sbr.rel @p0 .LBB2_4-.Ltmp3, $4  }
0x50: {  	[sflag:s14] =	ssyncadd.s32 $0xFFFFC000  }
0x51: {  	[spmem:s1] =	stream.indirect.scatter.add.f32 [tilespmem:s18], [sflag:$0x1], $0x80, s15, s16, $0xb8;
	[tilespmem:$0x17900] =	vst v63  }
0x52: {  	_ =	swait.ge [sflag:s14], $0x4000  }
0x53: {  	[sflag:s14] =	ssyncset.done $0x0  }
.LBB2_5:
0x54: {  	[sflag:s14] =	ssyncadd.s32 $0xFFFFC000;
	s21 =	sadd.s32 $0x1, s21  }
0x55: {  	[bflag:$0x0] =	sbarrier.arrive $0xFFFF;
	p0 =	sne.s32 s21, s9  }
0x56: {  	[hbm:s8@s19], [sflag:s6] =	dma.strided [spmem:s13@s20], $0x2710, s14, $0x10   }
.Ltmp4:
0x57: {  	_ =	swait.ge [sflag:s14], $0x2710;
	(pc) =	sbr.rel @p0 .LBB2_1-.Ltmp4, $3  }
0x58: {  	[sflag:s14] =	ssyncset.done $0x0  }
0x59: {  	[sflag:s14] =	ssyncadd.s32 $0xFFFFD8F0  }
0x5a: {  	[bflag:$0x0] =	sbarrier.arrive $0xFFFF;
	_ =	sdelay $0x1  }
0x5b: {  	_ =	sfence.sel $0x180000  }
0x5c: {  	[bflag:$0x0] =	sbarrier.arrive $0xFFFF  }
0x5d: {  	p0 =	sne.s32 s2, $0x0;
	_ =	strace $0x90000053  }
0x5e: {  	s0 =	sadd.s32 @!p0 $0x100000, s0;
	[bflag:$0x2] =	sbarrier.arrive $0xFFFF  }
0x5f: {  	[sflag:s0] =	ssyncadd.tile.s32 @!p0 $0x1;
	_ =	shalt  }
.Lfunc_end2:
_tile_overlayer_lowered:
.L_overlay_start_2:
0x60: {  	(tag) =	ssettag $0x2  }
0x61: {  	s0 =	rddreg [dreg:$0x0];
	s2 =	stileid.u32  }
0x62: {  	s1 =	rddreg [dreg:$0x1];
	p0 =	sne.s32 s2, $0x0  }
0x63: {  	s3 =	rddreg [dreg:$0x2];
	[bflag:$0x3] =	sbarrier.arrive $0xFFFF;
	s2 =	simm.s32 @!p0 $0x1C01  }
0x64: {  	[timem:s3], [sflag:s2] =	dma.local @!p0 [hbm:s0], s1  }
0x65: {  	s0 =	simm.s32 @!p0 $0x1  }
0x66: {  	_ =	swait.ge @!p0 [sflag:s0], s1  }
0x67: {  	s1 =	ssub.s32 @!p0 $0x0, s1;
	[sflag:s0] =	ssyncset.done @!p0 $0x0  }
0x68: {  	[sflag:s0] =	ssyncadd.s32 @!p0 s1  }
0x69: {  	[bflag:$0x3] =	sbarrier.arrive $0xFFFF  }
0x6a: {  	_ =	shalt  }

// kernel: kernel.8.cloned.1.call-start
scs
__scs_entry_jumppad:
0x0: {  	(pc) =	sbr.rel $0x88, $3  }
0x1: {  	(tag) =	ssettag $0x0;
	lr =	simm.s32 $0x1  }
0x2: {  	[smem:$0x3F87] =	sst lr;
	_ =	strace $0xD0000000  }
0x3: {  	_ = 	snop  }
0x4: {  	_ = 	snop  }
0x5: {  	_ = 	snop  }
0x6: {  	_ = 	snop  }
0x7: {  	_ = 	snop  }
__scs_overlays_trampoline_lowered:
0x8: {  	[smem:$0x3F96] =	sst s0  }
0x9: {  	[smem:$0x3F97] =	sst s1  }
0xa: {  	[smem:$0x3F98] =	sst s2  }
0xb: {  	[smem:$0x3F99] =	sst s3  }
0xc: {  	[smem:$0x3F9A] =	sst s4  }
0xd: {  	[smem:$0x3F9B] =	sst s5  }
0xe: {  	[smem:$0x3F9C] =	sst s6  }
0xf: {  	[smem:$0x3F9D] =	sst s7  }
0x10: {  	[smem:$0x3F9E] =	sst s8  }
0x11: {  	[smem:$0x3F9F] =	sst s9;
	s0 =	simm.s32 @!p0 $0x0  }
0x12: {  	s1 =	sld [smem:$0x3F85];
	s0 =	simm.s32 @p0 $0x1  }
0x13: {  	[smem:$0x3FA0] =	sst s0;
	s0 =	simm.s32 @!p1 $0x0  }
0x14: {  	s2 =	sld [smem:$0x3F84];
	s0 =	simm.s32 @p1 $0x1  }
0x15: {  	[smem:$0x3FA1] =	sst s0;
	s0 =	simm.s32 @!p2 $0x0  }
0x16: {  	s3 =	sld [smem:$0x3FDB];
	s0 =	simm.s32 @p2 $0x1  }
0x17: {  	s4 =	simm.s32 $0x1BF5;
	[smem:$0x3FA3] =	sst s0  }
0x18: {  	s0 =	sld [smem:$0x3F86];
	_ =	swait.ge [sflag:s4], $0x0  }
0x19: {  	s7 =	sld [smem:$0x3F87]  }
0x1a: {  	s8 =	sadd.s32 $0xFFFFE003, lr  }
0x1b: {  	s9 =	sadd.s32 $0xFFFFFEF7, lr;
	s5 =	simm.s32 $0xFFFFFFFF;
	p2 =	slt.u32 s8, $0xFFFFF086  }
0x1c: {  	p1 =	slt.u32 s9, $0xF7A;
	s5 =	simm.s32 @!p2 $0x0  }
0x1d: {  	s5 =	simm.s32 @p1 $0x1;
	p0 =	seq.s32 s7, s2  }
0x1e: {  	s7 =	smul.u32 @!p0 $0xF7A, s2;
	p2 =	seq.s32 @!p0 s5, $0x0  }
0x1f: {  	s9 =	smul.u32 $0xF7A, s1;
	s8 =	simm.s32 @!p0 $0x1BF5;
	p2 =	por !p2, p0  }
0x20: {  	[sflag:s8] =	ssyncset.s32 @!p0 $0xFFFFF086;
	s6 =	sadd.s32 @!p0 s3, s7;
	s7 =	simm.s32 @!p0 $0x108  }
0x21: {  	s3 =	sadd.s32 s3, s9;
	s6 =	sadd.s32 @!p0 $0x88, s6;
	s7 =	simm.s32 @p2 $0x1082  }
0x22: {  	[simem:s7], [sflag:s8] =	dma.local @!p0 [hbm:s6], $0xF7A  }
0x23: {  	s9 =	sor.u32 $0xD0000000, s2;
	s6 =	simm.s32 $0x108;
	_ =	swait.ge @!p0 [sflag:s8], $0x0  }
0x24: {  	s3 =	sadd.s32 $0x88, s3;
	s6 =	simm.s32 @!p1 $0x1082;
	[sflag:s4] =	ssyncset.s32 $0xFFFFF086  }
0x25: {  	[simem:s6], [sflag:s4] =	dma.local [hbm:s3], $0xF7A  }
0x26: {  	[smem:$0x3F87] =	sst s1;
	(tag) =	ssettag s2;
	_ =	strace s9  }
0x27: {  	s1 =	sld [smem:$0x3F97]  }
0x28: {  	s2 =	sld [smem:$0x3F98]  }
0x29: {  	s4 =	sld [smem:$0x3F9A]  }
0x2a: {  	p0 =	seq.s32 s5, $0x0;
	s5 =	sld [smem:$0x3F9B]  }
0x2b: {  	s6 =	sld [smem:$0x3F9C]  }
0x2c: {  	s7 =	sld [smem:$0x3F9D]  }
0x2d: {  	s3 =	simm.s32 $0x108;
	s8 =	sld [smem:$0x3F9E]  }
0x2e: {  	s3 =	simm.s32 @!p0 $0x1082;
	s9 =	sld [smem:$0x3F9F]  }
0x2f: {  	lr =	sadd.s32 s0, s3;
	s0 =	sld [smem:$0x3F96]  }
0x30: {  	s3 =	sld [smem:$0x3F99]  }
0x31: {  	[smem:$0x3FA2] =	sst s10  }
0x32: {  	s10 =	sld [smem:$0x3FA0];
	_ =	sdelay $0x3  }
0x33: {  	p0 =	seq.s32 s10, $0x1;
	s10 =	sld [smem:$0x3FA2];
	_ =	sdelay $0x3  }
0x34: {  	[smem:$0x3FA2] =	sst s10  }
0x35: {  	s10 =	sld [smem:$0x3FA1];
	_ =	sdelay $0x3  }
0x36: {  	p1 =	seq.s32 s10, $0x1;
	s10 =	sld [smem:$0x3FA2];
	_ =	sdelay $0x3  }
0x37: {  	[smem:$0x3FA2] =	sst s10  }
0x38: {  	s10 =	sld [smem:$0x3FA3]  }
0x39: {  	_ = 	snop;
	(pc) =	sbr.ind lr, $3  }
0x3a: {  	_ = 	snop  }
0x3b: {  	_ = 	snop  }
0x3c: {  	p2 =	seq.s32 s10, $0x1;
	s10 =	sld [smem:$0x3FA2]  }
0x3d: {  	_ =	shalt  }
0x3e: {  	_ =	shalt  }
0x3f: {  	_ =	shalt  }
0x40: {  	_ =	shalt  }
0x41: {  	_ =	shalt  }
0x42: {  	_ =	shalt  }
0x43: {  	_ =	shalt  }
0x44: {  	_ =	shalt  }
0x45: {  	_ =	shalt  }
0x46: {  	_ =	shalt  }
0x47: {  	_ =	shalt  }
0x48: {  	_ =	shalt  }
0x49: {  	_ =	shalt  }
0x4a: {  	_ =	shalt  }
0x4b: {  	_ =	shalt  }
0x4c: {  	_ =	shalt  }
0x4d: {  	_ =	shalt  }
0x4e: {  	_ =	shalt  }
0x4f: {  	_ =	shalt  }
0x50: {  	_ =	shalt  }
0x51: {  	_ =	shalt  }
0x52: {  	_ =	shalt  }
0x53: {  	_ =	shalt  }
0x54: {  	_ =	shalt  }
0x55: {  	_ =	shalt  }
0x56: {  	_ =	shalt  }
0x57: {  	_ =	shalt  }
0x58: {  	_ =	shalt  }
0x59: {  	_ =	shalt  }
0x5a: {  	_ =	shalt  }
0x5b: {  	_ =	shalt  }
0x5c: {  	_ =	shalt  }
0x5d: {  	_ =	shalt  }
0x5e: {  	_ =	shalt  }
0x5f: {  	_ =	shalt  }
0x60: {  	_ =	shalt  }
0x61: {  	_ =	shalt  }
0x62: {  	_ =	shalt  }
0x63: {  	_ =	shalt  }
0x64: {  	_ =	shalt  }
0x65: {  	_ =	shalt  }
0x66: {  	_ =	shalt  }
0x67: {  	_ =	shalt  }
0x68: {  	_ =	shalt  }
0x69: {  	_ =	shalt  }
0x6a: {  	_ =	shalt  }
0x6b: {  	_ =	shalt  }
0x6c: {  	_ =	shalt  }
0x6d: {  	_ =	shalt  }
0x6e: {  	_ =	shalt  }
0x6f: {  	_ =	shalt  }
0x70: {  	_ =	shalt  }
0x71: {  	_ =	shalt  }
0x72: {  	_ =	shalt  }
0x73: {  	_ =	shalt  }
0x74: {  	_ =	shalt  }
0x75: {  	_ =	shalt  }
0x76: {  	_ =	shalt  }
0x77: {  	_ =	shalt  }
0x78: {  	_ =	shalt  }
0x79: {  	_ =	shalt  }
0x7a: {  	_ =	shalt  }
0x7b: {  	_ =	shalt  }
0x7c: {  	_ =	shalt  }
0x7d: {  	_ =	shalt  }
0x7e: {  	_ =	shalt  }
0x7f: {  	_ =	shalt  }
0x80: {  	_ =	shalt  }
0x81: {  	_ =	shalt  }
0x82: {  	_ =	shalt  }
0x83: {  	_ =	shalt  }
0x84: {  	_ =	shalt  }
0x85: {  	_ =	shalt  }
0x86: {  	_ =	shalt  }
0x87: {  	_ =	shalt  }
.Lfunc_end0:
.L_simem_size_0:
called_computation.2_lowered:
.L_overlay_start_0:
0x88: {  	s2 =	sld [smem:$0x3FD9]  }
0x89: {  	s3 =	sld [smem:$0x3FFE];
	_ =	sdelay $0x1  }
0x8a: {  	s1 =	srdreg.scid  }
0x8b: {  	s0 =	sand.u32 $0x1, s1  }
0x8c: {  	s17 =	sshll.u32 s0, $0xA;
	s2 =	sadd.s32 s3, s2  }
0x8d: {  	s2 =	sadd.s32 s2, s17  }
0x8e: {  	[smem:$0x3FAE] =	sst s2  }
0x8f: {  	_ = 	snop  }
0x90: {  	s2 =	sld [smem:$0x3FC4]  }
0x91: {  	s18 =	sld [smem:$0x3FC3];
	(tm) =	ssettm $0x1  }
0x92: {  	s4 =	sld [smem:$0x3FFB];
	_ =	sdelay $0x3  }
0x93: {  	_ =	strace s4  }
0x94: {  	s4 =	sld [smem:$0x3FFC];
	_ =	sdelay $0x3  }
0x95: {  	_ =	strace s4  }
0x96: {  	s4 =	sld [smem:$0x3FFD];
	_ =	sdelay $0x3  }
0x97: {  	_ =	strace s4  }
0x98: {  	_ =	strace $0x8FFFFFFF  }
0x99: {  	s19 =	sld [smem:$0x3FDB];
	_ =	sdelay $0x1  }
0x9a: {  	s5 =	simm.s32 $_scs_section_size  }
0x9b: {  	s6 =	simm.s32 $_size__tile_overlayer_lowered;
	s7 =	simm.s32 $_tile_overlayer_lowered  }
0x9c: {  	s22 =	simm.s32 $0x1BFF;
	s21 =	sshll.u32 s7, $0x1;
	s4 =	sadd.s32 s5, s19  }
0x9d: {  	s8 =	simm.s32 $0x0;
	s20 =	sshll.u32 s6, $0x1;
	s6 =	sadd.s32 s21, s4  }
0x9e: {  	[timem:s8], [sflag:s22] =	dma.local [hbm:s6], s20  }
0x9f: {  	_ =	swait.ge [sflag:s22], s20  }
0xa0: {  	s5 =	ssub.s32 $0x0, s20;
	[sflag:s22] =	ssyncset.done $0x0  }
0xa1: {  	[sflag:s22] =	ssyncadd.s32 s5;
	_ =	sdelay $0x1  }
0xa2: {  	s23 =	simm.s32 $0x1B8B  }
0xa3: {  	_ =	swait.ge [sflag:s23], $0x1  }
0xa4: {  	[sflag:s23] =	ssyncset.done $0x0  }
0xa5: {  	s25 =	simm.s32 $0x1B8E;
	s24 =	sld [smem:$0x3FFE];
	[sflag:s23] =	ssyncadd.s32 $0xFFFFFFFF  }
0xa6: {  	s26 =	simm.s32 $execute0_lowered;
	[smem:$0x3FD2] =	sst s25  }
0xa7: {  	s6 =	sshll.u32 s26, $0x1;
	_ =	strace $0x80000046;
	[dreg:$0x1] =	wrdreg $0xFFFFFFFF  }
0xa8: {  	s28 =	simm.s32 $_size_execute0_lowered;
	s4 =	sadd.s32 s4, s6;
	[dreg:$0x0] =	wrdreg $0x0  }
0xa9: {  	s6 =	sshll.u32 s28, $0x1;
	[dreg:$0x2] =	wrdreg s4  }
0xaa: {  	[dreg:$0x3] =	wrdreg s6  }
0xab: {  	[dreg:$0x4] =	wrdreg $0xC0  }
0xac: {  	_ =	task [dreg:s8], $0x5FFFF  }
0xad: {  	[dreg:$0x1] =	wrdreg $0xFFFFFFFF  }
0xae: {  	[dreg:$0x0] =	wrdreg $0x60  }
0xaf: {  	[dreg:$0x2] =	wrdreg s24  }
0xb0: {  	[dreg:$0x3] =	wrdreg s2  }
0xb1: {  	[dreg:$0x4] =	wrdreg s18  }
0xb2: {  	[dreg:$0x5] =	wrdreg $0xA  }
0xb3: {  	_ =	task.clear_ibuf [dreg:s8], $0x6FFFF;
	_ =	strace $0x90000046  }
0xb4: {  	s29 =	simm.s32 $0xA;
	_ =	strace $0x80000048  }
0xb5: {  	_ =	swait.ge [sflag:s29], $0x1  }
0xb6: {  	[sflag:s29] =	ssyncadd.s32 $0xFFFFFFFF  }
0xb7: {  	_ =	strace $0x90000048  }
0xb8: {  	_ =	sfence  }
0xb9: {  	s30 =	sld [smem:$0x0];
	_ =	sdelay $0x2  }
0xba: {  	s31 =	sshll.u32 s1, $0xD;
	s1 =	sshrl.u32 s1, $0x2  }
0xbb: {  	s3 =	sand.u32 $0x4000, s31;
	s1 =	sadd.s32 s1, s30  }
0xbc: {  	s0 =	sor.u32 s3, s0;
	s1 =	sshll.u32 s1, $0x11  }
0xbd: {  	s0 =	sor.u32 s1, s0  }
0xbe: {  	s0 =	sadd.s32 $0x8F2B, s0  }
0xbf: {  	[sflag:s0] =	ssyncadd.remote.s32 $0x1  }
0xc0: {  	_ =	sfence.sel $0xFFFF  }
0xc1: {  	[dreg:$0x0] =	wrdreg $0xFFFFFFFF;
	(pc) =	sbr.abs _section_cstart, $3  }
0xc2: {  	[dreg:$0x1] =	wrdreg $0xFFFFFFFF  }
0xc3: {  	_ =	task.clear_ibuf [dreg:s8], $0x2FFFF;
	_ =	strace $0x9FFFFFFF  }
0xc4: {  	(tm) =	ssettm $0x7FFFFFFF  }
0xc5: {  	_ =	shalt  }
tec
execute0_lowered:
.L_overlay_start_1:
0x0: {  	(tag) =	ssettag $0x1  }
0x1: {  	s4 =	rddreg [dreg:$0x0]  }
0x2: {  	s8 =	rddreg [dreg:$0x1]  }
0x3: {  	s0 =	stileid.u32;
	s1 =	srdreg.scid  }
0x4: {  	s7 =	rddreg [dreg:$0x2];
	s2 =	simm.s32 $0x0;
	s13 =	simm.s32 $0x1  }
0x5: {  	s14 =	simm.s32 $0x2;
	s15 =	simm.s32 $0x0;
	s5 =	smul.u32 $0x13880, s0  }
0x6: {  	s3 =	sand.u32 $0x1, s1;
	s1 =	rddreg [dreg:$0x3];
	s10 =	smul.u32 $0x9C40, s0  }
0x7: {  	[smem:$0x7FF] =	sst s2;
	s6 =	smul.u32 $0x9C40, s3;
	s9 =	ssub.s32 $0x2, s3  }
0x8: {  	_ =	strace $0x80000047;
	s12 =	smul.u32 $0x4E20, s3;
	s11 =	sshrl.u32 s9, $0x1  }
0x9: {  	s3 =	sadd.s32 $0x4E7000, s4;
	s5 =	sadd.s32 s5, s4;
	s30 =	ssub.s32 s9, s11  }
0xa: {  	s6 =	sadd.s32 s6, s5;
	s31 =	sadd.s32 s12, s10;
	s10 =	simm.s32 $0x7D0  }
0xb: {  	s11 =	simm.s32 $0xFA0;
	s12 =	simm.s32 $0x8CA0;
	s4 =	smax.u32 s30, $0x1  }
0xc: {  	s5 =	sadd.s32 $0x583400, s6;
	s6 =	sadd.s32 $0x6BBC00, s6;
	s9 =	sshrl.u32 s31, $0x3  }
0xd: {  	s7 =	sadd.s32 s9, s7;
	s8 =	sadd.s32 s9, s8;
	s9 =	simm.s32 $0x3  }
.LBB2_1:
0xe: {  	s16 =	sadd.s32 $0x0, s8  }
0xf: {  	[tilespmem:s2], [sflag:$0x3] =	stream.linear.gather [hbm4b:s16+s2], $0x7D0, $0x38;
	[tilespmem:$0x109A0] =	vst v63  }
0x10: {  	_ =	swait.ge [sflag:s9], $0x7D0  }
0x11: {  	[sflag:s9] =	ssyncset.done $0x0  }
0x12: {  	[sflag:s9] =	ssyncadd.s32 $0xFFFFF830  }
0x13: {  	[tilespmem:s11], [sflag:$0x1] =	stream.indirect.gather [hbm4b:s3+s10], $0x10, s2, s10, $0xb8;
	[tilespmem:$0x109A0] =	vst v63  }
0x14: {  	s31 =	sadd.s32 $0x0, s7  }
0x15: {  	[tilespmem:s10], [sflag:$0x3] =	stream.linear.gather [hbm4b:s31+s2], $0x7D0, $0x38;
	[tilespmem:$0x109A0] =	vst v63  }
0x16: {  	_ =	swait.ge [sflag:s9], $0x7D0  }
0x17: {  	[sflag:s9] =	ssyncset.done $0x0  }
0x18: {  	[sflag:s9] =	ssyncadd.s32 $0xFFFFF830  }
0x19: {  	[tilespmem:s12], [sflag:$0x2] =	stream.indirect.gather [hbm4b:s3+s10], $0x10, s10, s10, $0xb8;
	[tilespmem:$0x109A0] =	vst v63  }
0x1a: {  	_ =	swait.ge [sflag:s13], $0x7D00  }
0x1b: {  	[sflag:s13] =	ssyncset.done $0x0  }
0x1c: {  	[sflag:s13] =	ssyncadd.s32 $0xFFFF8300  }
0x1d: {  	[hbm4b:s6+s2] =	stream.linear.scatter [tilespmem:s11], [sflag:$0x3], $0x7D00, $0x38;
	[tilespmem:$0x109A0] =	vst v63  }
0x1e: {  	_ =	swait.ge [sflag:s9], $0x7D00  }
0x1f: {  	[sflag:s9] =	ssyncset.done $0x0  }
0x20: {  	[sflag:s9] =	ssyncadd.s32 $0xFFFF8300  }
0x21: {  	_ =	swait.ge [sflag:s14], $0x7D00  }
0x22: {  	[sflag:s14] =	ssyncset.done $0x0  }
0x23: {  	[sflag:s14] =	ssyncadd.s32 $0xFFFF8300  }
0x24: {  	[hbm4b:s5+s2] =	stream.linear.scatter [tilespmem:s12], [sflag:$0x3], $0x7D00, $0x38;
	[tilespmem:$0x109A0] =	vst v63  }
0x25: {  	s18 =	simm.s32 $0xFA;
	s19 =	simm.s32 $0x1F4;
	_ =	swait.ge [sflag:s9], $0x7D00  }
0x26: {  	s17 =	sadd.s32 $0xFA0, s6;
	s16 =	sadd.s32 $0xFA0, s5;
	[sflag:s9] =	ssyncset.done $0x0  }
.LBB2_2:
0x27: {  	s20 =	sadd.s32 s18, s8  }
0x28: {  	[sflag:s9] =	ssyncadd.s32 $0xFFFF8300;
	s21 =	smov.u32 s19;
	s22 =	sadd.s32 $0xFA, s19  }
0x29: {  	[tilespmem:s2], [sflag:$0x3] =	stream.linear.gather [hbm4b:s20+s2], $0x7D0, $0x38;
	[tilespmem:$0x109A0] =	vst v63  }
0x2a: {  	p0 =	sne.s32 s19, $0x8CA;
	_ =	swait.ge [sflag:s9], $0x7D0  }
0x2b: {  	[sflag:s9] =	ssyncset.done $0x0  }
0x2c: {  	[sflag:s9] =	ssyncadd.s32 $0xFFFFF830  }
0x2d: {  	[tilespmem:s11], [sflag:$0x1] =	stream.indirect.gather [hbm4b:s3+s10], $0x10, s2, s10, $0xb8;
	[tilespmem:$0x109A0] =	vst v63  }
0x2e: {  	s19 =	sadd.s32 s18, s7;
	s18 =	smov.u32 s21  }
0x2f: {  	[tilespmem:s10], [sflag:$0x3] =	stream.linear.gather [hbm4b:s19+s2], $0x7D0, $0x38;
	[tilespmem:$0x109A0] =	vst v63  }
0x30: {  	_ =	swait.ge [sflag:s9], $0x7D0  }
0x31: {  	[sflag:s9] =	ssyncset.done $0x0  }
0x32: {  	[sflag:s9] =	ssyncadd.s32 $0xFFFFF830  }
0x33: {  	[tilespmem:s12], [sflag:$0x2] =	stream.indirect.gather [hbm4b:s3+s10], $0x10, s10, s10, $0xb8;
	[tilespmem:$0x109A0] =	vst v63  }
0x34: {  	_ =	swait.ge [sflag:s13], $0x7D00  }
0x35: {  	[sflag:s13] =	ssyncset.done $0x0  }
0x36: {  	[sflag:s13] =	ssyncadd.s32 $0xFFFF8300  }
0x37: {  	[hbm4b:s17+s2] =	stream.linear.scatter [tilespmem:s11], [sflag:$0x3], $0x7D00, $0x38;
	[tilespmem:$0x109A0] =	vst v63  }
0x38: {  	_ =	swait.ge [sflag:s9], $0x7D00  }
0x39: {  	[sflag:s9] =	ssyncset.done $0x0  }
0x3a: {  	[sflag:s9] =	ssyncadd.s32 $0xFFFF8300  }
0x3b: {  	_ =	swait.ge [sflag:s14], $0x7D00  }
.Ltmp0:
0x3c: {  	[sflag:s14] =	ssyncset.done $0x0;
	(pc) =	sbr.rel @p0 .LBB2_2-.Ltmp0, $4  }
0x3d: {  	[sflag:s14] =	ssyncadd.s32 $0xFFFF8300  }
0x3e: {  	[hbm4b:s16+s2] =	stream.linear.scatter [tilespmem:s12], [sflag:$0x3], $0x7D00, $0x38;
	[tilespmem:$0x109A0] =	vst v63  }
0x3f: {  	s19 =	smov.u32 s22;
	_ =	swait.ge [sflag:s9], $0x7D00  }
0x40: {  	s17 =	sadd.s32 $0xFA0, s17;
	s16 =	sadd.s32 $0xFA0, s16;
	[sflag:s9] =	ssyncset.done $0x0  }
0x41: {  	s19 =	sadd.s32 s18, s8;
	[sflag:s9] =	ssyncadd.s32 $0xFFFF8300  }
0x42: {  	[tilespmem:s2], [sflag:$0x3] =	stream.linear.gather [hbm4b:s19+s2], $0x7D0, $0x38;
	[tilespmem:$0x109A0] =	vst v63  }
0x43: {  	_ =	swait.ge [sflag:s9], $0x7D0  }
0x44: {  	[sflag:s9] =	ssyncset.done $0x0  }
0x45: {  	[sflag:s9] =	ssyncadd.s32 $0xFFFFF830  }
0x46: {  	[tilespmem:s11], [sflag:$0x1] =	stream.indirect.gather [hbm4b:s3+s10], $0x10, s2, s10, $0xb8;
	[tilespmem:$0x109A0] =	vst v63  }
0x47: {  	s31 =	sadd.s32 s18, s7  }
0x48: {  	[tilespmem:s10], [sflag:$0x3] =	stream.linear.gather [hbm4b:s31+s2], $0x7D0, $0x38;
	[tilespmem:$0x109A0] =	vst v63  }
0x49: {  	_ =	swait.ge [sflag:s9], $0x7D0  }
0x4a: {  	[sflag:s9] =	ssyncset.done $0x0  }
0x4b: {  	[sflag:s9] =	ssyncadd.s32 $0xFFFFF830  }
0x4c: {  	[tilespmem:s12], [sflag:$0x2] =	stream.indirect.gather [hbm4b:s3+s10], $0x10, s10, s10, $0xb8;
	[tilespmem:$0x109A0] =	vst v63  }
0x4d: {  	_ =	swait.ge [sflag:s13], $0x7D00  }
0x4e: {  	[sflag:s13] =	ssyncset.done $0x0  }
0x4f: {  	[sflag:s13] =	ssyncadd.s32 $0xFFFF8300  }
0x50: {  	[hbm4b:s17+s2] =	stream.linear.scatter [tilespmem:s11], [sflag:$0x3], $0x7D00, $0x38;
	[tilespmem:$0x109A0] =	vst v63  }
0x51: {  	_ =	swait.ge [sflag:s9], $0x7D00  }
0x52: {  	[sflag:s9] =	ssyncset.done $0x0  }
0x53: {  	[sflag:s9] =	ssyncadd.s32 $0xFFFF8300  }
0x54: {  	s15 =	sadd.s32 $0x1, s15;
	_ =	swait.ge [sflag:s14], $0x7D00  }
0x55: {  	p0 =	sne.s32 s15, s4;
	[sflag:s14] =	ssyncset.done $0x0  }
.Ltmp1:
0x56: {  	[sflag:s14] =	ssyncadd.s32 $0xFFFF8300;
	(pc) =	sbr.rel @p0 .LBB2_1-.Ltmp1, $4  }
0x57: {  	[hbm4b:s16+s2] =	stream.linear.scatter [tilespmem:s12], [sflag:$0x3], $0x7D00, $0x38;
	[tilespmem:$0x109A0] =	vst v63  }
0x58: {  	_ =	swait.ge [sflag:s9], $0x7D00  }
0x59: {  	[sflag:s9] =	ssyncset.done $0x0  }
0x5a: {  	[sflag:s9] =	ssyncadd.s32 $0xFFFF8300  }
0x5b: {  	_ =	sfence.sel $0x180000  }
0x5c: {  	[bflag:$0x0] =	sbarrier.arrive $0xFFFF  }
0x5d: {  	p0 =	sne.s32 s0, $0x0;
	_ =	strace $0x90000047  }
0x5e: {  	s0 =	sadd.s32 @!p0 $0x100000, s1;
	[bflag:$0x2] =	sbarrier.arrive $0xFFFF  }
0x5f: {  	[sflag:s0] =	ssyncadd.tile.s32 @!p0 $0x1;
	_ =	shalt  }
.Lfunc_end2:
_tile_overlayer_lowered:
.L_overlay_start_2:
0x60: {  	(tag) =	ssettag $0x2  }
0x61: {  	s0 =	rddreg [dreg:$0x0];
	s2 =	stileid.u32  }
0x62: {  	s1 =	rddreg [dreg:$0x1];
	p0 =	sne.s32 s2, $0x0  }
0x63: {  	s3 =	rddreg [dreg:$0x2];
	[bflag:$0x3] =	sbarrier.arrive $0xFFFF;
	s2 =	simm.s32 @!p0 $0x1C03  }
0x64: {  	[timem:s3], [sflag:s2] =	dma.local @!p0 [hbm:s0], s1  }
0x65: {  	s0 =	simm.s32 @!p0 $0x3  }
0x66: {  	_ =	swait.ge @!p0 [sflag:s0], s1  }
0x67: {  	s1 =	ssub.s32 @!p0 $0x0, s1;
	[sflag:s0] =	ssyncset.done @!p0 $0x0  }
0x68: {  	[sflag:s0] =	ssyncadd.s32 @!p0 s1  }
0x69: {  	[bflag:$0x3] =	sbarrier.arrive $0xFFFF  }
0x6a: {  	_ =	shalt  }

// kernel: scatter_offload_async_start
scs
__scs_entry_jumppad:
0x0: {  	(pc) =	sbr.rel $0x88, $3  }
0x1: {  	(tag) =	ssettag $0x0;
	lr =	simm.s32 $0x1  }
0x2: {  	[smem:$0x3F87] =	sst lr;
	_ =	strace $0xD0000000  }
0x3: {  	_ = 	snop  }
0x4: {  	_ = 	snop  }
0x5: {  	_ = 	snop  }
0x6: {  	_ = 	snop  }
0x7: {  	_ = 	snop  }
__scs_overlays_trampoline_lowered:
0x8: {  	[smem:$0x3F96] =	sst s0  }
0x9: {  	[smem:$0x3F97] =	sst s1  }
0xa: {  	[smem:$0x3F98] =	sst s2  }
0xb: {  	[smem:$0x3F99] =	sst s3  }
0xc: {  	[smem:$0x3F9A] =	sst s4  }
0xd: {  	[smem:$0x3F9B] =	sst s5  }
0xe: {  	[smem:$0x3F9C] =	sst s6  }
0xf: {  	[smem:$0x3F9D] =	sst s7  }
0x10: {  	[smem:$0x3F9E] =	sst s8  }
0x11: {  	[smem:$0x3F9F] =	sst s9;
	s0 =	simm.s32 @!p0 $0x0  }
0x12: {  	s1 =	sld [smem:$0x3F85];
	s0 =	simm.s32 @p0 $0x1  }
0x13: {  	[smem:$0x3FA0] =	sst s0;
	s0 =	simm.s32 @!p1 $0x0  }
0x14: {  	s2 =	sld [smem:$0x3F84];
	s0 =	simm.s32 @p1 $0x1  }
0x15: {  	[smem:$0x3FA1] =	sst s0;
	s0 =	simm.s32 @!p2 $0x0  }
0x16: {  	s3 =	sld [smem:$0x3FDB];
	s0 =	simm.s32 @p2 $0x1  }
0x17: {  	s4 =	simm.s32 $0x1BF5;
	[smem:$0x3FA3] =	sst s0  }
0x18: {  	s0 =	sld [smem:$0x3F86];
	_ =	swait.ge [sflag:s4], $0x0  }
0x19: {  	s7 =	sld [smem:$0x3F87]  }
0x1a: {  	s8 =	sadd.s32 $0xFFFFE003, lr  }
0x1b: {  	s9 =	sadd.s32 $0xFFFFFEF7, lr;
	s5 =	simm.s32 $0xFFFFFFFF;
	p2 =	slt.u32 s8, $0xFFFFF086  }
0x1c: {  	p1 =	slt.u32 s9, $0xF7A;
	s5 =	simm.s32 @!p2 $0x0  }
0x1d: {  	s5 =	simm.s32 @p1 $0x1;
	p0 =	seq.s32 s7, s2  }
0x1e: {  	s7 =	smul.u32 @!p0 $0xF7A, s2;
	p2 =	seq.s32 @!p0 s5, $0x0  }
0x1f: {  	s9 =	smul.u32 $0xF7A, s1;
	s8 =	simm.s32 @!p0 $0x1BF5;
	p2 =	por !p2, p0  }
0x20: {  	[sflag:s8] =	ssyncset.s32 @!p0 $0xFFFFF086;
	s6 =	sadd.s32 @!p0 s3, s7;
	s7 =	simm.s32 @!p0 $0x108  }
0x21: {  	s3 =	sadd.s32 s3, s9;
	s6 =	sadd.s32 @!p0 $0x88, s6;
	s7 =	simm.s32 @p2 $0x1082  }
0x22: {  	[simem:s7], [sflag:s8] =	dma.local @!p0 [hbm:s6], $0xF7A  }
0x23: {  	s9 =	sor.u32 $0xD0000000, s2;
	s6 =	simm.s32 $0x108;
	_ =	swait.ge @!p0 [sflag:s8], $0x0  }
0x24: {  	s3 =	sadd.s32 $0x88, s3;
	s6 =	simm.s32 @!p1 $0x1082;
	[sflag:s4] =	ssyncset.s32 $0xFFFFF086  }
0x25: {  	[simem:s6], [sflag:s4] =	dma.local [hbm:s3], $0xF7A  }
0x26: {  	[smem:$0x3F87] =	sst s1;
	(tag) =	ssettag s2;
	_ =	strace s9  }
0x27: {  	s1 =	sld [smem:$0x3F97]  }
0x28: {  	s2 =	sld [smem:$0x3F98]  }
0x29: {  	s4 =	sld [smem:$0x3F9A]  }
0x2a: {  	p0 =	seq.s32 s5, $0x0;
	s5 =	sld [smem:$0x3F9B]  }
0x2b: {  	s6 =	sld [smem:$0x3F9C]  }
0x2c: {  	s7 =	sld [smem:$0x3F9D]  }
0x2d: {  	s3 =	simm.s32 $0x108;
	s8 =	sld [smem:$0x3F9E]  }
0x2e: {  	s3 =	simm.s32 @!p0 $0x1082;
	s9 =	sld [smem:$0x3F9F]  }
0x2f: {  	lr =	sadd.s32 s0, s3;
	s0 =	sld [smem:$0x3F96]  }
0x30: {  	s3 =	sld [smem:$0x3F99]  }
0x31: {  	[smem:$0x3FA2] =	sst s10  }
0x32: {  	s10 =	sld [smem:$0x3FA0];
	_ =	sdelay $0x3  }
0x33: {  	p0 =	seq.s32 s10, $0x1;
	s10 =	sld [smem:$0x3FA2];
	_ =	sdelay $0x3  }
0x34: {  	[smem:$0x3FA2] =	sst s10  }
0x35: {  	s10 =	sld [smem:$0x3FA1];
	_ =	sdelay $0x3  }
0x36: {  	p1 =	seq.s32 s10, $0x1;
	s10 =	sld [smem:$0x3FA2];
	_ =	sdelay $0x3  }
0x37: {  	[smem:$0x3FA2] =	sst s10  }
0x38: {  	s10 =	sld [smem:$0x3FA3]  }
0x39: {  	_ = 	snop;
	(pc) =	sbr.ind lr, $3  }
0x3a: {  	_ = 	snop  }
0x3b: {  	_ = 	snop  }
0x3c: {  	p2 =	seq.s32 s10, $0x1;
	s10 =	sld [smem:$0x3FA2]  }
0x3d: {  	_ =	shalt  }
0x3e: {  	_ =	shalt  }
0x3f: {  	_ =	shalt  }
0x40: {  	_ =	shalt  }
0x41: {  	_ =	shalt  }
0x42: {  	_ =	shalt  }
0x43: {  	_ =	shalt  }
0x44: {  	_ =	shalt  }
0x45: {  	_ =	shalt  }
0x46: {  	_ =	shalt  }
0x47: {  	_ =	shalt  }
0x48: {  	_ =	shalt  }
0x49: {  	_ =	shalt  }
0x4a: {  	_ =	shalt  }
0x4b: {  	_ =	shalt  }
0x4c: {  	_ =	shalt  }
0x4d: {  	_ =	shalt  }
0x4e: {  	_ =	shalt  }
0x4f: {  	_ =	shalt  }
0x50: {  	_ =	shalt  }
0x51: {  	_ =	shalt  }
0x52: {  	_ =	shalt  }
0x53: {  	_ =	shalt  }
0x54: {  	_ =	shalt  }
0x55: {  	_ =	shalt  }
0x56: {  	_ =	shalt  }
0x57: {  	_ =	shalt  }
0x58: {  	_ =	shalt  }
0x59: {  	_ =	shalt  }
0x5a: {  	_ =	shalt  }
0x5b: {  	_ =	shalt  }
0x5c: {  	_ =	shalt  }
0x5d: {  	_ =	shalt  }
0x5e: {  	_ =	shalt  }
0x5f: {  	_ =	shalt  }
0x60: {  	_ =	shalt  }
0x61: {  	_ =	shalt  }
0x62: {  	_ =	shalt  }
0x63: {  	_ =	shalt  }
0x64: {  	_ =	shalt  }
0x65: {  	_ =	shalt  }
0x66: {  	_ =	shalt  }
0x67: {  	_ =	shalt  }
0x68: {  	_ =	shalt  }
0x69: {  	_ =	shalt  }
0x6a: {  	_ =	shalt  }
0x6b: {  	_ =	shalt  }
0x6c: {  	_ =	shalt  }
0x6d: {  	_ =	shalt  }
0x6e: {  	_ =	shalt  }
0x6f: {  	_ =	shalt  }
0x70: {  	_ =	shalt  }
0x71: {  	_ =	shalt  }
0x72: {  	_ =	shalt  }
0x73: {  	_ =	shalt  }
0x74: {  	_ =	shalt  }
0x75: {  	_ =	shalt  }
0x76: {  	_ =	shalt  }
0x77: {  	_ =	shalt  }
0x78: {  	_ =	shalt  }
0x79: {  	_ =	shalt  }
0x7a: {  	_ =	shalt  }
0x7b: {  	_ =	shalt  }
0x7c: {  	_ =	shalt  }
0x7d: {  	_ =	shalt  }
0x7e: {  	_ =	shalt  }
0x7f: {  	_ =	shalt  }
0x80: {  	_ =	shalt  }
0x81: {  	_ =	shalt  }
0x82: {  	_ =	shalt  }
0x83: {  	_ =	shalt  }
0x84: {  	_ =	shalt  }
0x85: {  	_ =	shalt  }
0x86: {  	_ =	shalt  }
0x87: {  	_ =	shalt  }
.Lfunc_end0:
.L_simem_size_0:
called_computation_lowered:
.L_overlay_start_0:
0x88: {  	s2 =	sld [smem:$0x3FD9]  }
0x89: {  	s3 =	sld [smem:$0x3FFE];
	_ =	sdelay $0x1  }
0x8a: {  	s1 =	srdreg.scid  }
0x8b: {  	s0 =	sand.u32 $0x1, s1  }
0x8c: {  	s15 =	sshll.u32 s0, $0xA;
	s2 =	sadd.s32 s3, s2  }
0x8d: {  	s2 =	sadd.s32 s2, s15  }
0x8e: {  	[smem:$0x3FAE] =	sst s2  }
0x8f: {  	_ = 	snop  }
0x90: {  	s2 =	sld [smem:$0x3FD0];
	_ =	sdelay $0x2  }
0x91: {  	s4 =	simm.s32 $0xB;
	s16 =	simm.s32 $0x10  }
0x92: {  	[smem:s16], [sflag:s4] =	dma.local [hbm:s2], $0x1  }
0x93: {  	_ =	swait.eq [sflag:s4], $0x1  }
0x94: {  	[sflag:s4] =	ssyncset.done $0x0  }
0x95: {  	s17 =	sld [smem:$0x10];
	[sflag:s4] =	ssyncadd.s32 $0xFFFFFFFF  }
0x96: {  	s18 =	sld [smem:$0x11];
	(tm) =	ssettm $0x1  }
0x97: {  	s19 =	sld [smem:$0x3FFB];
	_ =	sdelay $0x3  }
0x98: {  	_ =	strace s19  }
0x99: {  	s2 =	sld [smem:$0x3FFC];
	_ =	sdelay $0x3  }
0x9a: {  	_ =	strace s2  }
0x9b: {  	s2 =	sld [smem:$0x3FFD];
	_ =	sdelay $0x3  }
0x9c: {  	_ =	strace s2  }
0x9d: {  	_ =	strace $0x8FFFFFFF  }
0x9e: {  	s20 =	sld [smem:$0x3FDB];
	_ =	sdelay $0x1  }
0x9f: {  	s5 =	simm.s32 $_scs_section_size  }
0xa0: {  	s6 =	simm.s32 $_size__tile_overlayer_lowered;
	s7 =	simm.s32 $_tile_overlayer_lowered  }
0xa1: {  	s8 =	simm.s32 $0x1BFF;
	s21 =	sshll.u32 s7, $0x1;
	s5 =	sadd.s32 s5, s20  }
0xa2: {  	s22 =	simm.s32 $0x0;
	s6 =	sshll.u32 s6, $0x1;
	s7 =	sadd.s32 s21, s5  }
0xa3: {  	[timem:s22], [sflag:s8] =	dma.local [hbm:s7], s6  }
0xa4: {  	_ =	swait.ge [sflag:s8], s6  }
0xa5: {  	s6 =	ssub.s32 $0x0, s6;
	[sflag:s8] =	ssyncset.done $0x0  }
0xa6: {  	[sflag:s8] =	ssyncadd.s32 s6;
	_ =	sdelay $0x1  }
0xa7: {  	s23 =	simm.s32 $0x1B8B  }
0xa8: {  	_ =	swait.ge [sflag:s23], $0x1  }
0xa9: {  	[sflag:s23] =	ssyncset.done $0x0  }
0xaa: {  	[sflag:s23] =	ssyncadd.s32 $0xFFFFFFFF  }
0xab: {  	s6 =	sld [smem:$0x0]  }
0xac: {  	s7 =	sand.u32 $0xFFFFFFFE, s1  }
0xad: {  	p0 =	sne.s32 s1, s7  }
0xae: {  	s7 =	sshll.u32 @p0 s7, $0xE  }
0xaf: {  	s7 =	sadd.s32 @p0 $0x11B8D, s7;
	s8 =	sshll.u32 @p0 s6, $0x11  }
0xb0: {  	s7 =	sor.u32 @p0 s8, s7  }
0xb1: {  	[sflag:s7] =	ssyncadd.remote.s32 @p0 $0x1;
	_ =	sdelay $0x1  }
0xb2: {  	s7 =	simm.s32 @p0 $0x1B8D  }
0xb3: {  	_ =	swait.eq @p0 [sflag:s7], $0x1  }
0xb4: {  	[sflag:s7] =	ssyncadd.s32 @p0 $0xFFFFFFFF  }
0xb5: {  	s8 =	sshll.u32 @!p0 s1, $0xE  }
0xb6: {  	s8 =	sor.u32 @!p0 $0x4000, s8;
	s7 =	simm.s32 @!p0 $0x1B8D  }
0xb7: {  	s9 =	sshll.u32 @!p0 s6, $0x11;
	s8 =	sadd.s32 @!p0 $0x11B8D, s8;
	_ =	swait.eq @!p0 [sflag:s7], $0x1  }
0xb8: {  	[sflag:s7] =	ssyncadd.s32 @!p0 $0xFFFFFFFF;
	s7 =	sor.u32 @!p0 s9, s8  }
0xb9: {  	s25 =	simm.s32 $0x1B8E;
	s24 =	sld [smem:$0x3FFE];
	[sflag:s7] =	ssyncadd.remote.s32 @!p0 $0x1  }
0xba: {  	s26 =	simm.s32 $execute0_lowered;
	[smem:$0x3FD2] =	sst s25  }
0xbb: {  	s8 =	sshll.u32 s26, $0x1;
	_ =	strace $0x8000004C;
	[dreg:$0x1] =	wrdreg $0xFFFFFFFF  }
0xbc: {  	s28 =	simm.s32 $_size_execute0_lowered;
	s5 =	sadd.s32 s5, s8;
	[dreg:$0x0] =	wrdreg $0x0  }
0xbd: {  	s8 =	sshll.u32 s28, $0x1;
	[dreg:$0x2] =	wrdreg s5  }
0xbe: {  	[dreg:$0x3] =	wrdreg s8  }
0xbf: {  	[dreg:$0x4] =	wrdreg $0xC0  }
0xc0: {  	_ =	task [dreg:s22], $0x5FFFF  }
0xc1: {  	[dreg:$0x1] =	wrdreg $0xFFFFFFFF  }
0xc2: {  	[dreg:$0x0] =	wrdreg $0x60  }
0xc3: {  	[dreg:$0x2] =	wrdreg s24  }
0xc4: {  	[dreg:$0x3] =	wrdreg s17  }
0xc5: {  	[dreg:$0x4] =	wrdreg s18  }
0xc6: {  	[dreg:$0x5] =	wrdreg s1  }
0xc7: {  	[dreg:$0x6] =	wrdreg s6  }
0xc8: {  	[dreg:$0x7] =	wrdreg $0xA  }
0xc9: {  	_ =	task.clear_ibuf [dreg:s22], $0x8FFFF;
	_ =	strace $0x9000004C  }
0xca: {  	s29 =	simm.s32 $0xA;
	_ =	strace $0x8000004E  }
0xcb: {  	_ =	swait.ge [sflag:s29], $0x1  }
0xcc: {  	[sflag:s29] =	ssyncadd.s32 $0xFFFFFFFF  }
0xcd: {  	_ =	strace $0x9000004E  }
0xce: {  	_ =	sfence  }
0xcf: {  	s30 =	sld [smem:$0x0];
	_ =	sdelay $0x2  }
0xd0: {  	s31 =	sshll.u32 s1, $0xD;
	s1 =	sshrl.u32 s1, $0x2  }
0xd1: {  	s4 =	sand.u32 $0x4000, s31;
	s1 =	sadd.s32 s1, s30  }
0xd2: {  	s0 =	sor.u32 s4, s0;
	s1 =	sshll.u32 s1, $0x11  }
0xd3: {  	s0 =	sor.u32 s1, s0  }
0xd4: {  	s0 =	sadd.s32 $0x8F2B, s0  }
0xd5: {  	[sflag:s0] =	ssyncadd.remote.s32 $0x1  }
0xd6: {  	_ =	sfence.sel $0xFFFF  }
0xd7: {  	[dreg:$0x0] =	wrdreg $0xFFFFFFFF;
	(pc) =	sbr.abs _section_cstart, $3  }
0xd8: {  	[dreg:$0x1] =	wrdreg $0xFFFFFFFF  }
0xd9: {  	_ =	task.clear_ibuf [dreg:s22], $0x2FFFF;
	_ =	strace $0x9FFFFFFF  }
0xda: {  	(tm) =	ssettm $0x7FFFFFFF  }
0xdb: {  	_ =	shalt  }
tec
execute0_lowered:
.L_overlay_start_1:
0x0: {  	(tag) =	ssettag $0x1  }
0x1: {  	s2 =	rddreg [dreg:$0x0]  }
0x2: {  	s15 =	rddreg [dreg:$0x1]  }
0x3: {  	s14 =	rddreg [dreg:$0x2]  }
0x4: {  	s3 =	rddreg [dreg:$0x3];
	_ =	strace $0x8000004D;
	s0 =	simm.s32 $0x1  }
0x5: {  	v0 =	vimm.s32 $0x0;
	[sflag:s0] =	ssyncpa.u1 $0x0;
	s0 =	simm.s32 $0x108  }
0x6: {  	[tilespmem:s0+$0x70] =	vst v0  }
0x7: {  	[tilespmem:s0+$0x60] =	vst v0  }
0x8: {  	[tilespmem:s0+$0x50] =	vst v0  }
0x9: {  	[tilespmem:s0+$0x40] =	vst v0  }
0xa: {  	[tilespmem:s0+$0x30] =	vst v0  }
0xb: {  	s1 =	sadd.s32 $0x11CC000, s2;
	[tilespmem:s0+$0x20] =	vst v0  }
0xc: {  	s6 =	sadd.s32 $0x2F18600, s2;
	s5 =	sand.u32 $0x1, s3;
	s3 =	simm.s32 $0x40;
	[tilespmem:s0+$0x10] =	vst v0  }
.LBB2_1:
0xd: {  	s3 =	sadd.s32 $0x40, s3;
	[tilespmem:s0+$0x0] =	vst v0;
	s0 =	sadd.s32 $0x80, s0  }
0xe: {  	p0 =	slt.u32 s3, $0x3C40;
	[tilespmem:s0+$0x70] =	vst v0  }
0xf: {  	[tilespmem:s0+$0x60] =	vst v0  }
.Ltmp0:
0x10: {  	[tilespmem:s0+$0x50] =	vst v0;
	(pc) =	sbr.rel @p0 .LBB2_1-.Ltmp0, $4  }
0x11: {  	[tilespmem:s0+$0x40] =	vst v0  }
0x12: {  	[tilespmem:s0+$0x30] =	vst v0  }
0x13: {  	[tilespmem:s0+$0x20] =	vst v0  }
0x14: {  	[tilespmem:s0+$0x10] =	vst v0  }
0x15: {  	s9 =	stileid.u32  }
0x16: {  	s2 =	smul.u32 $0x53, s9  }
0x17: {  	s3 =	smin.u32 s9, $0x6  }
0x18: {  	s2 =	sadd.s32 s3, s2  }
0x19: {  	p0 =	slt.u32 s9, $0x6;
	s7 =	smul.u32 $0xF0, s2;
	s2 =	simm.s32 $0x4EC0  }
0x1a: {  	s2 =	simm.s32 @!p0 $0x4DD0  }
0x1b: {  	s2 =	sadd.s32 s2, s7  }
0x1c: {  	s8 =	smin.u32 s2, $0x4E200  }
0x1d: {  	s2 =	ssub.s32 s8, s7  }
0x1e: {  	p0 =	sgt.s32 s2, $0x0  }
0x1f: {  	s29 =	simm.s32 $0x2;
	s10 =	simm.s32 $0x9;
	s2 =	simm.s32 @!p0 $0x0  }
0x20: {  	s4 =	simm.s32 $0xA;
	s11 =	simm.s32 $0xB;
	s28 =	smulhi.u32 $0x88888889, s2  }
0x21: {  	[dreg:$0x6] =	wrdreg s5;
	s31 =	smul.u32 $0x9C40, s5;
	s12 =	simm.s32 $0x1  }
0x22: {  	s22 =	simm.s32 $0x0;
	s18 =	simm.s32 $0xC;
	s30 =	sshrl.u32 s28, $0x7  }
0x23: {  	s20 =	simm.s32 $0x0;
	s21 =	simm.s32 $0x0;
	s3 =	smul.u32 $0xF0, s30  }
.Ltmp1:
0x24: {  	[tilespmem:s0+$0x0] =	vst v0;
	v0 =	vimm.s32 $0xFFFFFFFF;
	[sflag:s29] =	ssyncpa.u1 $0x0;
	s16 =	sshll.u32 s9, $0x8;
	(pc) =	sbr.rel .LBB2_3-.Ltmp1, $4  }
0x25: {  	[tilespmem:$0xF208] =	vst v0;
	[sflag:s10] =	ssyncpa.u1 $0x0;
	p0 =	sne.s32 s2, s3;
	s2 =	simm.s32 $0x1  }
0x26: {  	s14 =	sadd.s32 s31, s14;
	[sflag:s4] =	ssyncpa.u1 $0x0;
	s2 =	simm.s32 @!p0 $0x0  }
0x27: {  	s15 =	sadd.s32 s31, s15;
	[sflag:s11] =	ssyncpa.u1 $0x0;
	s13 =	sadd.s32 s2, s30  }
0x28: {  	v0 =	vlaneseq.u32;
	s19 =	smov.u32 s7;
	p0 =	por $0x0, $0x0;
	s17 =	sadd.s32 $0x1, s13  }
.LBB2_18:
0x29: {  	s0 =	sshrl.u32 s31, $0x2  }
.LBB2_20:
0x2a: {  	_ =	swait.ge [sflag:s18], s0  }
0x2b: {  	s31 =	ssub.s32 $0x0, s0;
	v1 =	vmov s24;
	vm0 =	veq.s32 v0, $0x0;
	[sflag:s18] =	ssyncset.done $0x0  }
0x2c: {  	vm15 =	veq.s32 v0, $0x2;
	v1 =	vsel vm0, s30, v1;
	[sflag:s18] =	ssyncadd.s32 s31  }
0x2d: {  	v1 =	vsel vm15, s22, v1;
	[sflag:s18] =	ssyncpa.u1 $0x1  }
0x2e: {  	[tilespmem:$0xF208] =	vst v1  }
.LBB2_21:
0x2f: {  	s0 =	sadd.s32 $0xF0, s19  }
0x30: {  	s2 =	smov.u32 s7;
	p1 =	slt.s32 s0, s8  }
0x31: {  	s2 =	smov.u32 @p1 s0;
	p1 =	sne.s32 s21, s17  }
.Ltmp2:
0x32: {  	_ = 	snop;
	(pc) =	sbr.rel @!p1 .LBB2_22-.Ltmp2, $3  }
0x33: {  	_ =	sdelay $0x1  }
0x34: {  	s22 =	smov.u32 s20;
	s31 =	sadd.s32 $0x1, s21;
	s20 =	smov.u32 s19  }
0x35: {  	p0 =	por !p0, !p0;
	s21 =	smov.u32 s31;
	s19 =	smov.u32 s2  }
.LBB2_3:
0x36: {  	p1 =	sge.u32 s21, s13  }
0x37: {  	s0 =	smulhi.u32 @!p1 $0xAAAAAAAB, s21  }
0x38: {  	s2 =	smov.u32 s19;
	p2 =	sgt.s32 @!p1 s19, $0x4E110  }
0x39: {  	s3 =	sshra.s32 @!p1 s19, $0x1F;
	p2 =	por !p2, p1;
	s0 =	sshrl.u32 @!p1 s0, $0x1  }
0x3a: {  	s3 =	sand.u32 @!p1 s3, s19;
	s2 =	simm.s32 @p2 $0x4E110;
	s0 =	smul.u32 @!p1 $0x3, s0  }
0x3b: {  	s2 =	ssub.s32 @!p1 s2, s3  }
0x3c: {  	s2 =	sadd.s32 @!p1 $0xFFFB1EF0, s2;
	s0 =	ssub.s32 @!p1 s21, s0  }
0x3d: {  	s3 =	sshll.u32 @!p1 s2, $0x2;
	p2 =	sgt.s32 @!p1 s2, $0xEF;
	s0 =	smul.u32 @!p1 $0x3C0, s0  }
0x3e: {  	s4 =	sand.u32 @!p1 $0x7, s19;
	s2 =	ssub.s32 @!p1 $0x3C0, s3;
	p2 =	por !p2, p1  }
0x3f: {  	s3 =	sshrl.u32 @!p1 s19, $0x3;
	s2 =	sshrl.u32 @!p1 s2, $0x2;
	s0 =	sshrl.u32 @!p1 s0, $0x2  }
0x40: {  	s3 =	sadd.s32 @!p1 s3, s14;
	s2 =	simm.s32 @!p2 $0x0;
	s0 =	sadd.s32 @!p1 $0x10248, s0  }
0x41: {  	[tilespmem:s0], [sflag:$0xA] =	stream.linear.gather @!p1 [hbm4b:s3+s4], s2, $0x38;
	[tilespmem:$0x1F6F8] =	vst v63  }
0x42: {  	s0 =	sadd.s32 $0xFFFFFFFF, s21  }
0x43: {  	p1 =	sge.u32 s0, s13  }
0x44: {  	p2 =	sgt.s32 @!p1 s20, $0x4E110  }
0x45: {  	s2 =	smov.u32 s20;
	s3 =	sshra.s32 @!p1 s20, $0x1F;
	p2 =	por !p2, p1  }
0x46: {  	s3 =	sand.u32 @!p1 s3, s20;
	s2 =	simm.s32 @p2 $0x4E110  }
0x47: {  	s2 =	ssub.s32 @!p1 s2, s3  }
0x48: {  	s2 =	sadd.s32 @!p1 $0xFFFB1EF0, s2  }
0x49: {  	s4 =	sand.u32 @!p1 $0x1, s0;
	s3 =	sshll.u32 @!p1 s2, $0x2  }
0x4a: {  	p2 =	sgt.s32 @!p1 s2, $0xEF;
	s2 =	ssub.s32 @!p1 $0x3C0, s3;
	s3 =	smulhi.u32 @!p1 $0xAAAAAAAB, s0  }
0x4b: {  	s23 =	smul.u32 @!p1 $0x3C0, s4;
	p2 =	por !p2, p1;
	s2 =	sshrl.u32 @!p1 s2, $0x2  }
0x4c: {  	s5 =	simm.s32 @!p1 $0xA;
	s2 =	simm.s32 @!p2 $0x0;
	s3 =	sshrl.u32 @!p1 s3, $0x1  }
0x4d: {  	s23 =	sshrl.u32 @!p1 s23, $0x2;
	_ =	swait.ge @!p1 [sflag:s5], s2;
	s3 =	smul.u32 @!p1 $0x3, s3  }
0x4e: {  	s23 =	sadd.s32 @!p1 $0x10518, s23;
	s24 =	ssub.s32 @!p1 $0x0, s2;
	[sflag:s5] =	ssyncset.done @!p1 $0x0  }
0x4f: {  	[sflag:s5] =	ssyncadd.s32 @!p1 s24;
	s5 =	sshrl.u32 @!p1 s20, $0x3;
	s0 =	ssub.s32 @!p1 s0, s3  }
0x50: {  	s24 =	sand.u32 @!p1 $0x7, s20;
	s5 =	sadd.s32 @!p1 s5, s15;
	s0 =	smul.u32 @!p1 $0x3C0, s0  }
0x51: {  	[tilespmem:s23], [sflag:$0xB] =	stream.linear.gather @!p1 [hbm4b:s5+s24], s2, $0x38;
	[tilespmem:$0x1F6F8] =	vst v63  }
0x52: {  	s3 =	ssub.s32 @!p1 $0x4E200, s20;
	s2 =	smul.u32 @!p1 $0x1E000, s4  }
0x53: {  	p2 =	slt.s32 @!p1 s3, $0xF0  }
0x54: {  	p2 =	por !p2, p1;
	s0 =	sshrl.u32 @!p1 s0, $0x2;
	s2 =	sshrl.u32 @!p1 s2, $0x2  }
0x55: {  	s3 =	simm.s32 @p2 $0xF0;
	s0 =	sadd.s32 @!p1 $0x10248, s0;
	s2 =	sor.u32 @!p1 $0x106F8, s2  }
0x56: {  	[tilespmem:s2], [sflag:$0x9] =	stream.indirect.gather @!p1 [hbm4b:s6+s3], $0x80, s0, s3, $0xb8;
	[tilespmem:$0x1F6F8] =	vst v63  }
0x57: {  	p1 =	slt.u32 s21, $0x2  }
.Ltmp3:
0x58: {  	_ = 	snop;
	(pc) =	sbr.rel @p1 .LBB2_21-.Ltmp3, $1  }
0x59: {  	_ =	sdelay $0x3  }
0x5a: {  	p1 =	sgt.s32 s22, $0x4E110  }
0x5b: {  	s0 =	smov.u32 s22;
	s2 =	sshra.s32 s22, $0x1F;
	s3 =	ssub.s32 $0x4E200, s22  }
0x5c: {  	s0 =	simm.s32 @!p1 $0x4E110;
	s2 =	sand.u32 s2, s22;
	p1 =	slt.s32 s3, $0xF0  }
0x5d: {  	s0 =	ssub.s32 s0, s2;
	s3 =	simm.s32 @!p1 $0xF0  }
0x5e: {  	s0 =	sadd.s32 $0xFFFB1EF0, s0;
	s25 =	sshll.u32 s3, $0x7  }
0x5f: {  	s26 =	sshll.u32 s0, $0x2;
	s2 =	sand.u32 $0x3FFFFF80, s25  }
0x60: {  	p1 =	sgt.s32 s0, $0xEF;
	s29 =	ssub.s32 $0x3C0, s26;
	_ =	swait.ge [sflag:s10], s2  }
0x61: {  	s2 =	ssub.s32 $0x0, s2;
	[sflag:s10] =	ssyncset.done $0x0;
	s0 =	sshrl.u32 s29, $0x2  }
0x62: {  	[sflag:s10] =	ssyncadd.s32 s2;
	s0 =	simm.s32 @p1 $0x0  }
0x63: {  	_ =	swait.ge [sflag:s11], s0  }
0x64: {  	s0 =	ssub.s32 $0x0, s0;
	[sflag:s11] =	ssyncset.done $0x0  }
0x65: {  	[sflag:s11] =	ssyncadd.s32 s0  }
0x66: {  	v1 =	vld [tilespmem:$0xF208];
	_ =	sdelay $0x4  }
0x67: {  	(v2sf) =	vpush v1, $0x0  }
0x68: {  	(v2sf) =	vpush v1, $0x1  }
0x69: {  	(v2sf) =	vpush v1, $0x2;
	_ =	sdelay $0x3  }
0x6a: {  	s0 =	sadd.s32 $0xF0, s22  }
0x6b: {  	s2 =	ssub.s32 $0x9C400, s22;
	p1 =	slt.s32 s8, s0  }
0x6c: {  	s0 =	smov.u32 @p1 s8;
	p1 =	sgt.s32 s2, $0x0  }
0x6d: {  	s26 =	ssub.s32 s0, s22;
	s2 =	simm.s32 @!p1 $0x0  }
0x6e: {  	p1 =	slt.s32 s2, s26  }
0x6f: {  	s26 =	smov.u32 @p1 s2  }
0x70: {  	s25 =	simm.s32 $0x1;
	p1 =	slt.s32 s26, $0x1  }
.Ltmp4:
0x71: {  	s25 =	simm.s32 @!p0 $0x0;
	(pc) =	sbr.rel @p1 .LBB2_8-.Ltmp4, $4  }
0x72: {  	s31 =	smul.u32 $0x3C0, s25  }
0x73: {  	s28 =	spop (v2sf)  }
0x74: {  	s0 =	sshrl.u32 s31, $0x2;
	s30 =	spop (v2sf)  }
0x75: {  	s23 =	sadd.s32 $0x10518, s0;
	s22 =	spop (v2sf)  }
0x76: {  	s0 =	smin.u32 s26, $0x10  }
0x77: {  	v1 =	vmov s0  }
0x78: {  	p2 =	sgt.s32 s26, $0x10;
	vm1 =	vgt.u32 v1, v0  }
.Ltmp5:
0x79: {  	_ = 	snop;
	(pc) =	sbr.rel @!p2 .LBB2_7-.Ltmp5, $2  }
0x7a: {  	_ =	sdelay $0x2  }
0x7b: {  	s4 =	simm.s32 $0x10;
	s24 =	sadd.s32 $0xFFFFFFF0, s26;
	s0 =	smov.u32 s23;
	vm0 =	vmmov vm1  }
.LBB2_6:
0x7c: {  	s2 =	smin.u32 s24, $0x10;
	s4 =	sadd.s32 $0x10, s4;
	v1 =	vld.msk [tilespmem:s0+$0x0 ss:$0x1], vm1  }
0x7d: {  	v2 =	vmov s2;
	p2 =	slt.s32 s4, s26  }
0x7e: {  	vm1 =	vgt.u32 v2, v0  }
.Ltmp6:
0x7f: {  	(pc) =	sbr.rel @p2 .LBB2_6-.Ltmp6, $3  }
0x80: {  	_ =	sdelay $0x1  }
0x81: {  	v1 =	vshll.u32 v1, $0x4  }
0x82: {  	s24 =	sadd.s32 $0xFFFFFFF0, s24;
	[tilespmem:s0+$0x0] =	vst.msk vm0, v1;
	s0 =	sadd.s32 $0x10, s0;
	vm0 =	vmmov vm1  }
.LBB2_7:
0x83: {  	_ =	sdelay $0x4  }
0x84: {  	v1 =	vld.msk [tilespmem:s0+$0x0 ss:$0x1], vm1;
	_ =	sdelay $0x4  }
0x85: {  	v1 =	vshll.u32 v1, $0x4  }
0x86: {  	[tilespmem:s0+$0x0] =	vst.msk vm0, v1  }
.LBB2_8:
0x87: {  	s0 =	sand.u32 $0x1, s21  }
0x88: {  	s0 =	smul.u32 $0xF0, s0  }
0x89: {  	p2 =	sne.s32 s30, $0xFFFFFFFF  }
0x8a: {  	v1 =	vld.msk @!p2 [tilespmem:s0+$0x10518], $0x1;
	_ =	sdelay $0x4  }
0x8b: {  	(v2sf) =	vpush @!p2 v1, $0x0;
	_ =	sdelay $0xc  }
.Ltmp7:
0x8c: {  	_ = 	snop;
	(pc) =	sbr.rel @p1 .LBB2_19-.Ltmp7, $4  }
0x8d: {  	_ = 	snop  }
0x8e: {  	s29 =	spop @!p2 (v2sf)  }
0x8f: {  	s22 =	simm.s32 @!p2 $0x0;
	s24 =	smov.u32 s29  }
0x90: {  	[sflag:s18] =	ssyncpa.u1 $0x0;
	s29 =	smov.u32 @p2 s28;
	s24 =	smov.u32 @p2 s30  }
0x91: {  	v1 =	vld.msk [tilespmem:s23+$0x0], $0x1;
	_ =	sdelay $0x4  }
0x92: {  	(v2sf) =	vpush v1, $0x0;
	_ =	sdelay $0xe  }
0x93: {  	s2 =	smul.u32 $0x1E000, s25;
	s0 =	spop (v2sf)  }
0x94: {  	s26 =	ssub.s32 $0x0, s26;
	p1 =	seq.s32 s29, s0  }
0x95: {  	s30 =	sadd.s32 $0x1, s26;
	s2 =	sshrl.u32 s2, $0x2;
	p2 =	sgt.s32 @!p1 s29, $0x0  }
0x96: {  	s25 =	sor.u32 $0x10738, s2;
	s2 =	smov.u32 s29;
	p2 =	por !p2, p1  }
0x97: {  	s2 =	simm.s32 @p2 $0x0;
	p2 =	seq.s32 s30, $0x0  }
.Ltmp8:
0x98: {  	_ = 	snop;
	(pc) =	sbr.rel @p2 .LBB2_11-.Ltmp8, $4  }
0x99: {  	_ = 	snop  }
0x9a: {  	s28 =	simm.s32 $0x0;
	s31 =	sadd.s32 $0x1, s23;
	s2 =	smin.u32 @!p1 s2, $0x4E1FF0  }
0x9b: {  	s4 =	simm.s32 @!p1 $0x1;
	s5 =	simm.s32 @!p1 $0x7988;
	s3 =	sand.u32 @!p1 $0x7FFFF8, s2  }
0x9c: {  	s4 =	smov.u32 @p1 s28;
	s2 =	sand.u32 @!p1 $0x7, s2;
	s3 =	sadd.s32 @!p1 s1, s3  }
.LBB2_10:
0x9d: {  	s9 =	smov.u32 s4  }
0x9e: {  	[tilespmem:s5], [sflag:$0x2] =	stream.linear.gather @!p1 [hbm4b:s3+s2], $0x80, $0x38;
	[tilespmem:$0x1F6F8] =	vst v63  }
0x9f: {  	s30 =	sadd.s32 $0x1, s30;
	s2 =	smov.u32 s0;
	v1 =	vld.msk [tilespmem:s31+$0x0], $0x1  }
0xa0: {  	p2 =	seq.s32 s30, $0x0;
	_ =	sdelay $0x3  }
0xa1: {  	(v2sf) =	vpush v1, $0x0;
	_ =	sdelay $0xe  }
0xa2: {  	s0 =	spop (v2sf)  }
0xa3: {  	p1 =	seq.s32 s2, s0  }
0xa4: {  	p3 =	sgt.s32 @!p1 s2, $0x0;
	s3 =	sshll.u32 @!p1 s4, $0x9;
	s4 =	sadd.s32 @!p1 $0x1, s4  }
.Ltmp9:
0xa5: {  	p3 =	por !p3, p1;
	s3 =	sshra.s32 @!p1 s3, $0x2;
	(pc) =	sbr.rel @!p2 .LBB2_10-.Ltmp9, $4  }
0xa6: {  	s4 =	smov.u32 @p1 s9;
	s2 =	simm.s32 @p3 $0x0;
	s5 =	sadd.s32 @!p1 $0x7988, s3  }
0xa7: {  	s2 =	smin.u32 @!p1 s2, $0x4E1FF0  }
0xa8: {  	s3 =	sand.u32 @!p1 $0x7FFFF8, s2;
	s2 =	sand.u32 @!p1 $0x7, s2  }
0xa9: {  	s31 =	sadd.s32 $0x1, s31;
	s3 =	sadd.s32 @!p1 s1, s3  }
.LBB2_11:
0xaa: {  	[tilespmem:s5], [sflag:$0x2] =	stream.linear.gather @!p1 [hbm4b:s3+s2], $0x80, $0x38;
	[tilespmem:$0x1F6F8] =	vst v63  }
.Ltmp10:
0xab: {  	s0 =	sshll.u32 s4, $0x7;
	(pc) =	sbr.rel .LBB2_12-.Ltmp10, $4  }
0xac: {  	s30 =	simm.s32 $0x2;
	s0 =	sand.u32 $0x3FFFFF80, s0  }
0xad: {  	_ =	swait.ge [sflag:s30], s0  }
0xae: {  	s0 =	ssub.s32 $0x0, s0;
	[sflag:s30] =	ssyncset.done $0x0  }
0xaf: {  	s31 =	simm.s32 $0x0;
	[sflag:s30] =	ssyncadd.s32 s0  }
.LBB2_13:
0xb0: {  	v1 =	vld [tilespmem:s25+$0xFFFFFFC0];
	_ =	sdelay $0x3  }
0xb1: {  	s0 =	sshra.s32 s0, $0x2  }
0xb2: {  	[tilespmem:s0+$0x108] =	vst.add.f32.msk $0xffff, v1  }
0xb3: {  	v1 =	vld [tilespmem:s25+$0xFFFFFFD0];
	_ =	sdelay $0x4  }
0xb4: {  	[tilespmem:s0+$0x118] =	vst.add.f32.msk $0xffff, v1  }
0xb5: {  	v1 =	vld [tilespmem:s25+$0xFFFFFFE0];
	_ =	sdelay $0x4  }
0xb6: {  	[tilespmem:s0+$0x128] =	vst.add.f32.msk $0xffff, v1  }
0xb7: {  	v1 =	vld [tilespmem:s25+$0xFFFFFFF0];
	_ =	sdelay $0x4  }
0xb8: {  	[tilespmem:s0+$0x138] =	vst.add.f32.msk $0xffff, v1  }
0xb9: {  	v1 =	vld [tilespmem:s25+$0x0];
	_ =	sdelay $0x4  }
0xba: {  	[tilespmem:s0+$0x148] =	vst.add.f32.msk $0xffff, v1  }
0xbb: {  	v1 =	vld [tilespmem:s25+$0x10];
	_ =	sdelay $0x4  }
0xbc: {  	[tilespmem:s0+$0x158] =	vst.add.f32.msk $0xffff, v1  }
0xbd: {  	v1 =	vld [tilespmem:s25+$0x20];
	_ =	sdelay $0x4  }
0xbe: {  	[tilespmem:s0+$0x168] =	vst.add.f32.msk $0xffff, v1  }
0xbf: {  	v1 =	vld [tilespmem:s25+$0x30];
	_ =	sdelay $0x4  }
0xc0: {  	[tilespmem:s0+$0x178] =	vst.add.f32.msk $0xffff, v1  }
.LBB2_17:
0xc1: {  	s26 =	sadd.s32 $0x1, s26  }
0xc2: {  	p1 =	seq.s32 s26, $0x0  }
.Ltmp11:
0xc3: {  	_ = 	snop;
	(pc) =	sbr.rel @p1 .LBB2_18-.Ltmp11, $2  }
0xc4: {  	_ =	sdelay $0x2  }
0xc5: {  	s23 =	sadd.s32 $0x1, s23;
	s25 =	sadd.s32 $0x80, s25;
	s29 =	smov.u32 s30  }
.LBB2_12:
0xc6: {  	v1 =	vld.msk [tilespmem:s23+$0x0], $0x1;
	_ =	sdelay $0x4  }
0xc7: {  	(v2sf) =	vpush v1, $0x0;
	_ =	sdelay $0xe  }
0xc8: {  	s30 =	spop (v2sf)  }
0xc9: {  	p1 =	sne.s32 s29, s30  }
.Ltmp12:
0xca: {  	_ = 	snop;
	(pc) =	sbr.rel @!p1 .LBB2_13-.Ltmp12, $2  }
0xcb: {  	_ =	sdelay $0x2  }
0xcc: {  	s0 =	sshll.u32 s22, $0x9  }
0xcd: {  	p1 =	seq.s32 s29, s24  }
.Ltmp13:
0xce: {  	_ = 	snop;
	(pc) =	sbr.rel @!p1 .LBB2_15-.Ltmp13, $1  }
0xcf: {  	_ =	sdelay $0x3  }
0xd0: {  	s0 =	sshra.s32 s0, $0x2  }
.Ltmp14:
0xd1: {  	s0 =	sadd.s32 $0x108, s0;
	(pc) =	sbr.rel .LBB2_16-.Ltmp14, $4  }
0xd2: {  	[spmem:s16] =	stream.linear.scatter [tilespmem:s0], [sflag:$0x1], $0x80, $0x38;
	[tilespmem:$0x1F6F8] =	vst v63  }
0xd3: {  	_ =	swait.ge [sflag:s12], $0x80  }
0xd4: {  	[sflag:s12] =	ssyncset.done $0x0  }
0xd5: {  	[sflag:s12] =	ssyncadd.s32 $0xFFFFFF80  }
.LBB2_15:
0xd6: {  	s2 =	sshll.u32 s28, $0x9  }
0xd7: {  	s2 =	sshra.s32 s2, $0x2  }
0xd8: {  	v1 =	vld [tilespmem:s2+$0x7988];
	_ =	sdelay $0x3  }
0xd9: {  	s0 =	sshra.s32 s0, $0x2  }
0xda: {  	[tilespmem:s0+$0x108] =	vst.add.f32.msk $0xffff, v1  }
0xdb: {  	v1 =	vld [tilespmem:s2+$0x7998];
	_ =	sdelay $0x4  }
0xdc: {  	[tilespmem:s0+$0x118] =	vst.add.f32.msk $0xffff, v1  }
0xdd: {  	v1 =	vld [tilespmem:s2+$0x79A8];
	_ =	sdelay $0x4  }
0xde: {  	[tilespmem:s0+$0x128] =	vst.add.f32.msk $0xffff, v1  }
0xdf: {  	v1 =	vld [tilespmem:s2+$0x79B8];
	_ =	sdelay $0x4  }
0xe0: {  	[tilespmem:s0+$0x138] =	vst.add.f32.msk $0xffff, v1  }
0xe1: {  	v1 =	vld [tilespmem:s2+$0x79C8];
	_ =	sdelay $0x4  }
0xe2: {  	[tilespmem:s0+$0x148] =	vst.add.f32.msk $0xffff, v1  }
0xe3: {  	v1 =	vld [tilespmem:s2+$0x79D8];
	_ =	sdelay $0x4  }
0xe4: {  	[tilespmem:s0+$0x158] =	vst.add.f32.msk $0xffff, v1  }
0xe5: {  	v1 =	vld [tilespmem:s2+$0x79E8];
	_ =	sdelay $0x4  }
0xe6: {  	[tilespmem:s0+$0x168] =	vst.add.f32.msk $0xffff, v1  }
0xe7: {  	v1 =	vld [tilespmem:s2+$0x79F8];
	_ =	sdelay $0x2  }
0xe8: {  	p1 =	sgt.u32 s29, $0x4E1FF0  }
0xe9: {  	s2 =	sand.u32 @!p1 $0x7FFFF8, s29  }
0xea: {  	s3 =	sadd.s32 $0x108, s0;
	[tilespmem:s0+$0x178] =	vst.add.f32.msk $0xffff, v1;
	s0 =	sadd.s32 @!p1 s1, s2;
	s2 =	sand.u32 @!p1 $0x7, s29  }
0xeb: {  	[hbm4b:s0+s2] =	stream.linear.scatter @!p1 [tilespmem:s3], [sflag:$0xC], $0x80, $0x38;
	[tilespmem:$0x1F6F8] =	vst v63  }
0xec: {  	s0 =	simm.s32 $0x0  }
0xed: {  	s0 =	simm.s32 @!p1 $0x200  }
0xee: {  	s31 =	sadd.s32 s0, s31  }
.LBB2_16:
0xef: {  	s0 =	sadd.s32 $0x1, s22  }
0xf0: {  	s2 =	smulhi.u32 $0x88888889, s0;
	_ =	sdelay $0x1  }
0xf1: {  	v1 =	vld [tilespmem:s25+$0xFFFFFFC0];
	s2 =	sshrl.u32 s2, $0x7  }
0xf2: {  	s2 =	smul.u32 $0xF0, s2;
	_ =	sdelay $0x1  }
0xf3: {  	s22 =	ssub.s32 s0, s2  }
0xf4: {  	s0 =	sshll.u32 s22, $0x7  }
0xf5: {  	[tilespmem:s0+$0x108] =	vst v1  }
0xf6: {  	v1 =	vld [tilespmem:s25+$0xFFFFFFD0];
	_ =	sdelay $0x4  }
0xf7: {  	[tilespmem:s0+$0x118] =	vst v1  }
0xf8: {  	v1 =	vld [tilespmem:s25+$0xFFFFFFE0];
	_ =	sdelay $0x4  }
0xf9: {  	[tilespmem:s0+$0x128] =	vst v1  }
0xfa: {  	v1 =	vld [tilespmem:s25+$0xFFFFFFF0];
	_ =	sdelay $0x4  }
0xfb: {  	[tilespmem:s0+$0x138] =	vst v1  }
0xfc: {  	v1 =	vld [tilespmem:s25+$0x0];
	_ =	sdelay $0x4  }
0xfd: {  	[tilespmem:s0+$0x148] =	vst v1  }
0xfe: {  	v1 =	vld [tilespmem:s25+$0x10];
	_ =	sdelay $0x4  }
0xff: {  	[tilespmem:s0+$0x158] =	vst v1  }
0x100: {  	v1 =	vld [tilespmem:s25+$0x20];
	_ =	sdelay $0x4  }
0x101: {  	[tilespmem:s0+$0x168] =	vst v1  }
0x102: {  	v1 =	vld [tilespmem:s25+$0x30]  }
.Ltmp15:
0x103: {  	_ = 	snop;
	(pc) =	sbr.rel .LBB2_17-.Ltmp15, $2  }
0x104: {  	_ =	sdelay $0x2  }
0x105: {  	s28 =	sadd.s32 $0x1, s28;
	[tilespmem:s0+$0x178] =	vst v1  }
.LBB2_19:
.Ltmp16:
0x106: {  	(pc) =	sbr.rel .LBB2_20-.Ltmp16, $4  }
0x107: {  	_ = 	snop  }
0x108: {  	s0 =	simm.s32 $0x2  }
0x109: {  	_ =	swait.ge [sflag:s0], $0x0  }
0x10a: {  	s30 =	smov.u32 s29;
	[sflag:s0] =	ssyncset.done $0x0;
	s0 =	simm.s32 $0x0  }
.LBB2_22:
0x10b: {  	_ =	sfence.sel $0x180000  }
0x10c: {  	s0 =	simm.s32 $0x9;
	[bflag:$0x0] =	sbarrier.arrive $0xFFFF  }
0x10d: {  	s24 =	simm.s32 $0xA;
	[sflag:s0] =	ssyncpa.u1 $0x1  }
0x10e: {  	s25 =	simm.s32 $0xB;
	[sflag:s24] =	ssyncpa.u1 $0x1  }
0x10f: {  	s26 =	simm.s32 $0x2;
	[sflag:s25] =	ssyncpa.u1 $0x1  }
0x110: {  	[sflag:s26] =	ssyncpa.u1 $0x1  }
0x111: {  	v0 =	vld [tilespmem:$0xF208];
	_ =	sdelay $0x4  }
0x112: {  	(v2sf) =	vpush v0, $0x0  }
0x113: {  	(v2sf) =	vpush v0, $0x1;
	_ =	sdelay $0x1  }
0x114: {  	(v2sf) =	vpush v0, $0x2;
	_ =	sdelay $0xb  }
0x115: {  	s0 =	spop (v2sf)  }
0x116: {  	s2 =	spop (v2sf)  }
0x117: {  	s3 =	smov.u32 s0;
	p0 =	sne.s32 s0, s2  }
0x118: {  	s4 =	spop (v2sf);
	s3 =	simm.s32 @!p0 $0xFFFFFFFF  }
0x119: {  	v2 =	vimm.s32 $0x1;
	v3 =	vlaneseq.u32;
	p0 =	seq.s32 s4, $0xFFFFFFFF;
	v1 =	vmov s3  }
0x11a: {  	s16 =	stileid.u32;
	v0 =	vperm.xlane v0, v2;
	p1 =	sne.s32 @!p0 s0, s2;
	v1 =	vperm.xlane v1, v3  }
0x11b: {  	vm0 =	vcmask $0x3F04;
	s6 =	simm.s32 $0xF208;
	s0 =	simm.s32 @!p0 $0x1;
	p1 =	por !p1, p0  }
0x11c: {  	s3 =	sshll.u32 s16, $0x1;
	s2 =	sshll.u32 @!p0 s4, $0x9;
	s0 =	simm.s32 @p1 $0x0;
	v0 =	vsel vm0, v1, v0  }
0x11d: {  	s5 =	sor.u32 $0x1000, s3;
	s2 =	sshra.s32 @!p0 s2, $0x2;
	s0 =	sor.u32 @!p0 s0, s3;
	[tilespmem:$0xF208] =	vst v0  }
0x11e: {  	[spmem:s5] =	stream.linear.scatter [tilespmem:s6], [sflag:$0x1], $0x2, $0x38;
	[tilespmem:$0x1F6F8] =	vst v63  }
0x11f: {  	s2 =	sadd.s32 @!p0 $0x108, s2;
	s0 =	sshll.u32 @!p0 s0, $0x7  }
0x120: {  	[spmem:s0] =	stream.linear.scatter @!p0 [tilespmem:s2], [sflag:$0x1], $0x80, $0x38;
	[tilespmem:$0x1F6F8] =	vst v63  }
0x121: {  	s0 =	simm.s32 @!p0 $0x82  }
0x122: {  	s28 =	simm.s32 $0x1;
	s0 =	simm.s32 @p0 $0x2  }
0x123: {  	_ =	swait.ge [sflag:s28], s0  }
0x124: {  	s0 =	ssub.s32 $0x0, s0;
	[sflag:s28] =	ssyncset.done $0x0  }
0x125: {  	p0 =	sne.s32 s16, $0x0;
	[sflag:s28] =	ssyncadd.s32 s0  }
.Ltmp17:
0x126: {  	_ =	sfence.stream.spmem;
	(pc) =	sbr.rel @p0 .LBB2_39-.Ltmp17, $4  }
0x127: {  	s29 =	simm.s32 $0x3;
	[bflag:$0x0] =	sbarrier.arrive $0xFFFF  }
0x128: {  	s30 =	simm.s32 $0x4;
	[sflag:s29] =	ssyncpa.u1 $0x1  }
0x129: {  	s31 =	simm.s32 $0x3C;
	[sflag:s30] =	ssyncpa.u1 $0x1  }
0x12a: {  	s15 =	rddreg [dreg:$0x6];
	[sflag:s31] =	ssyncpa.u1 $0x1  }
0x12b: {  	_ =	sfence.stream.spmem;
	s0 =	simm.s32 $0x5  }
0x12c: {  	s2 =	simm.s32 $0x1000;
	s3 =	simm.s32 $0xF218;
	[sflag:s0] =	ssyncpa.u1 $0x0  }
0x12d: {  	[tilespmem:s3], [sflag:$0x5] =	stream.linear.gather [spmem:s2], $0x20, $0x38;
	[tilespmem:$0x1F6F8] =	vst v63  }
0x12e: {  	s26 =	simm.s32 $0x0;
	s28 =	simm.s32 $0xF238  }
0x12f: {  	[tilespmem:s28], [sflag:$0x5] =	stream.linear.gather [spmem:s26], $0x1000, $0x38;
	[tilespmem:$0x1F6F8] =	vst v63  }
0x130: {  	_ =	swait.ge [sflag:s0], $0x1020  }
0x131: {  	[sflag:s0] =	ssyncset.done $0x0  }
0x132: {  	s29 =	simm.s32 $0x0;
	[sflag:s0] =	ssyncadd.s32 $0xFFFFEFE0  }
0x133: {  	v0 =	vld.msk [tilespmem:s29+$0xF218], $0x1;
	_ =	sdelay $0x1  }
0x134: {  	s30 =	simm.s32 $0x1  }
0x135: {  	v1 =	vld.msk [tilespmem:s30+$0xF218], $0x1;
	_ =	sdelay $0x1  }
0x136: {  	(v2sf) =	vpush v0, $0x0;
	_ =	sdelay $0x2  }
0x137: {  	(v2sf) =	vpush v1, $0x0;
	_ =	sdelay $0x2  }
0x138: {  	s31 =	simm.s32 $0x2  }
0x139: {  	v0 =	vld.msk [tilespmem:s31+$0xF218], $0x1;
	_ =	sdelay $0x2  }
0x13a: {  	s4 =	simm.s32 $0xFFFFFFFF;
	s5 =	simm.s32 $0xFFFFFFFF;
	s0 =	simm.s32 $0xC  }
.LBB2_24:
0x13b: {  	s2 =	smov.u32 s5;
	s3 =	smov.u32 s4  }
0x13c: {  	s4 =	sshra.s32 s0, $0x2;
	p1 =	sne.s32 s0, $0x7C;
	s0 =	sadd.s32 $0x4, s0;
	(v2sf) =	vpush v0, $0x0  }
0x13d: {  	v0 =	vld.msk [tilespmem:s4+$0xF218], $0x1  }
.Ltmp18:
0x13e: {  	(pc) =	sbr.rel @p1 .LBB2_24-.Ltmp18, $4  }
0x13f: {  	s5 =	spop (v2sf)  }
0x140: {  	p2 =	sne.s32 s3, $0xFFFFFFFF;
	s4 =	smov.u32 s5  }
0x141: {  	p3 =	seq.s32 s5, $0xFFFFFFFF;
	s4 =	smov.u32 @p2 s3  }
0x142: {  	s5 =	smov.u32 @p3 s2;
	s4 =	smov.u32 @p3 s3  }
0x143: {  	(v2sf) =	vpush v0, $0x0;
	_ =	sdelay $0x8  }
0x144: {  	s0 =	spop (v2sf)  }
0x145: {  	p1 =	sne.s32 s4, $0xFFFFFFFF;
	s2 =	smov.u32 s0  }
0x146: {  	s9 =	simm.s32 $0x6;
	p2 =	seq.s32 s0, $0xFFFFFFFF;
	s2 =	smov.u32 @p1 s4  }
0x147: {  	s6 =	simm.s32 $0x0;
	s2 =	smov.u32 @p2 s4;
	s3 =	spop (v2sf)  }
0x148: {  	s0 =	smov.u32 @p2 s5;
	p1 =	sne.s32 s2, $0xFFFFFFFF;
	s4 =	smov.u32 s3  }
.Ltmp19:
0x149: {  	p2 =	seq.s32 s3, $0xFFFFFFFF;
	s4 =	smov.u32 @p1 s2;
	(pc) =	sbr.rel .LBB2_26-.Ltmp19, $4  }
0x14a: {  	s10 =	simm.s32 $0xF188;
	s4 =	smov.u32 @p2 s2;
	s7 =	spop (v2sf)  }
0x14b: {  	s11 =	simm.s32 $0x0;
	p1 =	sne.s32 s4, $0xFFFFFFFF;
	s8 =	smov.u32 s7  }
0x14c: {  	s3 =	smov.u32 @p2 s0;
	p2 =	seq.s32 s7, $0xFFFFFFFF;
	s8 =	smov.u32 @p1 s4  }
0x14d: {  	[sflag:s9] =	ssyncpa.u1 $0x0;
	s7 =	smov.u32 @p2 s3;
	s8 =	smov.u32 @p2 s4  }
.LBB2_32:
0x14e: {  	p1 =	sgt.u32 s12, $0x4E1FF0  }
0x14f: {  	p2 =	seq.s32 @!p1 s12, s8  }
0x150: {  	p1 =	por p1, p2  }
0x151: {  	p2 =	sne.s32 @!p1 s12, s7  }
0x152: {  	p1 =	por p1, !p2  }
0x153: {  	s0 =	sshll.u32 @p1 s11, $0x9  }
0x154: {  	s0 =	sand.u32 @!p1 $0x7FFFF8, s12  }
0x155: {  	s2 =	sand.u32 @!p1 $0x7, s12;
	s0 =	sadd.s32 @!p1 s1, s0  }
0x156: {  	[tilespmem:s10], [sflag:$0x6] =	stream.linear.gather @!p1 [hbm4b:s0+s2], $0x80, $0x38;
	[tilespmem:$0x1F6F8] =	vst v63  }
0x157: {  	_ =	swait.ge @!p1 [sflag:s9], $0x80  }
0x158: {  	[sflag:s9] =	ssyncset.done @!p1 $0x0  }
0x159: {  	[sflag:s9] =	ssyncadd.s32 @!p1 $0xFFFFFF80  }
0x15a: {  	v1 =	vld @!p1 [tilespmem:$0xF188];
	_ =	sdelay $0x2  }
0x15b: {  	s0 =	sshll.u32 @!p1 s11, $0x9  }
0x15c: {  	s2 =	sshrl.u32 @!p1 s0, $0x2  }
0x15d: {  	[tilespmem:s2+$0xF238] =	vst.add.f32.msk @!p1 $0xffff, v1  }
0x15e: {  	v1 =	vld @!p1 [tilespmem:$0xF198];
	_ =	sdelay $0x4  }
0x15f: {  	[tilespmem:s2+$0xF248] =	vst.add.f32.msk @!p1 $0xffff, v1  }
0x160: {  	v1 =	vld @!p1 [tilespmem:$0xF1A8];
	_ =	sdelay $0x4  }
0x161: {  	[tilespmem:s2+$0xF258] =	vst.add.f32.msk @!p1 $0xffff, v1  }
0x162: {  	v1 =	vld @!p1 [tilespmem:$0xF1B8];
	_ =	sdelay $0x4  }
0x163: {  	[tilespmem:s2+$0xF268] =	vst.add.f32.msk @!p1 $0xffff, v1  }
0x164: {  	v1 =	vld @!p1 [tilespmem:$0xF1C8];
	_ =	sdelay $0x4  }
0x165: {  	[tilespmem:s2+$0xF278] =	vst.add.f32.msk @!p1 $0xffff, v1  }
0x166: {  	v1 =	vld @!p1 [tilespmem:$0xF1D8];
	_ =	sdelay $0x4  }
0x167: {  	[tilespmem:s2+$0xF288] =	vst.add.f32.msk @!p1 $0xffff, v1  }
0x168: {  	v1 =	vld @!p1 [tilespmem:$0xF1E8];
	_ =	sdelay $0x4  }
0x169: {  	[tilespmem:s2+$0xF298] =	vst.add.f32.msk @!p1 $0xffff, v1  }
0x16a: {  	v1 =	vld @!p1 [tilespmem:$0xF1F8];
	_ =	sdelay $0x4  }
0x16b: {  	[tilespmem:s2+$0xF2A8] =	vst.add.f32.msk @!p1 $0xffff, v1  }
0x16c: {  	s0 =	sshrl.u32 s0, $0x2;
	[tilespmem:s6+$0xF218] =	vst.msk $0x1, v0  }
0x16d: {  	v0 =	vld [tilespmem:s0+$0xF238];
	_ =	sdelay $0x2  }
0x16e: {  	s31 =	sshll.u32 s6, $0x9  }
0x16f: {  	s2 =	sshra.s32 s31, $0x2  }
0x170: {  	[tilespmem:s2+$0xF238] =	vst v0  }
0x171: {  	v0 =	vld [tilespmem:s0+$0xF248];
	_ =	sdelay $0x4  }
0x172: {  	[tilespmem:s2+$0xF248] =	vst v0  }
0x173: {  	v0 =	vld [tilespmem:s0+$0xF258];
	_ =	sdelay $0x4  }
0x174: {  	[tilespmem:s2+$0xF258] =	vst v0  }
0x175: {  	v0 =	vld [tilespmem:s0+$0xF268];
	_ =	sdelay $0x4  }
0x176: {  	[tilespmem:s2+$0xF268] =	vst v0  }
0x177: {  	v0 =	vld [tilespmem:s0+$0xF278];
	_ =	sdelay $0x4  }
0x178: {  	[tilespmem:s2+$0xF278] =	vst v0  }
0x179: {  	v0 =	vld [tilespmem:s0+$0xF288];
	_ =	sdelay $0x4  }
0x17a: {  	[tilespmem:s2+$0xF288] =	vst v0  }
0x17b: {  	v0 =	vld [tilespmem:s0+$0xF298];
	_ =	sdelay $0x4  }
0x17c: {  	[tilespmem:s2+$0xF298] =	vst v0  }
0x17d: {  	v0 =	vld [tilespmem:s0+$0xF2A8];
	_ =	sdelay $0x4  }
0x17e: {  	s6 =	sadd.s32 $0x1, s6;
	[tilespmem:s2+$0xF2A8] =	vst v0  }
.LBB2_33:
0x17f: {  	s11 =	sadd.s32 $0x1, s11  }
0x180: {  	p1 =	sne.s32 s11, $0x20  }
.Ltmp20:
0x181: {  	_ = 	snop;
	(pc) =	sbr.rel @!p1 .LBB2_34-.Ltmp20, $1  }
0x182: {  	_ =	sdelay $0x3  }
.LBB2_26:
0x183: {  	v0 =	vld.msk [tilespmem:s11+$0xF218], $0x1;
	_ =	sdelay $0x4  }
0x184: {  	(v2sf) =	vpush v0, $0x0;
	_ =	sdelay $0xe  }
0x185: {  	s12 =	spop (v2sf)  }
0x186: {  	p1 =	seq.s32 s12, $0xFFFFFFFF  }
.Ltmp21:
0x187: {  	_ = 	snop;
	(pc) =	sbr.rel @p1 .LBB2_33-.Ltmp21, $1  }
0x188: {  	_ =	sdelay $0x3  }
0x189: {  	p1 =	slt.s32 s6, $0x1  }
.Ltmp22:
0x18a: {  	_ = 	snop;
	(pc) =	sbr.rel @p1 .LBB2_32-.Ltmp22, $1  }
0x18b: {  	_ =	sdelay $0x3  }
0x18c: {  	s13 =	simm.s32 $0xF218;
	p1 =	por $0x0, $0x0  }
0x18d: {  	v1 =	vld.msk @!p1 [tilespmem:s13+$0x0], $0x1;
	_ =	sdelay $0x4  }
0x18e: {  	(v2sf) =	vpush @!p1 v1, $0x0;
	_ =	sdelay $0xd  }
0x18f: {  	p3 =	sne.s32 s6, $0x1  }
.Ltmp23:
0x190: {  	s0 =	spop @!p1 (v2sf);
	(pc) =	sbr.rel @!p3 .LBB2_30-.Ltmp23, $4  }
0x191: {  	p2 =	seq.s32 @!p1 s12, s0  }
0x192: {  	s14 =	simm.s32 $0x0;
	p2 =	por !p2, p1  }
0x193: {  	s2 =	simm.s32 $0xFFFFFFFF;
	s14 =	simm.s32 @p2 $0xFFFFFFFF  }
0x194: {  	s0 =	simm.s32 $0x1;
	s14 =	smov.u32 @p1 s2  }
.LBB2_29:
0x195: {  	s2 =	smov.u32 s14;
	p1 =	sne.s32 s14, $0xFFFFFFFF  }
0x196: {  	s13 =	sadd.s32 $0x1, s13;
	s14 =	smov.u32 s0;
	s0 =	sadd.s32 $0x1, s0  }
0x197: {  	p2 =	sne.s32 s6, s0;
	v1 =	vld.msk @!p1 [tilespmem:s13+$0x0], $0x1;
	_ =	sdelay $0x4  }
0x198: {  	(v2sf) =	vpush @!p1 v1, $0x0;
	_ =	sdelay $0xe  }
.Ltmp24:
0x199: {  	s3 =	spop @!p1 (v2sf);
	(pc) =	sbr.rel @p2 .LBB2_29-.Ltmp24, $4  }
0x19a: {  	p3 =	seq.s32 @!p1 s12, s3  }
0x19b: {  	p3 =	por !p3, p1  }
0x19c: {  	s14 =	simm.s32 @p3 $0xFFFFFFFF  }
0x19d: {  	s14 =	smov.u32 @p1 s2  }
.LBB2_30:
0x19e: {  	p1 =	seq.s32 s14, $0xFFFFFFFF  }
.Ltmp25:
0x19f: {  	_ = 	snop;
	(pc) =	sbr.rel @p1 .LBB2_32-.Ltmp25, $1  }
0x1a0: {  	_ =	sdelay $0x3  }
0x1a1: {  	s0 =	sshll.u32 s11, $0x7  }
0x1a2: {  	s0 =	sand.u32 $0x3FFFFF80, s0  }
0x1a3: {  	v0 =	vld [tilespmem:s0+$0xF238];
	_ =	sdelay $0x2  }
0x1a4: {  	s2 =	sshll.u32 s14, $0x9  }
0x1a5: {  	s2 =	sshra.s32 s2, $0x2  }
0x1a6: {  	[tilespmem:s2+$0xF238] =	vst.add.f32.msk $0xffff, v0  }
0x1a7: {  	v0 =	vld [tilespmem:s0+$0xF248];
	_ =	sdelay $0x4  }
0x1a8: {  	[tilespmem:s2+$0xF248] =	vst.add.f32.msk $0xffff, v0  }
0x1a9: {  	v0 =	vld [tilespmem:s0+$0xF258];
	_ =	sdelay $0x4  }
0x1aa: {  	[tilespmem:s2+$0xF258] =	vst.add.f32.msk $0xffff, v0  }
0x1ab: {  	v0 =	vld [tilespmem:s0+$0xF268];
	_ =	sdelay $0x4  }
0x1ac: {  	[tilespmem:s2+$0xF268] =	vst.add.f32.msk $0xffff, v0  }
0x1ad: {  	v0 =	vld [tilespmem:s0+$0xF278];
	_ =	sdelay $0x4  }
0x1ae: {  	[tilespmem:s2+$0xF278] =	vst.add.f32.msk $0xffff, v0  }
0x1af: {  	v0 =	vld [tilespmem:s0+$0xF288];
	_ =	sdelay $0x4  }
0x1b0: {  	[tilespmem:s2+$0xF288] =	vst.add.f32.msk $0xffff, v0  }
0x1b1: {  	v0 =	vld [tilespmem:s0+$0xF298];
	_ =	sdelay $0x4  }
0x1b2: {  	[tilespmem:s2+$0xF298] =	vst.add.f32.msk $0xffff, v0  }
0x1b3: {  	v0 =	vld [tilespmem:s0+$0xF2A8]  }
.Ltmp26:
0x1b4: {  	_ = 	snop;
	(pc) =	sbr.rel .LBB2_33-.Ltmp26, $2  }
0x1b5: {  	_ =	sdelay $0x2  }
0x1b6: {  	[tilespmem:s2+$0xF2A8] =	vst.add.f32.msk $0xffff, v0  }
.LBB2_34:
0x1b7: {  	s0 =	simm.s32 $0x6;
	p1 =	seq.s32 s6, $0x0  }
0x1b8: {  	[sflag:s0] =	ssyncpa.u1 $0x1;
	v0 =	vimm.s32 @p1 $0xFFFFFFFF  }
0x1b9: {  	s9 =	sadd.s32 $0xFFFFFFFF, s6;
	[tilespmem:$0x10238] =	vst @p1 v0  }
0x1ba: {  	v0 =	vld.msk @!p1 [tilespmem:s9+$0xF218], $0x1;
	_ =	sdelay $0x1  }
0x1bb: {  	v1 =	vld.msk @!p1 [tilespmem:$0xF218], $0x1;
	_ =	sdelay $0x2  }
0x1bc: {  	p2 =	seq.s32 @!p1 s9, $0x0;
	v0 =	vbroadcast @!p1 v0, $0x0  }
0x1bd: {  	vm0 =	vmmov @!p1 $0x1;
	p2 =	por !p2, p1  }
0x1be: {  	v1 =	vnsel @!p1 vm0, $0xFFFFFFFF, v1;
	vm0 =	vcmask @!p1 $0x308;
	v0 =	vpsel !p2, $0xFFFFFFFF, v0  }
0x1bf: {  	p2 =	sne.s32 @!p1 s8, s7;
	v0 =	vsel @!p1 vm0, v1, v0  }
0x1c0: {  	s0 =	simm.s32 @!p1 $0xF238;
	s2 =	simm.s32 @!p1 $0x0;
	p3 =	por !p2, p1;
	[tilespmem:$0x10238] =	vst @!p1 v0  }
0x1c1: {  	[spmem:s2] =	stream.linear.scatter @!p1 [tilespmem:s0], [sflag:$0x1], $0x80, $0x38;
	[tilespmem:$0x1F6F8] =	vst v63  }
0x1c2: {  	s0 =	sshll.u32 @!p3 s9, $0x9  }
0x1c3: {  	s0 =	sshra.s32 @!p3 s0, $0x2  }
0x1c4: {  	s2 =	simm.s32 @!p3 $0x80;
	s0 =	sadd.s32 @!p3 $0xF238, s0  }
0x1c5: {  	[spmem:s2] =	stream.linear.scatter @!p3 [tilespmem:s0], [sflag:$0x1], $0x80, $0x38;
	[tilespmem:$0x1F6F8] =	vst v63  }
0x1c6: {  	s0 =	simm.s32 @!p3 $0x1  }
0x1c7: {  	_ =	swait.ge @!p3 [sflag:s0], $0x100  }
0x1c8: {  	p1 =	por p2, p1;
	[sflag:s0] =	ssyncset.done @!p3 $0x0  }
0x1c9: {  	[sflag:s0] =	ssyncadd.s32 @!p3 $0xFFFFFF00;
	s0 =	simm.s32 @!p1 $0x1  }
0x1ca: {  	_ =	swait.ge @!p1 [sflag:s0], $0x80  }
0x1cb: {  	s29 =	simm.s32 $0x10238;
	[sflag:s0] =	ssyncset.done @!p1 $0x0  }
0x1cc: {  	s30 =	simm.s32 $0x1000;
	s31 =	simm.s32 $0x1;
	[sflag:s0] =	ssyncadd.s32 @!p1 $0xFFFFFF80  }
0x1cd: {  	[spmem:s30] =	stream.linear.scatter [tilespmem:s29], [sflag:$0x1], $0x10, $0x38;
	[tilespmem:$0x1F6F8] =	vst v63  }
0x1ce: {  	_ =	swait.ge [sflag:s31], $0x10  }
0x1cf: {  	[sflag:s31] =	ssyncset.done $0x0  }
0x1d0: {  	p1 =	seq.s32 s15, $0x0;
	s8 =	rddreg [dreg:$0x3];
	[sflag:s31] =	ssyncadd.s32 $0xFFFFFFF0  }
0x1d1: {  	s2 =	sshll.u32 @p1 s8, $0xE;
	s7 =	rddreg [dreg:$0x4]  }
0x1d2: {  	s0 =	sadd.s32 @p1 $0x15C3C, s2;
	s2 =	sshll.u32 @p1 s7, $0x11  }
0x1d3: {  	_ =	sfence.stream.spmem;
	s0 =	sor.u32 @p1 s2, s0  }
0x1d4: {  	[sflag:s0] =	ssyncadd.remote.s32 @p1 $0x1;
	s0 =	simm.s32 @p1 $0x4  }
0x1d5: {  	s3 =	simm.s32 @!p1 $0x3C;
	s2 =	sand.u32 $0xFFFFFFFE, s8;
	_ =	swait.ge @p1 [sflag:s0], $0x22  }
0x1d6: {  	s4 =	simm.s32 @!p1 $0x0;
	s2 =	sadd.s32 @!p1 $0x4, s2;
	[sflag:s0] =	ssyncset.done @p1 $0x0  }
0x1d7: {  	s5 =	simm.s32 @!p1 $0x100;
	[sflag:s0] =	ssyncadd.s32 @p1 $0xFFFFFFDE;
	s0 =	sshll.u32 @!p1 s2, $0x1A  }
0x1d8: {  	s2 =	sshll.u32 @!p1 s2, $0xD;
	s0 =	sor.u32 @!p1 s0, s7;
	_ =	swait.eq @!p1 [sflag:s3], $0x1  }
0x1d9: {  	s2 =	sor.u32 @!p1 $0x1C04, s2;
	s3 =	simm.s32 @!p1 $0x1C03;
	s0 =	sor.u32 @!p1 $0x80004000, s0  }
0x1da: {  	[spmem:s5], [sflag:s2] =	dma.general @!p1 [spmem:s4], [sflag:s3], length:$0x20, [dreg:$0x0], stride_count:$0x0, ici_dest:s0, dma_misc:DstOpCode:WRITE  }
0x1db: {  	p2 =	slt.s32 s9, $0x2;
	s4 =	simm.s32 @!p1 $0x200;
	s5 =	simm.s32 @!p1 $0x202  }
0x1dc: {  	[spmem:s5], [sflag:s2] =	dma.general @!p1 [spmem:s4], [sflag:s3], length:$0x2, [dreg:$0x0], stride_count:$0x0, ici_dest:s0, dma_misc:DstOpCode:WRITE  }
.Ltmp27:
0x1dd: {  	s0 =	simm.s32 @!p1 $0x3;
	(pc) =	sbr.rel @p2 .LBB2_38-.Ltmp27, $4  }
0x1de: {  	s2 =	sshll.u32 @!p1 s8, $0xE;
	_ =	swait.ge @!p1 [sflag:s0], $0x22  }
0x1df: {  	s3 =	sshll.u32 @!p1 s7, $0x11;
	s2 =	sadd.s32 @!p1 $0x11C3C, s2;
	[sflag:s0] =	ssyncset.done @!p1 $0x0  }
0x1e0: {  	[sflag:s0] =	ssyncadd.s32 @!p1 $0xFFFFFFDE;
	s0 =	sor.u32 @!p1 s3, s2  }
0x1e1: {  	[sflag:s0] =	ssyncadd.remote.s32 @!p1 $0xFFFFFFFF;
	s0 =	simm.s32 $0x0  }
0x1e2: {  	s0 =	simm.s32 $0xF219  }
0x1e3: {  	v0 =	vld.msk [tilespmem:s0+$0x0], $0x1;
	_ =	sdelay $0x4  }
0x1e4: {  	(v2sf) =	vpush v0, $0x0;
	_ =	sdelay $0xb  }
0x1e5: {  	s31 =	sadd.s32 $0xFFFFFFFE, s6  }
0x1e6: {  	s0 =	sadd.s32 $0xFFFFFFFF, s31  }
0x1e7: {  	p2 =	sne.s32 s0, $0x0  }
.Ltmp28:
0x1e8: {  	s2 =	spop (v2sf);
	(pc) =	sbr.rel @!p2 .LBB2_37-.Ltmp28, $4  }
0x1e9: {  	s4 =	simm.s32 $0xF2B8;
	s7 =	simm.s32 $0x0;
	p1 =	sgt.u32 s2, $0x4E1FF0  }
0x1ea: {  	s5 =	simm.s32 $0x0;
	s6 =	simm.s32 $0xF21A;
	s3 =	sand.u32 @!p1 $0x7FFFF8, s2  }
0x1eb: {  	s2 =	sand.u32 @!p1 $0x7, s2;
	s7 =	simm.s32 @!p1 $0x200;
	s3 =	sadd.s32 @!p1 s1, s3  }
0x1ec: {  	[hbm4b:s3+s2] =	stream.linear.scatter @!p1 [tilespmem:s4], [sflag:$0x5], $0x80, $0x38;
	[tilespmem:$0x1F6F8] =	vst v63  }
.LBB2_36:
0x1ed: {  	v0 =	vld.msk [tilespmem:s6+$0x0], $0x1;
	s0 =	sadd.s32 $0xFFFFFFFF, s0;
	s5 =	sadd.s32 s5, s7  }
0x1ee: {  	p1 =	sne.s32 s0, $0x0;
	_ =	sdelay $0x3  }
0x1ef: {  	(v2sf) =	vpush v0, $0x0;
	_ =	sdelay $0xe  }
.Ltmp29:
0x1f0: {  	s2 =	spop (v2sf);
	(pc) =	sbr.rel @p1 .LBB2_36-.Ltmp29, $4  }
0x1f1: {  	s7 =	simm.s32 $0x0;
	p2 =	sgt.u32 s2, $0x4E1FF0  }
0x1f2: {  	s4 =	sadd.s32 $0x80, s4;
	s7 =	simm.s32 @!p2 $0x200;
	s3 =	sand.u32 @!p2 $0x7FFFF8, s2  }
0x1f3: {  	s6 =	sadd.s32 $0x1, s6;
	s2 =	sand.u32 @!p2 $0x7, s2;
	s3 =	sadd.s32 @!p2 s1, s3  }
0x1f4: {  	[hbm4b:s3+s2] =	stream.linear.scatter @!p2 [tilespmem:s4], [sflag:$0x5], $0x80, $0x38;
	[tilespmem:$0x1F6F8] =	vst v63  }
.LBB2_37:
0x1f5: {  	s0 =	sadd.s32 s5, s7  }
0x1f6: {  	s0 =	sshrl.u32 s0, $0x2  }
.LBB2_38:
0x1f7: {  	s2 =	simm.s32 $0x5  }
0x1f8: {  	_ =	swait.ge [sflag:s2], s0  }
0x1f9: {  	s31 =	ssub.s32 $0x0, s0;
	[sflag:s2] =	ssyncset.done $0x0  }
0x1fa: {  	[sflag:s2] =	ssyncadd.s32 s31  }
0x1fb: {  	[sflag:s2] =	ssyncpa.u1 $0x1  }
.LBB2_39:
0x1fc: {  	s0 =	sor.u32 s15, s16  }
0x1fd: {  	p1 =	sne.s32 s0, $0x0  }
.Ltmp30:
0x1fe: {  	_ = 	snop;
	(pc) =	sbr.rel @p1 .LBB2_54-.Ltmp30, $3  }
0x1ff: {  	_ =	sdelay $0x1  }
0x200: {  	[bflag:$0x0] =	sbarrier.arrive $0xFFFF  }
0x201: {  	_ =	sfence  }
0x202: {  	s0 =	simm.s32 $0x7  }
0x203: {  	s2 =	simm.s32 $0x1000;
	s3 =	simm.s32 $0xF218;
	[sflag:s0] =	ssyncpa.u1 $0x0  }
0x204: {  	[tilespmem:s3], [sflag:$0x7] =	stream.linear.gather [spmem:s2], $0x20, $0x38;
	[tilespmem:$0x1F6F8] =	vst v63  }
0x205: {  	s30 =	simm.s32 $0xF238;
	s2 =	simm.s32 $0x0  }
0x206: {  	[tilespmem:s30], [sflag:$0x7] =	stream.linear.gather [spmem:s2], $0x1000, $0x38;
	[tilespmem:$0x1F6F8] =	vst v63  }
.Ltmp31:
0x207: {  	_ = 	snop;
	(pc) =	sbr.rel .LBB2_41-.Ltmp31, $4  }
0x208: {  	_ =	swait.ge [sflag:s0], $0x1020  }
0x209: {  	[sflag:s0] =	ssyncset.done $0x0  }
0x20a: {  	s31 =	simm.s32 $0x8;
	[sflag:s0] =	ssyncadd.s32 $0xFFFFEFE0  }
0x20b: {  	s3 =	simm.s32 $0x0;
	[sflag:s31] =	ssyncpa.u1 $0x0  }
.LBB2_47:
0x20c: {  	p1 =	slt.u32 s4, $0x4E1FF1  }
0x20d: {  	s0 =	sand.u32 @p1 $0x7FFFF8, s4  }
0x20e: {  	s4 =	sand.u32 @p1 $0x7, s4;
	s5 =	simm.s32 @p1 $0xF188;
	s0 =	sadd.s32 @p1 s1, s0  }
0x20f: {  	[tilespmem:s5], [sflag:$0x8] =	stream.linear.gather @p1 [hbm4b:s0+s4], $0x80, $0x38;
	[tilespmem:$0x1F6F8] =	vst v63  }
0x210: {  	s0 =	simm.s32 @p1 $0x8  }
0x211: {  	_ =	swait.ge @p1 [sflag:s0], $0x80  }
0x212: {  	[sflag:s0] =	ssyncset.done @p1 $0x0  }
0x213: {  	[sflag:s0] =	ssyncadd.s32 @p1 $0xFFFFFF80  }
0x214: {  	v1 =	vld @p1 [tilespmem:$0xF188];
	_ =	sdelay $0x2  }
0x215: {  	s0 =	sshll.u32 @p1 s3, $0x9  }
0x216: {  	s4 =	sshrl.u32 @p1 s0, $0x2  }
0x217: {  	[tilespmem:s4+$0xF238] =	vst.add.f32.msk @p1 $0xffff, v1  }
0x218: {  	v1 =	vld @p1 [tilespmem:$0xF198];
	_ =	sdelay $0x4  }
0x219: {  	[tilespmem:s4+$0xF248] =	vst.add.f32.msk @p1 $0xffff, v1  }
0x21a: {  	v1 =	vld @p1 [tilespmem:$0xF1A8];
	_ =	sdelay $0x4  }
0x21b: {  	[tilespmem:s4+$0xF258] =	vst.add.f32.msk @p1 $0xffff, v1  }
0x21c: {  	v1 =	vld @p1 [tilespmem:$0xF1B8];
	_ =	sdelay $0x4  }
0x21d: {  	[tilespmem:s4+$0xF268] =	vst.add.f32.msk @p1 $0xffff, v1  }
0x21e: {  	v1 =	vld @p1 [tilespmem:$0xF1C8];
	_ =	sdelay $0x4  }
0x21f: {  	[tilespmem:s4+$0xF278] =	vst.add.f32.msk @p1 $0xffff, v1  }
0x220: {  	v1 =	vld @p1 [tilespmem:$0xF1D8];
	_ =	sdelay $0x4  }
0x221: {  	[tilespmem:s4+$0xF288] =	vst.add.f32.msk @p1 $0xffff, v1  }
0x222: {  	v1 =	vld @p1 [tilespmem:$0xF1E8];
	_ =	sdelay $0x4  }
0x223: {  	[tilespmem:s4+$0xF298] =	vst.add.f32.msk @p1 $0xffff, v1  }
0x224: {  	v1 =	vld @p1 [tilespmem:$0xF1F8];
	_ =	sdelay $0x3  }
0x225: {  	s5 =	sshll.u32 @!p1 s3, $0x9  }
0x226: {  	s5 =	smov.u32 @p1 s0;
	[tilespmem:s4+$0xF2A8] =	vst.add.f32.msk @p1 $0xffff, v1  }
0x227: {  	s0 =	sshrl.u32 s5, $0x2;
	[tilespmem:s2+$0xF218] =	vst.msk $0x1, v0  }
0x228: {  	v0 =	vld [tilespmem:s0+$0xF238];
	_ =	sdelay $0x2  }
0x229: {  	s31 =	sshll.u32 s2, $0x9  }
0x22a: {  	s4 =	sshra.s32 s31, $0x2  }
0x22b: {  	[tilespmem:s4+$0xF238] =	vst v0  }
0x22c: {  	v0 =	vld [tilespmem:s0+$0xF248];
	_ =	sdelay $0x4  }
0x22d: {  	[tilespmem:s4+$0xF248] =	vst v0  }
0x22e: {  	v0 =	vld [tilespmem:s0+$0xF258];
	_ =	sdelay $0x4  }
0x22f: {  	[tilespmem:s4+$0xF258] =	vst v0  }
0x230: {  	v0 =	vld [tilespmem:s0+$0xF268];
	_ =	sdelay $0x4  }
0x231: {  	[tilespmem:s4+$0xF268] =	vst v0  }
0x232: {  	v0 =	vld [tilespmem:s0+$0xF278];
	_ =	sdelay $0x4  }
0x233: {  	[tilespmem:s4+$0xF278] =	vst v0  }
0x234: {  	v0 =	vld [tilespmem:s0+$0xF288];
	_ =	sdelay $0x4  }
0x235: {  	[tilespmem:s4+$0xF288] =	vst v0  }
0x236: {  	v0 =	vld [tilespmem:s0+$0xF298];
	_ =	sdelay $0x4  }
0x237: {  	[tilespmem:s4+$0xF298] =	vst v0  }
0x238: {  	v0 =	vld [tilespmem:s0+$0xF2A8];
	_ =	sdelay $0x4  }
0x239: {  	s2 =	sadd.s32 $0x1, s2;
	[tilespmem:s4+$0xF2A8] =	vst v0  }
.LBB2_48:
0x23a: {  	s3 =	sadd.s32 $0x1, s3  }
0x23b: {  	p1 =	sne.s32 s3, $0x20  }
.Ltmp32:
0x23c: {  	_ = 	snop;
	(pc) =	sbr.rel @!p1 .LBB2_49-.Ltmp32, $1  }
0x23d: {  	_ =	sdelay $0x3  }
.LBB2_41:
0x23e: {  	v0 =	vld.msk [tilespmem:s3+$0xF218], $0x1;
	_ =	sdelay $0x4  }
0x23f: {  	(v2sf) =	vpush v0, $0x0;
	_ =	sdelay $0xe  }
0x240: {  	s4 =	spop (v2sf)  }
0x241: {  	p1 =	seq.s32 s4, $0xFFFFFFFF  }
.Ltmp33:
0x242: {  	_ = 	snop;
	(pc) =	sbr.rel @p1 .LBB2_48-.Ltmp33, $1  }
0x243: {  	_ =	sdelay $0x3  }
0x244: {  	p1 =	slt.s32 s2, $0x1  }
.Ltmp34:
0x245: {  	_ = 	snop;
	(pc) =	sbr.rel @p1 .LBB2_47-.Ltmp34, $1  }
0x246: {  	_ =	sdelay $0x3  }
0x247: {  	s5 =	simm.s32 $0xF218;
	p1 =	por $0x0, $0x0  }
0x248: {  	v1 =	vld.msk @!p1 [tilespmem:s5+$0x0], $0x1;
	_ =	sdelay $0x4  }
0x249: {  	(v2sf) =	vpush @!p1 v1, $0x0;
	_ =	sdelay $0xd  }
0x24a: {  	p3 =	sne.s32 s2, $0x1  }
.Ltmp35:
0x24b: {  	s0 =	spop @!p1 (v2sf);
	(pc) =	sbr.rel @!p3 .LBB2_45-.Ltmp35, $4  }
0x24c: {  	p2 =	seq.s32 @!p1 s4, s0  }
0x24d: {  	s6 =	simm.s32 $0x0;
	p2 =	por !p2, p1  }
0x24e: {  	s7 =	simm.s32 $0xFFFFFFFF;
	s6 =	simm.s32 @p2 $0xFFFFFFFF  }
0x24f: {  	s0 =	simm.s32 $0x1;
	s6 =	smov.u32 @p1 s7  }
.LBB2_44:
0x250: {  	s7 =	smov.u32 s6;
	p1 =	sne.s32 s6, $0xFFFFFFFF  }
0x251: {  	s5 =	sadd.s32 $0x1, s5;
	s6 =	smov.u32 s0;
	s0 =	sadd.s32 $0x1, s0  }
0x252: {  	p2 =	sne.s32 s2, s0;
	v1 =	vld.msk @!p1 [tilespmem:s5+$0x0], $0x1;
	_ =	sdelay $0x4  }
0x253: {  	(v2sf) =	vpush @!p1 v1, $0x0;
	_ =	sdelay $0xe  }
.Ltmp36:
0x254: {  	s8 =	spop @!p1 (v2sf);
	(pc) =	sbr.rel @p2 .LBB2_44-.Ltmp36, $4  }
0x255: {  	p3 =	seq.s32 @!p1 s4, s8  }
0x256: {  	p3 =	por !p3, p1  }
0x257: {  	s6 =	simm.s32 @p3 $0xFFFFFFFF  }
0x258: {  	s6 =	smov.u32 @p1 s7  }
.LBB2_45:
0x259: {  	p1 =	seq.s32 s6, $0xFFFFFFFF  }
.Ltmp37:
0x25a: {  	_ = 	snop;
	(pc) =	sbr.rel @p1 .LBB2_47-.Ltmp37, $1  }
0x25b: {  	_ =	sdelay $0x3  }
0x25c: {  	s0 =	sshll.u32 s3, $0x7  }
0x25d: {  	s0 =	sand.u32 $0x3FFFFF80, s0  }
0x25e: {  	v0 =	vld [tilespmem:s0+$0xF238];
	_ =	sdelay $0x2  }
0x25f: {  	s4 =	sshll.u32 s6, $0x9  }
0x260: {  	s4 =	sshra.s32 s4, $0x2  }
0x261: {  	[tilespmem:s4+$0xF238] =	vst.add.f32.msk $0xffff, v0  }
0x262: {  	v0 =	vld [tilespmem:s0+$0xF248];
	_ =	sdelay $0x4  }
0x263: {  	[tilespmem:s4+$0xF248] =	vst.add.f32.msk $0xffff, v0  }
0x264: {  	v0 =	vld [tilespmem:s0+$0xF258];
	_ =	sdelay $0x4  }
0x265: {  	[tilespmem:s4+$0xF258] =	vst.add.f32.msk $0xffff, v0  }
0x266: {  	v0 =	vld [tilespmem:s0+$0xF268];
	_ =	sdelay $0x4  }
0x267: {  	[tilespmem:s4+$0xF268] =	vst.add.f32.msk $0xffff, v0  }
0x268: {  	v0 =	vld [tilespmem:s0+$0xF278];
	_ =	sdelay $0x4  }
0x269: {  	[tilespmem:s4+$0xF278] =	vst.add.f32.msk $0xffff, v0  }
0x26a: {  	v0 =	vld [tilespmem:s0+$0xF288];
	_ =	sdelay $0x4  }
0x26b: {  	[tilespmem:s4+$0xF288] =	vst.add.f32.msk $0xffff, v0  }
0x26c: {  	v0 =	vld [tilespmem:s0+$0xF298];
	_ =	sdelay $0x4  }
0x26d: {  	[tilespmem:s4+$0xF298] =	vst.add.f32.msk $0xffff, v0  }
0x26e: {  	v0 =	vld [tilespmem:s0+$0xF2A8]  }
.Ltmp38:
0x26f: {  	_ = 	snop;
	(pc) =	sbr.rel .LBB2_48-.Ltmp38, $2  }
0x270: {  	_ =	sdelay $0x2  }
0x271: {  	[tilespmem:s4+$0xF2A8] =	vst.add.f32.msk $0xffff, v0  }
.LBB2_49:
0x272: {  	p1 =	slt.s32 s2, $0x1  }
.Ltmp39:
0x273: {  	_ = 	snop;
	(pc) =	sbr.rel @p1 .LBB2_53-.Ltmp39, $3  }
0x274: {  	_ =	sdelay $0x1  }
0x275: {  	s0 =	simm.s32 $0x8  }
0x276: {  	s3 =	simm.s32 $0x0;
	[sflag:s0] =	ssyncpa.u1 $0x1  }
0x277: {  	s0 =	simm.s32 $0xF218  }
0x278: {  	v0 =	vld.msk [tilespmem:s0+$0x0], $0x1;
	_ =	sdelay $0x4  }
0x279: {  	(v2sf) =	vpush v0, $0x0;
	_ =	sdelay $0xe  }
0x27a: {  	s0 =	sadd.s32 $0xFFFFFFFF, s2;
	s5 =	spop (v2sf)  }
0x27b: {  	p2 =	sne.s32 s0, $0x0;
	p1 =	sgt.u32 s5, $0x4E1FF0  }
.Ltmp40:
0x27c: {  	s6 =	sand.u32 @!p1 $0x7FFFF8, s5;
	(pc) =	sbr.rel @!p2 .LBB2_52-.Ltmp40, $4  }
0x27d: {  	s4 =	simm.s32 $0xF238;
	s5 =	sand.u32 @!p1 $0x7, s5;
	s2 =	sadd.s32 @!p1 s1, s6  }
0x27e: {  	[hbm4b:s2+s5] =	stream.linear.scatter @!p1 [tilespmem:s4], [sflag:$0x7], $0x80, $0x38;
	[tilespmem:$0x1F6F8] =	vst v63  }
0x27f: {  	s5 =	simm.s32 $0x0  }
0x280: {  	s2 =	simm.s32 $0xF219;
	s5 =	simm.s32 @!p1 $0x200  }
.LBB2_51:
0x281: {  	v0 =	vld.msk [tilespmem:s2+$0x0], $0x1;
	s0 =	sadd.s32 $0xFFFFFFFF, s0;
	s3 =	sadd.s32 s3, s5  }
0x282: {  	p1 =	sne.s32 s0, $0x0;
	_ =	sdelay $0x3  }
0x283: {  	(v2sf) =	vpush v0, $0x0;
	_ =	sdelay $0xe  }
.Ltmp41:
0x284: {  	s6 =	spop (v2sf);
	(pc) =	sbr.rel @p1 .LBB2_51-.Ltmp41, $4  }
0x285: {  	s5 =	simm.s32 $0x0;
	p2 =	sgt.u32 s6, $0x4E1FF0  }
0x286: {  	s4 =	sadd.s32 $0x80, s4;
	s5 =	simm.s32 @!p2 $0x200;
	s7 =	sand.u32 @!p2 $0x7FFFF8, s6  }
0x287: {  	s2 =	sadd.s32 $0x1, s2;
	s6 =	sand.u32 @!p2 $0x7, s6;
	s7 =	sadd.s32 @!p2 s1, s7  }
0x288: {  	[hbm4b:s7+s6] =	stream.linear.scatter @!p2 [tilespmem:s4], [sflag:$0x7], $0x80, $0x38;
	[tilespmem:$0x1F6F8] =	vst v63  }
.LBB2_52:
0x289: {  	s0 =	sadd.s32 s3, s5  }
0x28a: {  	s3 =	sshrl.u32 s0, $0x2  }
.LBB2_53:
0x28b: {  	s0 =	simm.s32 $0x7  }
0x28c: {  	_ =	swait.ge [sflag:s0], s3  }
0x28d: {  	s1 =	ssub.s32 $0x0, s3;
	[sflag:s0] =	ssyncset.done $0x0  }
0x28e: {  	[sflag:s0] =	ssyncadd.s32 s1  }
0x28f: {  	[sflag:s0] =	ssyncpa.u1 $0x1  }
.LBB2_54:
0x290: {  	_ =	sfence;
	s0 =	simm.s32 $0x1  }
0x291: {  	[sflag:s0] =	ssyncpa.u1 $0x1  }
0x292: {  	_ =	strace $0x9000004D  }
0x293: {  	[bflag:$0x2] =	sbarrier.arrive $0xFFFF  }
0x294: {  	s0 =	rddreg [dreg:$0x5]  }
0x295: {  	s0 =	sadd.s32 @!p0 $0x100000, s0  }
0x296: {  	[sflag:s0] =	ssyncadd.tile.s32 @!p0 $0x1;
	_ =	shalt  }
.Lfunc_end2:
_tile_overlayer_lowered:
.L_overlay_start_2:
0x297: {  	(tag) =	ssettag $0x2  }
0x298: {  	s0 =	rddreg [dreg:$0x0];
	s2 =	stileid.u32  }
0x299: {  	s1 =	rddreg [dreg:$0x1];
	p0 =	sne.s32 s2, $0x0  }
0x29a: {  	s3 =	rddreg [dreg:$0x2];
	[bflag:$0x3] =	sbarrier.arrive $0xFFFF;
	s2 =	simm.s32 @!p0 $0x1C01  }
0x29b: {  	[timem:s3], [sflag:s2] =	dma.local @!p0 [hbm:s0], s1  }
0x29c: {  	s0 =	simm.s32 @!p0 $0x1  }
0x29d: {  	_ =	swait.ge @!p0 [sflag:s0], s1  }
0x29e: {  	s1 =	ssub.s32 @!p0 $0x0, s1;
	[sflag:s0] =	ssyncset.done @!p0 $0x0  }
0x29f: {  	[sflag:s0] =	ssyncadd.s32 @!p0 s1  }
0x2a0: {  	[bflag:$0x3] =	sbarrier.arrive $0xFFFF  }
0x2a1: {  	_ =	shalt  }

// kernel: sparse-core-data-format-call.cloned.1.call-start
scs
called_computation.1_lowered:
.L_overlay_start_0:
0x0: {  	s1 =	sld [smem:$0x3FD9]  }
0x1: {  	s2 =	sld [smem:$0x3FFE];
	_ =	sdelay $0x1  }
0x2: {  	s3 =	srdreg.scid  }
0x3: {  	s0 =	sand.u32 $0x1, s3  }
0x4: {  	s17 =	sshll.u32 s0, $0xA;
	s1 =	sadd.s32 s2, s1  }
0x5: {  	s1 =	sadd.s32 s1, s17  }
0x6: {  	[smem:$0x3FAE] =	sst s1  }
0x7: {  	_ = 	snop  }
0x8: {  	(tm) =	ssettm $0x1  }
0x9: {  	s18 =	sld [smem:$0x3FFB];
	_ =	sdelay $0x3  }
0xa: {  	_ =	strace s18  }
0xb: {  	s1 =	sld [smem:$0x3FFC];
	_ =	sdelay $0x3  }
0xc: {  	_ =	strace s1  }
0xd: {  	s1 =	sld [smem:$0x3FFD];
	_ =	sdelay $0x3  }
0xe: {  	_ =	strace s1  }
0xf: {  	_ =	strace $0x8FFFFFFF  }
0x10: {  	s19 =	sld [smem:$0x3FDB];
	_ =	sdelay $0x1  }
0x11: {  	s20 =	simm.s32 $_scs_section_size  }
0x12: {  	s4 =	simm.s32 $_size__tile_overlayer_lowered;
	s5 =	simm.s32 $_tile_overlayer_lowered  }
0x13: {  	s23 =	simm.s32 $0x1BFF;
	s22 =	sshll.u32 s5, $0x1;
	s1 =	sadd.s32 s20, s19  }
0x14: {  	s6 =	simm.s32 $0x0;
	s21 =	sshll.u32 s4, $0x1;
	s4 =	sadd.s32 s22, s1  }
0x15: {  	[timem:s6], [sflag:s23] =	dma.local [hbm:s4], s21  }
0x16: {  	_ =	swait.ge [sflag:s23], s21  }
0x17: {  	s2 =	ssub.s32 $0x0, s21;
	[sflag:s23] =	ssyncset.done $0x0  }
0x18: {  	[sflag:s23] =	ssyncadd.s32 s2;
	_ =	sdelay $0x1  }
0x19: {  	s24 =	simm.s32 $0x1B8B  }
0x1a: {  	_ =	swait.ge [sflag:s24], $0x1  }
0x1b: {  	[sflag:s24] =	ssyncset.done $0x0  }
0x1c: {  	s26 =	simm.s32 $0x1B8E;
	s25 =	sld [smem:$0x3FFE];
	[sflag:s24] =	ssyncadd.s32 $0xFFFFFFFF  }
0x1d: {  	s27 =	simm.s32 $execute0_lowered;
	[smem:$0x3FD2] =	sst s26  }
0x1e: {  	s4 =	sshll.u32 s27, $0x1;
	_ =	strace $0x8000004F;
	[dreg:$0x1] =	wrdreg $0xFFFFFFFF  }
0x1f: {  	s28 =	simm.s32 $_size_execute0_lowered;
	s1 =	sadd.s32 s1, s4;
	[dreg:$0x0] =	wrdreg $0x0  }
0x20: {  	s4 =	sshll.u32 s28, $0x1;
	[dreg:$0x2] =	wrdreg s1  }
0x21: {  	[dreg:$0x3] =	wrdreg s4  }
0x22: {  	[dreg:$0x4] =	wrdreg $0xC0  }
0x23: {  	_ =	task [dreg:s6], $0x5FFFF  }
0x24: {  	[dreg:$0x1] =	wrdreg $0xFFFFFFFF  }
0x25: {  	[dreg:$0x0] =	wrdreg $0x60  }
0x26: {  	[dreg:$0x2] =	wrdreg s25  }
0x27: {  	[dreg:$0x3] =	wrdreg $0x9  }
0x28: {  	_ =	task.clear_ibuf [dreg:s6], $0x4FFFF;
	_ =	strace $0x9000004F  }
0x29: {  	s29 =	simm.s32 $0x9;
	_ =	strace $0x80000051  }
0x2a: {  	_ =	swait.ge [sflag:s29], $0x1  }
0x2b: {  	[sflag:s29] =	ssyncadd.s32 $0xFFFFFFFF  }
0x2c: {  	_ =	strace $0x90000051  }
0x2d: {  	_ =	sfence  }
0x2e: {  	s30 =	sld [smem:$0x0];
	_ =	sdelay $0x2  }
0x2f: {  	s31 =	sshll.u32 s3, $0xD;
	s3 =	sshrl.u32 s3, $0x2  }
0x30: {  	s2 =	sand.u32 $0x4000, s31;
	s1 =	sadd.s32 s3, s30  }
0x31: {  	s0 =	sor.u32 s2, s0;
	s1 =	sshll.u32 s1, $0x11  }
0x32: {  	s0 =	sor.u32 s1, s0  }
0x33: {  	s0 =	sadd.s32 $0x8F2B, s0  }
0x34: {  	[sflag:s0] =	ssyncadd.remote.s32 $0x1  }
0x35: {  	_ =	sfence.sel $0xFFFF  }
0x36: {  	[dreg:$0x0] =	wrdreg $0xFFFFFFFF;
	(pc) =	sbr.abs _section_cstart, $3  }
0x37: {  	[dreg:$0x1] =	wrdreg $0xFFFFFFFF  }
0x38: {  	_ =	task.clear_ibuf [dreg:s6], $0x2FFFF;
	_ =	strace $0x9FFFFFFF  }
0x39: {  	(tm) =	ssettm $0x7FFFFFFF  }
tec
execute0_lowered:
.L_overlay_start_1:
0x0: {  	(tag) =	ssettag $0x1  }
0x1: {  	s0 =	srdreg.scid  }
0x2: {  	s1 =	sshll.u32 s0, $0x4  }
0x3: {  	s4 =	rddreg [dreg:$0x0];
	s0 =	stileid.u32;
	s1 =	sand.u32 $0x10, s1  }
0x4: {  	s7 =	simm.s32 $0x1;
	s8 =	simm.s32 $0x2;
	s1 =	sor.u32 s0, s1  }
0x5: {  	s9 =	simm.s32 $0x0;
	s12 =	simm.s32 $0x0;
	s2 =	sshll.u32 s1, $0x2  }
0x6: {  	s11 =	simm.s32 $0x0;
	s3 =	sadd.s32 $0x1B90000, s4;
	s6 =	ssub.s32 $0x9C40, s2  }
.Ltmp0:
0x7: {  	s4 =	sadd.s32 $0x808000, s4;
	s5 =	sand.u32 $0x7C, s6;
	(pc) =	sbr.rel .LBB1_1-.Ltmp0, $4  }
0x8: {  	s1 =	rddreg [dreg:$0x1];
	_ =	strace $0x80000050;
	p0 =	sne.s32 s5, $0x0  }
0x9: {  	s6 =	sshrl.u32 s6, $0x7;
	s5 =	simm.s32 $0x1;
	s7 =	simm.s32 @!p0 $0x0  }
0xa: {  	s10 =	smov.u32 s2;
	[sflag:s5] =	ssyncpa.u1 $0x0;
	s6 =	sadd.s32 s7, s6  }
0xb: {  	[sflag:s8] =	ssyncpa.u1 $0x0;
	s8 =	simm.s32 $0x0;
	s7 =	sadd.s32 $0x1, s6  }
.LBB1_9:
0xc: {  	s14 =	sadd.s32 $0x80, s10  }
0xd: {  	p1 =	sgt.s32 s14, $0x9C3F  }
0xe: {  	s14 =	smov.u32 @p1 s2;
	p1 =	sne.s32 s11, s7  }
.Ltmp1:
0xf: {  	p0 =	slt.u32 s11, $0x2;
	(pc) =	sbr.rel @!p1 .LBB1_10-.Ltmp1, $4  }
0x10: {  	s13 =	simm.s32 @!p0 $0x2  }
0x11: {  	s15 =	sadd.s32 $0x1, s11;
	_ =	swait.ge @!p0 [sflag:s13], $0x4000  }
0x12: {  	s12 =	smov.u32 s10;
	s9 =	sadd.s32 $0x4000, s9;
	[sflag:s13] =	ssyncset.done @!p0 $0x0  }
0x13: {  	s11 =	smov.u32 s15;
	s10 =	smov.u32 s14;
	[sflag:s13] =	ssyncadd.s32 @!p0 $0xFFFFC000  }
.LBB1_1:
0x14: {  	p0 =	sge.u32 s11, s6  }
0x15: {  	s13 =	sxor.u32 @!p0 $0xFFFFFFFF, s11  }
0x16: {  	s31 =	sadd.s32 $0xFFFFFFFF, s11;
	s14 =	sshll.u32 @!p0 s10, $0x9;
	s13 =	sshll.u32 @!p0 s13, $0xE  }
0x17: {  	s15 =	simm.s32 @!p0 $0x0;
	s14 =	sadd.s32 @!p0 s3, s14;
	s13 =	sand.u32 @!p0 $0x4000, s13  }
0x18: {  	[tilespmem:s13], [sflag:$0x1] =	stream.linear.gather @!p0 [hbm4b:s14+s15], $0x4000, $0x38;
	[tilespmem:$0x10000] =	vst v63  }
0x19: {  	p0 =	sge.u32 s31, s6  }
.Ltmp2:
0x1a: {  	_ = 	snop;
	(pc) =	sbr.rel @p0 .LBB1_9-.Ltmp2, $1  }
0x1b: {  	_ =	sdelay $0x3  }
0x1c: {  	s14 =	sand.u32 $0x4000, s9  }
0x1d: {  	_ =	swait.ge [sflag:s5], $0x4000;
	s15 =	sshll.u32 s11, $0xE;
	s16 =	simm.s32 $0x0  }
0x1e: {  	s13 =	sor.u32 $0x40, s14;
	[sflag:s5] =	ssyncset.done $0x0;
	s15 =	sand.u32 $0x4000, s15  }
0x1f: {  	s14 =	sor.u32 $0x8040, s14;
	[sflag:s5] =	ssyncadd.s32 $0xFFFFC000;
	s15 =	sor.u32 $0x8000, s15  }
.LBB1_3:
0x20: {  	s17 =	smov.u32 s14;
	s18 =	smov.u32 s13;
	s19 =	simm.s32 $0x0  }
.LBB1_4:
0x21: {  	v0 =	vmov s17;
	v2 =	vld [tilespmem:s18+$0x30]  }
0x22: {  	v4 =	vld [tilespmem:s18+$0xFFFFFFD0]  }
0x23: {  	v6 =	vld [tilespmem:s18+$0xFFFFFFE0]  }
0x24: {  	v7 =	vld [tilespmem:s18+$0xFFFFFFF0]  }
0x25: {  	s20 =	simm.s32 $0x0;
	v1 =	vld [tilespmem:s18+$0x0]  }
0x26: {  	v3 =	vld [tilespmem:s18+$0x10];
	[tilespmem:v0+s20+$0x30 ss:$0x1] =	vst.idx.msk $0xffff, v2  }
0x27: {  	v5 =	vld [tilespmem:s18+$0x20];
	[tilespmem:v0+s20+$0xFFFFFFD0 ss:$0x1] =	vst.idx.msk $0xffff, v4  }
0x28: {  	s21 =	sadd.s32 $0x80, s18;
	v2 =	vld [tilespmem:s18+$0xFFFFFFC0];
	[tilespmem:v0+s20+$0xFFFFFFE0 ss:$0x1] =	vst.idx.msk $0xffff, v6  }
0x29: {  	s22 =	simm.s32 $0x800;
	s23 =	simm.s32 $0x1000;
	v4 =	vld [tilespmem:s21+$0x30];
	[tilespmem:v0+s20+$0xFFFFFFF0 ss:$0x1] =	vst.idx.msk $0xffff, v7  }
.LBB1_5:
0x2a: {  	p0 =	sne.s32 s23, $0x3800;
	v6 =	vld [tilespmem:s21+$0xFFFFFFD0];
	[tilespmem:v0+s20+$0x0 ss:$0x1] =	vst.idx.msk $0xffff, v1  }
0x2b: {  	v7 =	vld [tilespmem:s21+$0xFFFFFFE0];
	[tilespmem:v0+s20+$0x10 ss:$0x1] =	vst.idx.msk $0xffff, v3  }
0x2c: {  	v8 =	vld [tilespmem:s21+$0xFFFFFFF0];
	[tilespmem:v0+s20+$0x20 ss:$0x1] =	vst.idx.msk $0xffff, v5  }
.Ltmp3:
0x2d: {  	v1 =	vld [tilespmem:s21+$0x0];
	[tilespmem:v0+s20+$0xFFFFFFC0 ss:$0x1] =	vst.idx.msk $0xffff, v2;
	s20 =	sshra.s32 s22, $0x2;
	s22 =	smov.u32 s23;
	(pc) =	sbr.rel @p0 .LBB1_5-.Ltmp3, $4  }
0x2e: {  	v3 =	vld [tilespmem:s21+$0x10];
	[tilespmem:v0+s20+$0x30 ss:$0x1] =	vst.idx.msk $0xffff, v4  }
0x2f: {  	[tilespmem:v0+s20+$0xFFFFFFD0 ss:$0x1] =	vst.idx.msk $0xffff, v6;
	v5 =	vld [tilespmem:s21+$0x20]  }
0x30: {  	v2 =	vld [tilespmem:s21+$0xFFFFFFC0];
	[tilespmem:v0+s20+$0xFFFFFFE0 ss:$0x1] =	vst.idx.msk $0xffff, v7;
	s21 =	sadd.s32 $0x80, s21  }
0x31: {  	s23 =	sadd.s32 $0x800, s23;
	v4 =	vld [tilespmem:s21+$0x30];
	[tilespmem:v0+s20+$0xFFFFFFF0 ss:$0x1] =	vst.idx.msk $0xffff, v8  }
0x32: {  	_ =	sdelay $0x3  }
0x33: {  	v6 =	vld [tilespmem:s21+$0xFFFFFFD0];
	[tilespmem:v0+s20+$0x0 ss:$0x1] =	vst.idx.msk $0xffff, v1  }
0x34: {  	v58 =	vld [tilespmem:s21+$0xFFFFFFE0];
	[tilespmem:v0+s20+$0x10 ss:$0x1] =	vst.idx.msk $0xffff, v3  }
0x35: {  	v59 =	vld [tilespmem:s21+$0xFFFFFFF0];
	[tilespmem:v0+s20+$0x20 ss:$0x1] =	vst.idx.msk $0xffff, v5  }
0x36: {  	s22 =	sshra.s32 s22, $0x2;
	v60 =	vld [tilespmem:s21+$0x0];
	[tilespmem:v0+s20+$0xFFFFFFC0 ss:$0x1] =	vst.idx.msk $0xffff, v2  }
0x37: {  	v61 =	vld [tilespmem:s21+$0x10];
	[tilespmem:v0+s22+$0x30 ss:$0x1] =	vst.idx.msk $0xffff, v4  }
0x38: {  	v62 =	vld [tilespmem:s21+$0x20];
	s19 =	sadd.s32 $0x1, s19;
	[tilespmem:v0+s22+$0xFFFFFFD0 ss:$0x1] =	vst.idx.msk $0xffff, v6  }
0x39: {  	v63 =	vld [tilespmem:s21+$0xFFFFFFC0];
	p0 =	sne.s32 s19, $0x4;
	[tilespmem:v0+s22+$0xFFFFFFE0 ss:$0x1] =	vst.idx.msk $0xffff, v58  }
.Ltmp4:
0x3a: {  	[tilespmem:v0+s22+$0xFFFFFFF0 ss:$0x1] =	vst.idx.msk $0xffff, v59;
	(pc) =	sbr.rel @p0 .LBB1_4-.Ltmp4, $4  }
0x3b: {  	[tilespmem:v0+s22+$0x0 ss:$0x1] =	vst.idx.msk $0xffff, v60  }
0x3c: {  	[tilespmem:v0+s22+$0x10 ss:$0x1] =	vst.idx.msk $0xffff, v61  }
0x3d: {  	[tilespmem:v0+s22+$0x20 ss:$0x1] =	vst.idx.msk $0xffff, v62  }
0x3e: {  	s18 =	sadd.s32 $0x400, s18;
	s17 =	sadd.s32 $0x80, s17;
	[tilespmem:v0+s22+$0xFFFFFFC0 ss:$0x1] =	vst.idx.msk $0xffff, v63  }
0x3f: {  	s16 =	sadd.s32 $0x1, s16  }
0x40: {  	p0 =	sne.s32 s16, $0x4  }
.Ltmp5:
0x41: {  	_ = 	snop;
	(pc) =	sbr.rel @p0 .LBB1_3-.Ltmp5, $2  }
0x42: {  	_ =	sdelay $0x2  }
0x43: {  	s13 =	sadd.s32 $0x1000, s13;
	s14 =	sadd.s32 $0x1000, s14  }
.Ltmp6:
0x44: {  	(pc) =	sbr.rel .LBB1_9-.Ltmp6, $4  }
0x45: {  	_ = 	snop  }
0x46: {  	s12 =	sshll.u32 s12, $0x9  }
0x47: {  	s12 =	sadd.s32 s4, s12  }
0x48: {  	[hbm4b:s12+s8] =	stream.linear.scatter [tilespmem:s15], [sflag:$0x2], $0x4000, $0x38;
	[tilespmem:$0x10000] =	vst v63  }
.LBB1_10:
0x49: {  	_ =	sfence.sel $0x180000  }
0x4a: {  	s2 =	simm.s32 $0x1;
	[bflag:$0x0] =	sbarrier.arrive $0xFFFF  }
0x4b: {  	s31 =	simm.s32 $0x2;
	[sflag:s2] =	ssyncpa.u1 $0x1  }
0x4c: {  	[sflag:s31] =	ssyncpa.u1 $0x1  }
0x4d: {  	p0 =	sne.s32 s0, $0x0;
	_ =	strace $0x90000050  }
0x4e: {  	s0 =	sadd.s32 @!p0 $0x100000, s1;
	[bflag:$0x2] =	sbarrier.arrive $0xFFFF  }
0x4f: {  	[sflag:s0] =	ssyncadd.tile.s32 @!p0 $0x1;
	_ =	shalt  }
.Lfunc_end1:
_tile_overlayer_lowered:
.L_overlay_start_2:
0x50: {  	(tag) =	ssettag $0x2  }
0x51: {  	s0 =	rddreg [dreg:$0x0];
	s2 =	stileid.u32  }
0x52: {  	s1 =	rddreg [dreg:$0x1];
	p0 =	sne.s32 s2, $0x0  }
0x53: {  	s3 =	rddreg [dreg:$0x2];
	[bflag:$0x3] =	sbarrier.arrive $0xFFFF;
	s2 =	simm.s32 @!p0 $0x1C01  }
0x54: {  	[timem:s3], [sflag:s2] =	dma.local @!p0 [hbm:s0], s1  }
0x55: {  	s0 =	simm.s32 @!p0 $0x1  }
0x56: {  	_ =	swait.ge @!p0 [sflag:s0], s1  }
0x57: {  	s1 =	ssub.s32 @!p0 $0x0, s1;
	[sflag:s0] =	ssyncset.done @!p0 $0x0  }
0x58: {  	[sflag:s0] =	ssyncadd.s32 @!p0 s1  }
0x59: {  	[bflag:$0x3] =	sbarrier.arrive $0xFFFF  }
0x5a: {  	_ =	shalt  }

</sc_bundles>
